<compile_context>
chip_gen: v7x
topology: tpu7x:2x2x1
jax: 0.10.2.dev20260603
libtpu: 0.0.44.dev20260713+nightly
codegen_flags: <defaults>
</compile_context>

<pallas_src>
import jax
import jax.numpy as jnp
from jax import lax
from jax.experimental import pallas as pl
from jax.experimental.pallas import tpu as pltpu
from jax.experimental.pallas import tpu_sc as plsc

N = 10000
E = 320000
H = 128
S = 16
SH = 128

EBLK = 2560
NBLK = 2000

NW = 32
EPW = E // NW
GK = 80
GCH = EPW // GK


def _sc_mesh():
    return plsc.VectorSubcoreMesh(core_axis_name="c", subcore_axis_name="s")


def _gather_body(a_hbm, b_hbm, dst_hbm, src_hbm, g_hbm,
                 idxd0, idxd1, idxs0, idxs1, bufa0, bufa1, bufb0, bufb1,
                 isem0, isem1, gsem0, gsem1, wsem0, wsem1):
    wid = lax.axis_index("s") * 2 + lax.axis_index("c")
    idxd = (idxd0, idxd1)
    idxs = (idxs0, idxs1)
    bufa = (bufa0, bufa1)
    bufb = (bufb0, bufb1)
    isem = (isem0, isem1)
    gsem = (gsem0, gsem1)
    wsem = (wsem0, wsem1)

    def issue_idx(c, par):
        base = wid * EPW + c * GK
        pltpu.async_copy(dst_hbm.at[pl.ds(base, GK)], idxd[par], isem[par])
        pltpu.async_copy(src_hbm.at[pl.ds(base, GK)], idxs[par], isem[par])

    def one(c, par, prefetch):
        base = wid * EPW + c * GK
        pltpu.make_async_copy(dst_hbm.at[pl.ds(base, GK)], idxd[par], isem[par]).wait()
        pltpu.make_async_copy(src_hbm.at[pl.ds(base, GK)], idxs[par], isem[par]).wait()

        @pl.when(c >= 2)
        def _():
            pltpu.make_async_copy(bufa[par], g_hbm.at[pl.ds(base, GK)], wsem[par]).wait()

        ha = pltpu.async_copy(a_hbm.at[idxd[par]], bufa[par], gsem[par])
        hb = pltpu.async_copy(b_hbm.at[idxs[par]], bufb[par], gsem[par])
        ha.wait()
        hb.wait()

        def addrow(r, _):
            for j in range(SH // 16):
                sl = pl.ds(j * 16, 16)
                bufa[par][r, sl] = bufa[par][r, sl] + bufb[par][r, sl]
            return ()
        lax.fori_loop(0, GK, addrow, (), unroll=False)

        pltpu.async_copy(bufa[par], g_hbm.at[pl.ds(base, GK)], wsem[par])

        if prefetch:
            @pl.when(c + 2 < GCH)
            def _():
                issue_idx(c + 2, par)

    issue_idx(0, 0)
    issue_idx(1, 1)

    def dbl(t, _):
        one(2 * t, 0, True)
        one(2 * t + 1, 1, True)
        return ()

    lax.fori_loop(0, GCH // 2, dbl, (), unroll=False)
    if GCH % 2:
        one(GCH - 1, 0, False)

    for par in range(2):
        base = wid * EPW
        pltpu.make_async_copy(bufa[par], g_hbm.at[pl.ds(base, GK)], wsem[par]).wait()


def _sc_gather(a, b, dst, src):
    k = pl.kernel(
        _gather_body,
        mesh=_sc_mesh(),
        out_type=jax.ShapeDtypeStruct((E, SH), jnp.float32),
        scratch_types=[
            pltpu.VMEM((GK,), jnp.int32),
            pltpu.VMEM((GK,), jnp.int32),
            pltpu.VMEM((GK,), jnp.int32),
            pltpu.VMEM((GK,), jnp.int32),
            pltpu.VMEM((GK, SH), jnp.float32),
            pltpu.VMEM((GK, SH), jnp.float32),
            pltpu.VMEM((GK, SH), jnp.float32),
            pltpu.VMEM((GK, SH), jnp.float32),
            pltpu.SemaphoreType.DMA,
            pltpu.SemaphoreType.DMA,
            pltpu.SemaphoreType.DMA,
            pltpu.SemaphoreType.DMA,
            pltpu.SemaphoreType.DMA,
            pltpu.SemaphoreType.DMA,
        ],
    )
    return k(a, b, dst, src)


def _prep_body(h_ref, w1a_ref, w1b_ref, wv_ref, a_ref, b_ref, hv_ref):
    h = h_ref[...]
    a_ref[...] = jnp.dot(h, w1a_ref[...], preferred_element_type=jnp.float32)
    b_ref[...] = jnp.dot(h, w1b_ref[...], preferred_element_type=jnp.float32)
    hv_ref[...] = jnp.dot(h, wv_ref[...], preferred_element_type=jnp.float32)


def _prep(h, w1a, w1b, wv):
    grid = N // NBLK
    return pl.pallas_call(
        _prep_body,
        grid=(grid,),
        in_specs=[
            pl.BlockSpec((NBLK, H), lambda i: (i, 0)),
            pl.BlockSpec((H, SH), lambda i: (0, 0)),
            pl.BlockSpec((H, SH), lambda i: (0, 0)),
            pl.BlockSpec((H, H), lambda i: (0, 0)),
        ],
        out_specs=[
            pl.BlockSpec((NBLK, SH), lambda i: (i, 0)),
            pl.BlockSpec((NBLK, SH), lambda i: (i, 0)),
            pl.BlockSpec((NBLK, H), lambda i: (i, 0)),
        ],
        out_shape=[
            jax.ShapeDtypeStruct((N, SH), jnp.float32),
            jax.ShapeDtypeStruct((N, SH), jnp.float32),
            jax.ShapeDtypeStruct((N, H), jnp.float32),
        ],
    )(h, w1a, w1b, wv)


def _score_body(g_ref, rp_ref, w1r_ref, w2_ref, b2_ref, w3_ref, b3_ref,
                s_ref, gm_ref):
    i = pl.program_id(0)
    g = g_ref[...]
    rp = rp_ref[...]
    x1 = g + jnp.dot(rp, w1r_ref[...], preferred_element_type=jnp.float32)
    x1 = x1 * jax.nn.sigmoid(x1)
    x2 = jnp.dot(x1, w2_ref[...], preferred_element_type=jnp.float32) + b2_ref[...]
    x2 = x2 * jax.nn.sigmoid(x2)
    s = jnp.sum(x2 * w3_ref[...], axis=1, keepdims=True) + b3_ref[0, 0]
    s_ref[...] = jnp.broadcast_to(s, (EBLK, 16))

    @pl.when(i == 0)
    def _():
        gm_ref[...] = jnp.full((1, 128), -jnp.inf, jnp.float32)

    gm_ref[...] = jnp.maximum(gm_ref[...], jnp.max(s))


def _scores(g, rp_ext, w1r_ext, w2, b2, w3, b3):
    grid = E // EBLK
    return pl.pallas_call(
        _score_body,
        grid=(grid,),
        in_specs=[
            pl.BlockSpec((EBLK, SH), lambda i: (i, 0)),
            pl.BlockSpec((EBLK, 32), lambda i: (i, 0)),
            pl.BlockSpec((32, SH), lambda i: (0, 0)),
            pl.BlockSpec((SH, SH), lambda i: (0, 0)),
            pl.BlockSpec((1, SH), lambda i: (0, 0)),
            pl.BlockSpec((1, SH), lambda i: (0, 0)),
            pl.BlockSpec((1, 1), lambda i: (0, 0)),
        ],
        out_specs=[
            pl.BlockSpec((EBLK, 16), lambda i: (i, 0)),
            pl.BlockSpec((1, 128), lambda i: (0, 0)),
        ],
        out_shape=[
            jax.ShapeDtypeStruct((E, 16), jnp.float32),
            jax.ShapeDtypeStruct((1, 128), jnp.float32),
        ],
    )(g, rp_ext, w1r_ext, w2, b2, w3, b3)


NP = 10240
HX = H
ASTRIPE = NP // 16


def _agg_body(hv_hbm, src_hbm, dst_hbm, s_hbm, gm_hbm,
              num0_hbm, num1_hbm,
              src0, src1, dst0, dst1, sv0, sv1, rows0, rows1, gm_v, acc,
              isem0, isem1, gsem0, gsem1, ssem0, ssem1):
    ci = lax.axis_index("c")
    si = lax.axis_index("s")
    wid = si * 2 + ci
    srcv = (src0, src1)
    dstv = (dst0, dst1)
    sv = (sv0, sv1)
    rows = (rows0, rows1)
    isem = (isem0, isem1)
    gsem = (gsem0, gsem1)
    ssem = (ssem0, ssem1)

    pltpu.sync_copy(gm_hbm, gm_v)
    gv = gm_v[0, pl.ds(0, 16)]

    z16 = jnp.zeros((16,), jnp.float32)

    def zrow(r, _):
        for j in range(HX // 16):
            rows0[r, pl.ds(j * 16, 16)] = z16
        return ()
    lax.fori_loop(0, GK, zrow, (), unroll=False)

    arow = si * ASTRIPE
    for q in range(ASTRIPE // GK):
        pltpu.sync_copy(rows0, acc.at[pl.ds(arow + q * GK, GK)])
    plsc.subcore_barrier()

    def one(c, par):
        base = wid * EPW + c * GK

        @pl.when(c >= 2)
        def _():
            pltpu.make_async_copy(rows[par], acc.at[dstv[par]], ssem[par]).wait()

        pltpu.async_copy(src_hbm.at[pl.ds(base, GK)], srcv[par], isem[par])
        pltpu.async_copy(dst_hbm.at[pl.ds(base, GK)], dstv[par], isem[par])
        pltpu.async_copy(s_hbm.at[pl.ds(base, GK)], sv[par], isem[par])
        pltpu.make_async_copy(src_hbm.at[pl.ds(base, GK)], srcv[par], isem[par]).wait()
        pltpu.make_async_copy(dst_hbm.at[pl.ds(base, GK)], dstv[par], isem[par]).wait()
        pltpu.make_async_copy(s_hbm.at[pl.ds(base, GK)], sv[par], isem[par]).wait()

        pltpu.async_copy(hv_hbm.at[srcv[par]], rows[par], gsem[par]).wait()

        def scale(r, _):
            pr = jnp.exp(sv[par][r, pl.ds(0, 16)] - gv)
            for j in range(HX // 16):
                sl = pl.ds(j * 16, 16)
                rows[par][r, sl] = rows[par][r, sl] * pr
            return ()
        lax.fori_loop(0, GK, scale, (), unroll=False)

        pltpu.async_copy(rows[par], acc.at[dstv[par]], ssem[par], add=True)

    def dbl(t, _):
        one(2 * t, 0)
        one(2 * t + 1, 1)
        return ()

    lax.fori_loop(0, GCH // 2, dbl, (), unroll=False)
    if GCH % 2:
        one(GCH - 1, 0)
    for par in range(2):
        pltpu.make_async_copy(rows[par], acc.at[dstv[par]], ssem[par]).wait()
    plsc.subcore_barrier()

    @pl.when(ci == 0)
    def _():
        pltpu.sync_copy(acc.at[pl.ds(arow, ASTRIPE)],
                        num0_hbm.at[pl.ds(arow, ASTRIPE)])

    @pl.when(ci == 1)
    def _():
        pltpu.sync_copy(acc.at[pl.ds(arow, ASTRIPE)],
                        num1_hbm.at[pl.ds(arow, ASTRIPE)])


def _sc_aggregate(hvx, src, dst, s, gm):
    k = pl.kernel(
        _agg_body,
        mesh=_sc_mesh(),
        out_type=[
            jax.ShapeDtypeStruct((NP, HX), jnp.float32),
            jax.ShapeDtypeStruct((NP, HX), jnp.float32),
        ],
        scratch_types=[
            pltpu.VMEM((GK,), jnp.int32),
            pltpu.VMEM((GK,), jnp.int32),
            pltpu.VMEM((GK,), jnp.int32),
            pltpu.VMEM((GK,), jnp.int32),
            pltpu.VMEM((GK, 16), jnp.float32),
            pltpu.VMEM((GK, 16), jnp.float32),
            pltpu.VMEM((GK, HX), jnp.float32),
            pltpu.VMEM((GK, HX), jnp.float32),
            pltpu.VMEM((1, 128), jnp.float32),
            pltpu.VMEM_SHARED((NP, HX), jnp.float32),
            pltpu.SemaphoreType.DMA,
            pltpu.SemaphoreType.DMA,
            pltpu.SemaphoreType.DMA,
            pltpu.SemaphoreType.DMA,
            pltpu.SemaphoreType.DMA,
            pltpu.SemaphoreType.DMA,
        ],
    )
    return k(hvx, src, dst, s, gm)


def _den_body(dst_hbm, s_hbm, gm_hbm, den0_hbm, den1_hbm,
              dst0, dst1, sv0, sv1, prow0, prow1, gm_v, dacc,
              isem0, isem1, ssem0, ssem1):
    ci = lax.axis_index("c")
    si = lax.axis_index("s")
    wid = si * 2 + ci
    dstv = (dst0, dst1)
    sv = (sv0, sv1)
    prow = (prow0, prow1)
    isem = (isem0, isem1)
    ssem = (ssem0, ssem1)

    pltpu.sync_copy(gm_hbm, gm_v)
    gv = gm_v[0, pl.ds(0, 16)]

    z16 = jnp.zeros((16,), jnp.float32)

    def zrow(r, _):
        for j in range(H // 16):
            prow0[r, pl.ds(j * 16, 16)] = z16
            prow1[r, pl.ds(j * 16, 16)] = z16
        return ()
    lax.fori_loop(0, GK, zrow, (), unroll=False)

    arow = si * ASTRIPE
    for q in range(ASTRIPE // GK):
        pltpu.sync_copy(prow0, dacc.at[pl.ds(arow + q * GK, GK)])
    plsc.subcore_barrier()

    def one(c, par):
        base = wid * EPW + c * GK

        @pl.when(c >= 2)
        def _():
            pltpu.make_async_copy(prow[par], dacc.at[dstv[par]], ssem[par]).wait()

        pltpu.async_copy(dst_hbm.at[pl.ds(base, GK)], dstv[par], isem[par])
        pltpu.async_copy(s_hbm.at[pl.ds(base, GK)], sv[par], isem[par])
        pltpu.make_async_copy(dst_hbm.at[pl.ds(base, GK)], dstv[par], isem[par]).wait()
        pltpu.make_async_copy(s_hbm.at[pl.ds(base, GK)], sv[par], isem[par]).wait()

        def mkrow(r, _):
            prow[par][r, pl.ds(0, 16)] = jnp.exp(sv[par][r, pl.ds(0, 16)] - gv)
            return ()
        lax.fori_loop(0, GK, mkrow, (), unroll=False)

        pltpu.async_copy(prow[par], dacc.at[dstv[par]], ssem[par], add=True)

    def dbl(t, _):
        one(2 * t, 0)
        one(2 * t + 1, 1)
        return ()

    lax.fori_loop(0, GCH // 2, dbl, (), unroll=False)
    if GCH % 2:
        one(GCH - 1, 0)
    for par in range(2):
        pltpu.make_async_copy(prow[par], dacc.at[dstv[par]], ssem[par]).wait()
    plsc.subcore_barrier()

    @pl.when(ci == 0)
    def _():
        pltpu.sync_copy(dacc.at[pl.ds(arow, ASTRIPE)],
                        den0_hbm.at[pl.ds(arow, ASTRIPE)])

    @pl.when(ci == 1)
    def _():
        pltpu.sync_copy(dacc.at[pl.ds(arow, ASTRIPE)],
                        den1_hbm.at[pl.ds(arow, ASTRIPE)])


def _sc_den(dst, s16, gm):
    k = pl.kernel(
        _den_body,
        mesh=_sc_mesh(),
        out_type=[
            jax.ShapeDtypeStruct((NP, H), jnp.float32),
            jax.ShapeDtypeStruct((NP, H), jnp.float32),
        ],
        scratch_types=[
            pltpu.VMEM((GK,), jnp.int32),
            pltpu.VMEM((GK,), jnp.int32),
            pltpu.VMEM((GK, 16), jnp.float32),
            pltpu.VMEM((GK, 16), jnp.float32),
            pltpu.VMEM((GK, H), jnp.float32),
            pltpu.VMEM((GK, H), jnp.float32),
            pltpu.VMEM((1, 128), jnp.float32),
            pltpu.VMEM_SHARED((NP, H), jnp.float32),
            pltpu.SemaphoreType.DMA,
            pltpu.SemaphoreType.DMA,
            pltpu.SemaphoreType.DMA,
            pltpu.SemaphoreType.DMA,
        ],
    )
    return k(dst, s16, gm)


def _final_body(h_ref, n0_ref, n1_ref, d0_ref, d1_ref, o_ref):
    num = n0_ref[...] + n1_ref[...]
    den = d0_ref[:, :1] + d1_ref[:, :1] + 1e-12
    o_ref[...] = h_ref[...] + num / den


def _final(h, num0, num1, den0, den1):
    grid = N // NBLK
    return pl.pallas_call(
        _final_body,
        grid=(grid,),
        in_specs=[
            pl.BlockSpec((NBLK, H), lambda i: (i, 0)),
            pl.BlockSpec((NBLK, H), lambda i: (i, 0)),
            pl.BlockSpec((NBLK, H), lambda i: (i, 0)),
            pl.BlockSpec((NBLK, H), lambda i: (i, 0)),
            pl.BlockSpec((NBLK, H), lambda i: (i, 0)),
        ],
        out_specs=pl.BlockSpec((NBLK, H), lambda i: (i, 0)),
        out_shape=jax.ShapeDtypeStruct((N, H), jnp.float32),
    )(h, num0, num1, den0, den1)


def kernel(h, edge_index, rel_pos, distance, W1, b1, W2, b2, W3, b3, Wv):
    dst = edge_index[0]
    src = edge_index[1]

    a, b, hv = _prep(h, W1[:H], W1[H:2 * H], Wv)

    ones = jnp.ones((E, 1), jnp.float32)
    zeros = jnp.zeros((E, 32 - S - 2), jnp.float32)
    rp_ext = jnp.concatenate([rel_pos, distance, ones, zeros], axis=1)
    w1r_ext = jnp.concatenate(
        [W1[2 * H:], b1[None, :], jnp.zeros((32 - S - 2, SH), jnp.float32)], axis=0)

    g = _sc_gather(a, b, dst, src)
    s16, gm = _scores(g, rp_ext, w1r_ext, W2, b2[None, :], W3.T, b3[None, :])

    num0, num1 = _sc_aggregate(hv, src, dst, s16, gm)
    den0, den1 = _sc_den(dst, s16, gm)
    return _final(h, num0, num1, den0, den1)

# --- scband reference (transcript-rebuilt; emitter-appended) ---
"""Pipeline reference for scband-golalayer-31997506355866 (READ-ONLY COPY).

The authoritative reference and input builder live on the scoring server;
editing this copy changes nothing except your own understanding.
"""

import jax, jax.numpy as jnp
import numpy as np

N = 10000
E = 320000
H = 128
S = 16
SH = 128
INPUT_DIM = 2 * H + S + 1


def setup_inputs(seed: int = 0) -> dict:
    key = jax.random.key(seed)
    ks = jax.random.split(key, 12)
    h = jax.random.normal(ks[0], (N, H), dtype=jnp.float32)
    edge_index = jax.random.randint(ks[1], (2, E), 0, N)
    rel_pos = jax.random.normal(ks[2], (E, S), dtype=jnp.float32)
    distance = jax.random.uniform(ks[3], (E, 1), dtype=jnp.float32)
    W1 = jax.random.normal(ks[4], (INPUT_DIM, SH), dtype=jnp.float32) * (1.0 / np.sqrt(INPUT_DIM))
    b1 = jnp.zeros((SH,), dtype=jnp.float32)
    W2 = jax.random.normal(ks[5], (SH, SH), dtype=jnp.float32) * (1.0 / np.sqrt(SH))
    b2 = jnp.zeros((SH,), dtype=jnp.float32)
    W3 = jax.random.normal(ks[6], (SH, 1), dtype=jnp.float32) * (1.0 / np.sqrt(SH))
    b3 = jnp.zeros((1,), dtype=jnp.float32)
    Wv = jax.random.normal(ks[7], (H, H), dtype=jnp.float32) * (1.0 / np.sqrt(H))
    return {"h": h, "edge_index": edge_index, "rel_pos": rel_pos, "distance": distance,
            "W1": W1, "b1": b1, "W2": W2, "b2": b2, "W3": W3, "b3": b3, "Wv": Wv}


def reference(h, edge_index, rel_pos, distance, W1, b1, W2, b2, W3, b3, Wv):
    num_nodes = h.shape[0]
    dst = edge_index[0]
    src = edge_index[1]
    # edge feature: [h_dst, h_src, rel_pos, distance]
    edge_feat = jnp.concatenate([h[dst], h[src], rel_pos, distance], axis=-1)
    # score MLP: Linear-SiLU-Linear-SiLU-Linear
    x = jax.nn.silu(edge_feat @ W1 + b1)
    x = jax.nn.silu(x @ W2 + b2)
    scores = (x @ W3 + b3)[:, 0]
    # edge softmax over incoming edges per dst node
    max_per_dst = jax.ops.segment_max(scores, dst, num_segments=num_nodes)
    shifted = scores - max_per_dst[dst]
    exp_scores = jnp.exp(shifted)
    den = jax.ops.segment_sum(exp_scores, dst, num_segments=num_nodes)
    alpha = exp_scores / (den[dst] + 1e-12)
    # value projection and weighted message aggregation (scatter-add)
    msg = (h[src] @ Wv) * alpha[:, None]
    out = jnp.zeros_like(h).at[dst].add(msg)
    return h + out

if __name__ == "__main__":
    import jax
    _d = setup_inputs()
    print(jax.jit(kernel)(*tuple(_d.values())))

</pallas_src>

<mosaic_0001>
#map = affine_map<(d0, d1) -> (0, 0)>
#map1 = affine_map<(d0, d1) -> (0)>
module attributes {stable_mosaic.version = 14 : i64} {
  func.func @_agg_body(%arg0: i32, %arg1: i32, %arg2: memref<10000x128xf32, #tpu.memory_space<hbm>>, %arg3: memref<320000xi32, #tpu.memory_space<hbm>>, %arg4: memref<320000xi32, #tpu.memory_space<hbm>>, %arg5: memref<320000x16xf32, #tpu.memory_space<hbm>>, %arg6: memref<1x128xf32, #tpu.memory_space<hbm>>, %arg7: memref<10240x128xf32, #tpu.memory_space<hbm>>, %arg8: memref<10240x128xf32, #tpu.memory_space<hbm>>, %arg9: memref<80xi32, #tpu.memory_space<vmem>>, %arg10: memref<80xi32, #tpu.memory_space<vmem>>, %arg11: memref<80xi32, #tpu.memory_space<vmem>>, %arg12: memref<80xi32, #tpu.memory_space<vmem>>, %arg13: memref<80x16xf32, #tpu.memory_space<vmem>>, %arg14: memref<80x16xf32, #tpu.memory_space<vmem>>, %arg15: memref<80x128xf32, #tpu.memory_space<vmem>>, %arg16: memref<80x128xf32, #tpu.memory_space<vmem>>, %arg17: memref<1x128xf32, #tpu.memory_space<vmem>>, %arg18: memref<10240x128xf32, #tpu.memory_space<vmem_shared>>, %arg19: memref<!tpu.dma_semaphore, #tpu.memory_space<semaphore_mem>>, %arg20: memref<!tpu.dma_semaphore, #tpu.memory_space<semaphore_mem>>, %arg21: memref<!tpu.dma_semaphore, #tpu.memory_space<semaphore_mem>>, %arg22: memref<!tpu.dma_semaphore, #tpu.memory_space<semaphore_mem>>, %arg23: memref<!tpu.dma_semaphore, #tpu.memory_space<semaphore_mem>>, %arg24: memref<!tpu.dma_semaphore, #tpu.memory_space<semaphore_mem>>) attributes {dimension_semantics = [#tpu.dimension_semantics<core_parallel>, #tpu.dimension_semantics<subcore_parallel>], iteration_bounds = array<i64: 2, 16>, scalar_prefetch = 0 : i64, scratch_operands = 16 : i64, tpu.core_type = #tpu.core_type<sc_vector_subcore>, window_params = [{transform_indices = #map}, {transform_indices = #map1}, {transform_indices = #map1}, {transform_indices = #map}, {transform_indices = #map}, {transform_indices = #map}, {transform_indices = #map}]} {
    %mul3A = arith.constant 2 : i32
    %mul3A_0 = arith.muli %arg1, %mul3A : i32
    %add3A = arith.addi %mul3A_0, %arg0 : i32
    "tpu.region"() ({
      %run_scoped3A = tpu.sem_alloc : memref<!tpu.dma_semaphore, #tpu.memory_space<semaphore_mem>>
      tpu.enqueue_dma source(%arg6 : memref<1x128xf32, #tpu.memory_space<hbm>>) target(%arg17 : memref<1x128xf32, #tpu.memory_space<vmem>>) target_semaphore(%run_scoped3A : memref<!tpu.dma_semaphore, #tpu.memory_space<semaphore_mem>>)
      tpu.wait_dma2 semaphore(%run_scoped3A : memref<!tpu.dma_semaphore, #tpu.memory_space<semaphore_mem>>) src(%arg6 : memref<1x128xf32, #tpu.memory_space<hbm>>) dst(%arg17 : memref<1x128xf32, #tpu.memory_space<vmem>>)
      tpu.yield
    }) : () -> ()
    %get3A = arith.constant 0 : i32
    %get3A_1 = arith.index_cast %get3A : i32 to index
    %get3A_2 = arith.constant 0 : index
    %get3A_3 = tpu.vector_load %arg17[%get3A_1, %get3A_2] {strides = array<i32>} : memref<1x128xf32, #tpu.memory_space<vmem>>, vector<1x16xf32>,
    %get3A_4 = vector.shape_cast %get3A_3 : vector<1x16xf32> to vector<16xf32>
    %broadcast_in_dim3A = arith.constant 0.000000e+00 : f32
    %broadcast_in_dim3A_5 = vector.broadcast %broadcast_in_dim3A : f32 to vector<16xf32>
    %scan3A = arith.constant 0 : i32
    %scan3A_6 = arith.constant 80 : i32
    %scan3A_7 = arith.addi %scan3A, %scan3A_6 : i32
    %scan3A_8 = arith.constant 1 : i32
    scf.for %scan3A_82 = %scan3A to %scan3A_7 step %scan3A_8  : i32 {
      %swap3A = arith.index_cast %scan3A_82 : i32 to index
      %swap3A_83 = arith.constant 0 : index
      %swap3A_84 = tpu.vector_load %arg15[%swap3A, %swap3A_83] {strides = array<i32>} : memref<80x128xf32, #tpu.memory_space<vmem>>, vector<1x16xf32>,
      %swap3A_85 = vector.shape_cast %swap3A_84 : vector<1x16xf32> to vector<16xf32>
      %swap3A_86 = vector.shape_cast %broadcast_in_dim3A_5 : vector<16xf32> to vector<1x16xf32>
      tpu.vector_store %arg15[%swap3A, %swap3A_83], %swap3A_86 {strides = array<i32>} : memref<80x128xf32, #tpu.memory_space<vmem>>, vector<1x16xf32>,
      %swap3A_87 = arith.index_cast %scan3A_82 : i32 to index
      %swap3A_88 = arith.constant 16 : index
      %swap3A_89 = tpu.vector_load %arg15[%swap3A_87, %swap3A_88] {strides = array<i32>} : memref<80x128xf32, #tpu.memory_space<vmem>>, vector<1x16xf32>,
      %swap3A_90 = vector.shape_cast %swap3A_89 : vector<1x16xf32> to vector<16xf32>
      %swap3A_91 = vector.shape_cast %broadcast_in_dim3A_5 : vector<16xf32> to vector<1x16xf32>
      tpu.vector_store %arg15[%swap3A_87, %swap3A_88], %swap3A_91 {strides = array<i32>} : memref<80x128xf32, #tpu.memory_space<vmem>>, vector<1x16xf32>,
      %swap3A_92 = arith.index_cast %scan3A_82 : i32 to index
      %swap3A_93 = arith.constant 32 : index
      %swap3A_94 = tpu.vector_load %arg15[%swap3A_92, %swap3A_93] {strides = array<i32>} : memref<80x128xf32, #tpu.memory_space<vmem>>, vector<1x16xf32>,
      %swap3A_95 = vector.shape_cast %swap3A_94 : vector<1x16xf32> to vector<16xf32>
      %swap3A_96 = vector.shape_cast %broadcast_in_dim3A_5 : vector<16xf32> to vector<1x16xf32>
      tpu.vector_store %arg15[%swap3A_92, %swap3A_93], %swap3A_96 {strides = array<i32>} : memref<80x128xf32, #tpu.memory_space<vmem>>, vector<1x16xf32>,
      %swap3A_97 = arith.index_cast %scan3A_82 : i32 to index
      %swap3A_98 = arith.constant 48 : index
      %swap3A_99 = tpu.vector_load %arg15[%swap3A_97, %swap3A_98] {strides = array<i32>} : memref<80x128xf32, #tpu.memory_space<vmem>>, vector<1x16xf32>,
      %swap3A_100 = vector.shape_cast %swap3A_99 : vector<1x16xf32> to vector<16xf32>
      %swap3A_101 = vector.shape_cast %broadcast_in_dim3A_5 : vector<16xf32> to vector<1x16xf32>
      tpu.vector_store %arg15[%swap3A_97, %swap3A_98], %swap3A_101 {strides = array<i32>} : memref<80x128xf32, #tpu.memory_space<vmem>>, vector<1x16xf32>,
      %swap3A_102 = arith.index_cast %scan3A_82 : i32 to index
      %swap3A_103 = arith.constant 64 : index
      %swap3A_104 = tpu.vector_load %arg15[%swap3A_102, %swap3A_103] {strides = array<i32>} : memref<80x128xf32, #tpu.memory_space<vmem>>, vector<1x16xf32>,
      %swap3A_105 = vector.shape_cast %swap3A_104 : vector<1x16xf32> to vector<16xf32>
      %swap3A_106 = vector.shape_cast %broadcast_in_dim3A_5 : vector<16xf32> to vector<1x16xf32>
      tpu.vector_store %arg15[%swap3A_102, %swap3A_103], %swap3A_106 {strides = array<i32>} : memref<80x128xf32, #tpu.memory_space<vmem>>, vector<1x16xf32>,
      %swap3A_107 = arith.index_cast %scan3A_82 : i32 to index
      %swap3A_108 = arith.constant 80 : index
      %swap3A_109 = tpu.vector_load %arg15[%swap3A_107, %swap3A_108] {strides = array<i32>} : memref<80x128xf32, #tpu.memory_space<vmem>>, vector<1x16xf32>,
      %swap3A_110 = vector.shape_cast %swap3A_109 : vector<1x16xf32> to vector<16xf32>
      %swap3A_111 = vector.shape_cast %broadcast_in_dim3A_5 : vector<16xf32> to vector<1x16xf32>
      tpu.vector_store %arg15[%swap3A_107, %swap3A_108], %swap3A_111 {strides = array<i32>} : memref<80x128xf32, #tpu.memory_space<vmem>>, vector<1x16xf32>,
      %swap3A_112 = arith.index_cast %scan3A_82 : i32 to index
      %swap3A_113 = arith.constant 96 : index
      %swap3A_114 = tpu.vector_load %arg15[%swap3A_112, %swap3A_113] {strides = array<i32>} : memref<80x128xf32, #tpu.memory_space<vmem>>, vector<1x16xf32>,
      %swap3A_115 = vector.shape_cast %swap3A_114 : vector<1x16xf32> to vector<16xf32>
      %swap3A_116 = vector.shape_cast %broadcast_in_dim3A_5 : vector<16xf32> to vector<1x16xf32>
      tpu.vector_store %arg15[%swap3A_112, %swap3A_113], %swap3A_116 {strides = array<i32>} : memref<80x128xf32, #tpu.memory_space<vmem>>, vector<1x16xf32>,
      %swap3A_117 = arith.index_cast %scan3A_82 : i32 to index
      %swap3A_118 = arith.constant 112 : index
      %swap3A_119 = tpu.vector_load %arg15[%swap3A_117, %swap3A_118] {strides = array<i32>} : memref<80x128xf32, #tpu.memory_space<vmem>>, vector<1x16xf32>,
      %swap3A_120 = vector.shape_cast %swap3A_119 : vector<1x16xf32> to vector<16xf32>
      %swap3A_121 = vector.shape_cast %broadcast_in_dim3A_5 : vector<16xf32> to vector<1x16xf32>
      tpu.vector_store %arg15[%swap3A_117, %swap3A_118], %swap3A_121 {strides = array<i32>} : memref<80x128xf32, #tpu.memory_space<vmem>>, vector<1x16xf32>,
    }
    %scan3A_9 = arith.constant 80 : i32
    %mul3A_10 = arith.constant 640 : i32
    %mul3A_11 = arith.muli %arg1, %mul3A_10 : i32
    %add3A_12 = arith.constant 0 : i32
    %add3A_13 = arith.addi %mul3A_11, %add3A_12 : i32
    "tpu.region"() ({
      %run_scoped3A = tpu.sem_alloc : memref<!tpu.dma_semaphore, #tpu.memory_space<semaphore_mem>>
      %dma_start3A_82 = arith.constant 0 : i32
      %dma_start3A_83 = tpu.memref_slice %arg18[%add3A_13, %dma_start3A_82] : memref<10240x128xf32, #tpu.memory_space<vmem_shared>> -> memref<80x128xf32, #tpu.memory_space<vmem_shared>>
      %dma_start3A_84 = arith.constant 0 : i32
      %dma_start3A_85 = tpu.memref_slice %arg18[%add3A_13, %dma_start3A_84] : memref<10240x128xf32, #tpu.memory_space<vmem_shared>> -> memref<80x128xf32, #tpu.memory_space<vmem_shared>>
      tpu.enqueue_dma source(%arg15 : memref<80x128xf32, #tpu.memory_space<vmem>>) target(%dma_start3A_85 : memref<80x128xf32, #tpu.memory_space<vmem_shared>>) target_semaphore(%run_scoped3A : memref<!tpu.dma_semaphore, #tpu.memory_space<semaphore_mem>>)
      %dma_wait3A_86 = arith.constant 0 : i32
      %dma_wait3A_87 = tpu.memref_slice %arg18[%add3A_13, %dma_wait3A_86] : memref<10240x128xf32, #tpu.memory_space<vmem_shared>> -> memref<80x128xf32, #tpu.memory_space<vmem_shared>>
      %dma_wait3A_88 = arith.constant 0 : i32
      %dma_wait3A_89 = tpu.memref_slice %arg18[%add3A_13, %dma_wait3A_88] : memref<10240x128xf32, #tpu.memory_space<vmem_shared>> -> memref<80x128xf32, #tpu.memory_space<vmem_shared>>
      tpu.wait_dma2 semaphore(%run_scoped3A : memref<!tpu.dma_semaphore, #tpu.memory_space<semaphore_mem>>) src(%arg15 : memref<80x128xf32, #tpu.memory_space<vmem>>) dst(%dma_wait3A_89 : memref<80x128xf32, #tpu.memory_space<vmem_shared>>)
      tpu.yield
    }) : () -> ()
    %add3A_14 = arith.constant 80 : i32
    %add3A_15 = arith.addi %mul3A_11, %add3A_14 : i32
    "tpu.region"() ({
      %run_scoped3A = tpu.sem_alloc : memref<!tpu.dma_semaphore, #tpu.memory_space<semaphore_mem>>
      %dma_start3A_82 = arith.constant 0 : i32
      %dma_start3A_83 = tpu.memref_slice %arg18[%add3A_15, %dma_start3A_82] : memref<10240x128xf32, #tpu.memory_space<vmem_shared>> -> memref<80x128xf32, #tpu.memory_space<vmem_shared>>
      %dma_start3A_84 = arith.constant 0 : i32
      %dma_start3A_85 = tpu.memref_slice %arg18[%add3A_15, %dma_start3A_84] : memref<10240x128xf32, #tpu.memory_space<vmem_shared>> -> memref<80x128xf32, #tpu.memory_space<vmem_shared>>
      tpu.enqueue_dma source(%arg15 : memref<80x128xf32, #tpu.memory_space<vmem>>) target(%dma_start3A_85 : memref<80x128xf32, #tpu.memory_space<vmem_shared>>) target_semaphore(%run_scoped3A : memref<!tpu.dma_semaphore, #tpu.memory_space<semaphore_mem>>)
      %dma_wait3A_86 = arith.constant 0 : i32
      %dma_wait3A_87 = tpu.memref_slice %arg18[%add3A_15, %dma_wait3A_86] : memref<10240x128xf32, #tpu.memory_space<vmem_shared>> -> memref<80x128xf32, #tpu.memory_space<vmem_shared>>
      %dma_wait3A_88 = arith.constant 0 : i32
      %dma_wait3A_89 = tpu.memref_slice %arg18[%add3A_15, %dma_wait3A_88] : memref<10240x128xf32, #tpu.memory_space<vmem_shared>> -> memref<80x128xf32, #tpu.memory_space<vmem_shared>>
      tpu.wait_dma2 semaphore(%run_scoped3A : memref<!tpu.dma_semaphore, #tpu.memory_space<semaphore_mem>>) src(%arg15 : memref<80x128xf32, #tpu.memory_space<vmem>>) dst(%dma_wait3A_89 : memref<80x128xf32, #tpu.memory_space<vmem_shared>>)
      tpu.yield
    }) : () -> ()
    %add3A_16 = arith.constant 160 : i32
    %add3A_17 = arith.addi %mul3A_11, %add3A_16 : i32
    "tpu.region"() ({
      %run_scoped3A = tpu.sem_alloc : memref<!tpu.dma_semaphore, #tpu.memory_space<semaphore_mem>>
      %dma_start3A_82 = arith.constant 0 : i32
      %dma_start3A_83 = tpu.memref_slice %arg18[%add3A_17, %dma_start3A_82] : memref<10240x128xf32, #tpu.memory_space<vmem_shared>> -> memref<80x128xf32, #tpu.memory_space<vmem_shared>>
      %dma_start3A_84 = arith.constant 0 : i32
      %dma_start3A_85 = tpu.memref_slice %arg18[%add3A_17, %dma_start3A_84] : memref<10240x128xf32, #tpu.memory_space<vmem_shared>> -> memref<80x128xf32, #tpu.memory_space<vmem_shared>>
      tpu.enqueue_dma source(%arg15 : memref<80x128xf32, #tpu.memory_space<vmem>>) target(%dma_start3A_85 : memref<80x128xf32, #tpu.memory_space<vmem_shared>>) target_semaphore(%run_scoped3A : memref<!tpu.dma_semaphore, #tpu.memory_space<semaphore_mem>>)
      %dma_wait3A_86 = arith.constant 0 : i32
      %dma_wait3A_87 = tpu.memref_slice %arg18[%add3A_17, %dma_wait3A_86] : memref<10240x128xf32, #tpu.memory_space<vmem_shared>> -> memref<80x128xf32, #tpu.memory_space<vmem_shared>>
      %dma_wait3A_88 = arith.constant 0 : i32
      %dma_wait3A_89 = tpu.memref_slice %arg18[%add3A_17, %dma_wait3A_88] : memref<10240x128xf32, #tpu.memory_space<vmem_shared>> -> memref<80x128xf32, #tpu.memory_space<vmem_shared>>
      tpu.wait_dma2 semaphore(%run_scoped3A : memref<!tpu.dma_semaphore, #tpu.memory_space<semaphore_mem>>) src(%arg15 : memref<80x128xf32, #tpu.memory_space<vmem>>) dst(%dma_wait3A_89 : memref<80x128xf32, #tpu.memory_space<vmem_shared>>)
      tpu.yield
    }) : () -> ()
    %add3A_18 = arith.constant 240 : i32
    %add3A_19 = arith.addi %mul3A_11, %add3A_18 : i32
    "tpu.region"() ({
      %run_scoped3A = tpu.sem_alloc : memref<!tpu.dma_semaphore, #tpu.memory_space<semaphore_mem>>
      %dma_start3A_82 = arith.constant 0 : i32
      %dma_start3A_83 = tpu.memref_slice %arg18[%add3A_19, %dma_start3A_82] : memref<10240x128xf32, #tpu.memory_space<vmem_shared>> -> memref<80x128xf32, #tpu.memory_space<vmem_shared>>
      %dma_start3A_84 = arith.constant 0 : i32
      %dma_start3A_85 = tpu.memref_slice %arg18[%add3A_19, %dma_start3A_84] : memref<10240x128xf32, #tpu.memory_space<vmem_shared>> -> memref<80x128xf32, #tpu.memory_space<vmem_shared>>
      tpu.enqueue_dma source(%arg15 : memref<80x128xf32, #tpu.memory_space<vmem>>) target(%dma_start3A_85 : memref<80x128xf32, #tpu.memory_space<vmem_shared>>) target_semaphore(%run_scoped3A : memref<!tpu.dma_semaphore, #tpu.memory_space<semaphore_mem>>)
      %dma_wait3A_86 = arith.constant 0 : i32
      %dma_wait3A_87 = tpu.memref_slice %arg18[%add3A_19, %dma_wait3A_86] : memref<10240x128xf32, #tpu.memory_space<vmem_shared>> -> memref<80x128xf32, #tpu.memory_space<vmem_shared>>
      %dma_wait3A_88 = arith.constant 0 : i32
      %dma_wait3A_89 = tpu.memref_slice %arg18[%add3A_19, %dma_wait3A_88] : memref<10240x128xf32, #tpu.memory_space<vmem_shared>> -> memref<80x128xf32, #tpu.memory_space<vmem_shared>>
      tpu.wait_dma2 semaphore(%run_scoped3A : memref<!tpu.dma_semaphore, #tpu.memory_space<semaphore_mem>>) src(%arg15 : memref<80x128xf32, #tpu.memory_space<vmem>>) dst(%dma_wait3A_89 : memref<80x128xf32, #tpu.memory_space<vmem_shared>>)
      tpu.yield
    }) : () -> ()
    %add3A_20 = arith.constant 320 : i32
    %add3A_21 = arith.addi %mul3A_11, %add3A_20 : i32
    "tpu.region"() ({
      %run_scoped3A = tpu.sem_alloc : memref<!tpu.dma_semaphore, #tpu.memory_space<semaphore_mem>>
      %dma_start3A_82 = arith.constant 0 : i32
      %dma_start3A_83 = tpu.memref_slice %arg18[%add3A_21, %dma_start3A_82] : memref<10240x128xf32, #tpu.memory_space<vmem_shared>> -> memref<80x128xf32, #tpu.memory_space<vmem_shared>>
      %dma_start3A_84 = arith.constant 0 : i32
      %dma_start3A_85 = tpu.memref_slice %arg18[%add3A_21, %dma_start3A_84] : memref<10240x128xf32, #tpu.memory_space<vmem_shared>> -> memref<80x128xf32, #tpu.memory_space<vmem_shared>>
      tpu.enqueue_dma source(%arg15 : memref<80x128xf32, #tpu.memory_space<vmem>>) target(%dma_start3A_85 : memref<80x128xf32, #tpu.memory_space<vmem_shared>>) target_semaphore(%run_scoped3A : memref<!tpu.dma_semaphore, #tpu.memory_space<semaphore_mem>>)
      %dma_wait3A_86 = arith.constant 0 : i32
      %dma_wait3A_87 = tpu.memref_slice %arg18[%add3A_21, %dma_wait3A_86] : memref<10240x128xf32, #tpu.memory_space<vmem_shared>> -> memref<80x128xf32, #tpu.memory_space<vmem_shared>>
      %dma_wait3A_88 = arith.constant 0 : i32
      %dma_wait3A_89 = tpu.memref_slice %arg18[%add3A_21, %dma_wait3A_88] : memref<10240x128xf32, #tpu.memory_space<vmem_shared>> -> memref<80x128xf32, #tpu.memory_space<vmem_shared>>
      tpu.wait_dma2 semaphore(%run_scoped3A : memref<!tpu.dma_semaphore, #tpu.memory_space<semaphore_mem>>) src(%arg15 : memref<80x128xf32, #tpu.memory_space<vmem>>) dst(%dma_wait3A_89 : memref<80x128xf32, #tpu.memory_space<vmem_shared>>)
      tpu.yield
    }) : () -> ()
    %add3A_22 = arith.constant 400 : i32
    %add3A_23 = arith.addi %mul3A_11, %add3A_22 : i32
    "tpu.region"() ({
      %run_scoped3A = tpu.sem_alloc : memref<!tpu.dma_semaphore, #tpu.memory_space<semaphore_mem>>
      %dma_start3A_82 = arith.constant 0 : i32
      %dma_start3A_83 = tpu.memref_slice %arg18[%add3A_23, %dma_start3A_82] : memref<10240x128xf32, #tpu.memory_space<vmem_shared>> -> memref<80x128xf32, #tpu.memory_space<vmem_shared>>
      %dma_start3A_84 = arith.constant 0 : i32
      %dma_start3A_85 = tpu.memref_slice %arg18[%add3A_23, %dma_start3A_84] : memref<10240x128xf32, #tpu.memory_space<vmem_shared>> -> memref<80x128xf32, #tpu.memory_space<vmem_shared>>
      tpu.enqueue_dma source(%arg15 : memref<80x128xf32, #tpu.memory_space<vmem>>) target(%dma_start3A_85 : memref<80x128xf32, #tpu.memory_space<vmem_shared>>) target_semaphore(%run_scoped3A : memref<!tpu.dma_semaphore, #tpu.memory_space<semaphore_mem>>)
      %dma_wait3A_86 = arith.constant 0 : i32
      %dma_wait3A_87 = tpu.memref_slice %arg18[%add3A_23, %dma_wait3A_86] : memref<10240x128xf32, #tpu.memory_space<vmem_shared>> -> memref<80x128xf32, #tpu.memory_space<vmem_shared>>
      %dma_wait3A_88 = arith.constant 0 : i32
      %dma_wait3A_89 = tpu.memref_slice %arg18[%add3A_23, %dma_wait3A_88] : memref<10240x128xf32, #tpu.memory_space<vmem_shared>> -> memref<80x128xf32, #tpu.memory_space<vmem_shared>>
      tpu.wait_dma2 semaphore(%run_scoped3A : memref<!tpu.dma_semaphore, #tpu.memory_space<semaphore_mem>>) src(%arg15 : memref<80x128xf32, #tpu.memory_space<vmem>>) dst(%dma_wait3A_89 : memref<80x128xf32, #tpu.memory_space<vmem_shared>>)
      tpu.yield
    }) : () -> ()
    %add3A_24 = arith.constant 480 : i32
    %add3A_25 = arith.addi %mul3A_11, %add3A_24 : i32
    "tpu.region"() ({
      %run_scoped3A = tpu.sem_alloc : memref<!tpu.dma_semaphore, #tpu.memory_space<semaphore_mem>>
      %dma_start3A_82 = arith.constant 0 : i32
      %dma_start3A_83 = tpu.memref_slice %arg18[%add3A_25, %dma_start3A_82] : memref<10240x128xf32, #tpu.memory_space<vmem_shared>> -> memref<80x128xf32, #tpu.memory_space<vmem_shared>>
      %dma_start3A_84 = arith.constant 0 : i32
      %dma_start3A_85 = tpu.memref_slice %arg18[%add3A_25, %dma_start3A_84] : memref<10240x128xf32, #tpu.memory_space<vmem_shared>> -> memref<80x128xf32, #tpu.memory_space<vmem_shared>>
      tpu.enqueue_dma source(%arg15 : memref<80x128xf32, #tpu.memory_space<vmem>>) target(%dma_start3A_85 : memref<80x128xf32, #tpu.memory_space<vmem_shared>>) target_semaphore(%run_scoped3A : memref<!tpu.dma_semaphore, #tpu.memory_space<semaphore_mem>>)
      %dma_wait3A_86 = arith.constant 0 : i32
      %dma_wait3A_87 = tpu.memref_slice %arg18[%add3A_25, %dma_wait3A_86] : memref<10240x128xf32, #tpu.memory_space<vmem_shared>> -> memref<80x128xf32, #tpu.memory_space<vmem_shared>>
      %dma_wait3A_88 = arith.constant 0 : i32
      %dma_wait3A_89 = tpu.memref_slice %arg18[%add3A_25, %dma_wait3A_88] : memref<10240x128xf32, #tpu.memory_space<vmem_shared>> -> memref<80x128xf32, #tpu.memory_space<vmem_shared>>
      tpu.wait_dma2 semaphore(%run_scoped3A : memref<!tpu.dma_semaphore, #tpu.memory_space<semaphore_mem>>) src(%arg15 : memref<80x128xf32, #tpu.memory_space<vmem>>) dst(%dma_wait3A_89 : memref<80x128xf32, #tpu.memory_space<vmem_shared>>)
      tpu.yield
    }) : () -> ()
    %add3A_26 = arith.constant 560 : i32
    %add3A_27 = arith.addi %mul3A_11, %add3A_26 : i32
    "tpu.region"() ({
      %run_scoped3A = tpu.sem_alloc : memref<!tpu.dma_semaphore, #tpu.memory_space<semaphore_mem>>
      %dma_start3A_82 = arith.constant 0 : i32
      %dma_start3A_83 = tpu.memref_slice %arg18[%add3A_27, %dma_start3A_82] : memref<10240x128xf32, #tpu.memory_space<vmem_shared>> -> memref<80x128xf32, #tpu.memory_space<vmem_shared>>
      %dma_start3A_84 = arith.constant 0 : i32
      %dma_start3A_85 = tpu.memref_slice %arg18[%add3A_27, %dma_start3A_84] : memref<10240x128xf32, #tpu.memory_space<vmem_shared>> -> memref<80x128xf32, #tpu.memory_space<vmem_shared>>
      tpu.enqueue_dma source(%arg15 : memref<80x128xf32, #tpu.memory_space<vmem>>) target(%dma_start3A_85 : memref<80x128xf32, #tpu.memory_space<vmem_shared>>) target_semaphore(%run_scoped3A : memref<!tpu.dma_semaphore, #tpu.memory_space<semaphore_mem>>)
      %dma_wait3A_86 = arith.constant 0 : i32
      %dma_wait3A_87 = tpu.memref_slice %arg18[%add3A_27, %dma_wait3A_86] : memref<10240x128xf32, #tpu.memory_space<vmem_shared>> -> memref<80x128xf32, #tpu.memory_space<vmem_shared>>
      %dma_wait3A_88 = arith.constant 0 : i32
      %dma_wait3A_89 = tpu.memref_slice %arg18[%add3A_27, %dma_wait3A_88] : memref<10240x128xf32, #tpu.memory_space<vmem_shared>> -> memref<80x128xf32, #tpu.memory_space<vmem_shared>>
      tpu.wait_dma2 semaphore(%run_scoped3A : memref<!tpu.dma_semaphore, #tpu.memory_space<semaphore_mem>>) src(%arg15 : memref<80x128xf32, #tpu.memory_space<vmem>>) dst(%dma_wait3A_89 : memref<80x128xf32, #tpu.memory_space<vmem_shared>>)
      tpu.yield
    }) : () -> ()
    %barrier3A = arith.constant 0 : index
    tpu.barrier barrier_id(%barrier3A)
    %scan3A_28 = arith.constant 0 : i32
    %scan3A_29 = arith.constant 62 : i32
    %scan3A_30 = arith.addi %scan3A_28, %scan3A_29 : i32
    %scan3A_31 = arith.constant 1 : i32
    scf.for %scan3A_82 = %scan3A_28 to %scan3A_30 step %scan3A_31  : i32 {
      %mul3A_83 = arith.constant 2 : i32
      %mul3A_84 = arith.muli %mul3A_83, %scan3A_82 : i32
      %mul3A_85 = arith.constant 10000 : i32
      %mul3A_86 = arith.muli %add3A, %mul3A_85 : i32
      %mul3A_87 = arith.constant 80 : i32
      %mul3A_88 = arith.muli %mul3A_84, %mul3A_87 : i32
      %add3A_89 = arith.addi %mul3A_86, %mul3A_88 : i32
      %ge3A = arith.constant 2 : i32
      %ge3A_90 = arith.cmpi sge, %mul3A_84, %ge3A : i32
      %convert_element_type3A_91 = arith.extui %ge3A_90 : i1 to i32
      %cond3A_92 = arith.constant 0 : i32
      %cond3A_93 = arith.cmpi ne, %convert_element_type3A_91, %cond3A_92 : i32
      scf.if %cond3A_93 {
        %dma_wait3A_168 = arith.constant 0 : i32
        %dma_wait3A_169 = arith.constant 0 : i32
        %dma_wait3A_170 = tpu.memref_slice %arg18[%dma_wait3A_168, %dma_wait3A_169] : memref<10240x128xf32, #tpu.memory_space<vmem_shared>> -> memref<10240x128xf32, #tpu.memory_space<vmem_shared>>
        tpu.wait_indirect_dma semaphore(%arg23 : memref<!tpu.dma_semaphore, #tpu.memory_space<semaphore_mem>>) src(%arg15 : memref<80x128xf32, #tpu.memory_space<vmem>>) dst(%dma_wait3A_170 : memref<10240x128xf32, #tpu.memory_space<vmem_shared>>)
      } else {
      }
      %dma_start3A_94 = tpu.memref_slice %arg3[%add3A_89] : memref<320000xi32, #tpu.memory_space<hbm>> -> memref<80xi32, #tpu.memory_space<hbm>>
      %dma_start3A_95 = tpu.memref_slice %arg3[%add3A_89] : memref<320000xi32, #tpu.memory_space<hbm>> -> memref<80xi32, #tpu.memory_space<hbm>>
      tpu.enqueue_dma source(%dma_start3A_95 : memref<80xi32, #tpu.memory_space<hbm>>) target(%arg9 : memref<80xi32, #tpu.memory_space<vmem>>) target_semaphore(%arg19 : memref<!tpu.dma_semaphore, #tpu.memory_space<semaphore_mem>>)
      %dma_start3A_96 = tpu.memref_slice %arg4[%add3A_89] : memref<320000xi32, #tpu.memory_space<hbm>> -> memref<80xi32, #tpu.memory_space<hbm>>
      %dma_start3A_97 = tpu.memref_slice %arg4[%add3A_89] : memref<320000xi32, #tpu.memory_space<hbm>> -> memref<80xi32, #tpu.memory_space<hbm>>
      tpu.enqueue_dma source(%dma_start3A_97 : memref<80xi32, #tpu.memory_space<hbm>>) target(%arg11 : memref<80xi32, #tpu.memory_space<vmem>>) target_semaphore(%arg19 : memref<!tpu.dma_semaphore, #tpu.memory_space<semaphore_mem>>)
      %dma_start3A_98 = arith.constant 0 : i32
      %dma_start3A_99 = tpu.memref_slice %arg5[%add3A_89, %dma_start3A_98] : memref<320000x16xf32, #tpu.memory_space<hbm>> -> memref<80x16xf32, #tpu.memory_space<hbm>>
      %dma_start3A_100 = arith.constant 0 : i32
      %dma_start3A_101 = tpu.memref_slice %arg5[%add3A_89, %dma_start3A_100] : memref<320000x16xf32, #tpu.memory_space<hbm>> -> memref<80x16xf32, #tpu.memory_space<hbm>>
      tpu.enqueue_dma source(%dma_start3A_101 : memref<80x16xf32, #tpu.memory_space<hbm>>) target(%arg13 : memref<80x16xf32, #tpu.memory_space<vmem>>) target_semaphore(%arg19 : memref<!tpu.dma_semaphore, #tpu.memory_space<semaphore_mem>>)
      %dma_wait3A_102 = tpu.memref_slice %arg3[%add3A_89] : memref<320000xi32, #tpu.memory_space<hbm>> -> memref<80xi32, #tpu.memory_space<hbm>>
      %dma_wait3A_103 = tpu.memref_slice %arg3[%add3A_89] : memref<320000xi32, #tpu.memory_space<hbm>> -> memref<80xi32, #tpu.memory_space<hbm>>
      tpu.wait_dma2 semaphore(%arg19 : memref<!tpu.dma_semaphore, #tpu.memory_space<semaphore_mem>>) src(%dma_wait3A_103 : memref<80xi32, #tpu.memory_space<hbm>>) dst(%arg9 : memref<80xi32, #tpu.memory_space<vmem>>)
      %dma_wait3A_104 = tpu.memref_slice %arg4[%add3A_89] : memref<320000xi32, #tpu.memory_space<hbm>> -> memref<80xi32, #tpu.memory_space<hbm>>
      %dma_wait3A_105 = tpu.memref_slice %arg4[%add3A_89] : memref<320000xi32, #tpu.memory_space<hbm>> -> memref<80xi32, #tpu.memory_space<hbm>>
      tpu.wait_dma2 semaphore(%arg19 : memref<!tpu.dma_semaphore, #tpu.memory_space<semaphore_mem>>) src(%dma_wait3A_105 : memref<80xi32, #tpu.memory_space<hbm>>) dst(%arg11 : memref<80xi32, #tpu.memory_space<vmem>>)
      %dma_wait3A_106 = arith.constant 0 : i32
      %dma_wait3A_107 = tpu.memref_slice %arg5[%add3A_89, %dma_wait3A_106] : memref<320000x16xf32, #tpu.memory_space<hbm>> -> memref<80x16xf32, #tpu.memory_space<hbm>>
      %dma_wait3A_108 = arith.constant 0 : i32
      %dma_wait3A_109 = tpu.memref_slice %arg5[%add3A_89, %dma_wait3A_108] : memref<320000x16xf32, #tpu.memory_space<hbm>> -> memref<80x16xf32, #tpu.memory_space<hbm>>
      tpu.wait_dma2 semaphore(%arg19 : memref<!tpu.dma_semaphore, #tpu.memory_space<semaphore_mem>>) src(%dma_wait3A_109 : memref<80x16xf32, #tpu.memory_space<hbm>>) dst(%arg13 : memref<80x16xf32, #tpu.memory_space<vmem>>)
      %dma_start3A_110 = arith.constant 0 : i32
      %dma_start3A_111 = arith.constant 0 : i32
      %dma_start3A_112 = tpu.memref_slice %arg2[%dma_start3A_110, %dma_start3A_111] : memref<10000x128xf32, #tpu.memory_space<hbm>> -> memref<10000x128xf32, #tpu.memory_space<hbm>>
      tpu.enqueue_indirect_dma source(%dma_start3A_112 : memref<10000x128xf32, #tpu.memory_space<hbm>>) target(%arg15 : memref<80x128xf32, #tpu.memory_space<vmem>>) offsets(%arg9 : memref<80xi32, #tpu.memory_space<vmem>>) semaphore(%arg21 : memref<!tpu.dma_semaphore, #tpu.memory_space<semaphore_mem>>)
      %dma_wait3A_113 = arith.constant 0 : i32
      %dma_wait3A_114 = arith.constant 0 : i32
      %dma_wait3A_115 = tpu.memref_slice %arg2[%dma_wait3A_113, %dma_wait3A_114] : memref<10000x128xf32, #tpu.memory_space<hbm>> -> memref<10000x128xf32, #tpu.memory_space<hbm>>
      tpu.wait_indirect_dma semaphore(%arg21 : memref<!tpu.dma_semaphore, #tpu.memory_space<semaphore_mem>>) src(%dma_wait3A_115 : memref<10000x128xf32, #tpu.memory_space<hbm>>) dst(%arg15 : memref<80x128xf32, #tpu.memory_space<vmem>>)
      %scan3A_116 = arith.constant 0 : i32
      %scan3A_117 = arith.constant 80 : i32
      %scan3A_118 = arith.addi %scan3A_116, %scan3A_117 : i32
      %scan3A_119 = arith.constant 1 : i32
      scf.for %scan3A_168 = %scan3A_116 to %scan3A_118 step %scan3A_119  : i32 {
        %get3A_169 = arith.index_cast %scan3A_168 : i32 to index
        %get3A_170 = arith.constant 0 : index
        %get3A_171 = tpu.vector_load %arg13[%get3A_169, %get3A_170] {strides = array<i32>} : memref<80x16xf32, #tpu.memory_space<vmem>>, vector<1x16xf32>,
        %get3A_172 = vector.shape_cast %get3A_171 : vector<1x16xf32> to vector<16xf32>
        %sub3A = arith.subf %get3A_172, %get3A_4 : vector<16xf32>
        %exp3A = math.exp %sub3A : vector<16xf32>
        %get3A_173 = arith.index_cast %scan3A_168 : i32 to index
        %get3A_174 = arith.constant 0 : index
        %get3A_175 = tpu.vector_load %arg15[%get3A_173, %get3A_174] {strides = array<i32>} : memref<80x128xf32, #tpu.memory_space<vmem>>, vector<1x16xf32>,
        %get3A_176 = vector.shape_cast %get3A_175 : vector<1x16xf32> to vector<16xf32>
        %mul3A_177 = arith.mulf %get3A_176, %exp3A : vector<16xf32>
        %swap3A = arith.index_cast %scan3A_168 : i32 to index
        %swap3A_178 = arith.constant 0 : index
        %swap3A_179 = tpu.vector_load %arg15[%swap3A, %swap3A_178] {strides = array<i32>} : memref<80x128xf32, #tpu.memory_space<vmem>>, vector<1x16xf32>,
        %swap3A_180 = vector.shape_cast %swap3A_179 : vector<1x16xf32> to vector<16xf32>
        %swap3A_181 = vector.shape_cast %mul3A_177 : vector<16xf32> to vector<1x16xf32>
        tpu.vector_store %arg15[%swap3A, %swap3A_178], %swap3A_181 {strides = array<i32>} : memref<80x128xf32, #tpu.memory_space<vmem>>, vector<1x16xf32>,
        %get3A_182 = arith.index_cast %scan3A_168 : i32 to index
        %get3A_183 = arith.constant 16 : index
        %get3A_184 = tpu.vector_load %arg15[%get3A_182, %get3A_183] {strides = array<i32>} : memref<80x128xf32, #tpu.memory_space<vmem>>, vector<1x16xf32>,
        %get3A_185 = vector.shape_cast %get3A_184 : vector<1x16xf32> to vector<16xf32>
        %mul3A_186 = arith.mulf %get3A_185, %exp3A : vector<16xf32>
        %swap3A_187 = arith.index_cast %scan3A_168 : i32 to index
        %swap3A_188 = arith.constant 16 : index
        %swap3A_189 = tpu.vector_load %arg15[%swap3A_187, %swap3A_188] {strides = array<i32>} : memref<80x128xf32, #tpu.memory_space<vmem>>, vector<1x16xf32>,
        %swap3A_190 = vector.shape_cast %swap3A_189 : vector<1x16xf32> to vector<16xf32>
        %swap3A_191 = vector.shape_cast %mul3A_186 : vector<16xf32> to vector<1x16xf32>
        tpu.vector_store %arg15[%swap3A_187, %swap3A_188], %swap3A_191 {strides = array<i32>} : memref<80x128xf32, #tpu.memory_space<vmem>>, vector<1x16xf32>,
        %get3A_192 = arith.index_cast %scan3A_168 : i32 to index
        %get3A_193 = arith.constant 32 : index
        %get3A_194 = tpu.vector_load %arg15[%get3A_192, %get3A_193] {strides = array<i32>} : memref<80x128xf32, #tpu.memory_space<vmem>>, vector<1x16xf32>,
        %get3A_195 = vector.shape_cast %get3A_194 : vector<1x16xf32> to vector<16xf32>
        %mul3A_196 = arith.mulf %get3A_195, %exp3A : vector<16xf32>
        %swap3A_197 = arith.index_cast %scan3A_168 : i32 to index
        %swap3A_198 = arith.constant 32 : index
        %swap3A_199 = tpu.vector_load %arg15[%swap3A_197, %swap3A_198] {strides = array<i32>} : memref<80x128xf32, #tpu.memory_space<vmem>>, vector<1x16xf32>,
        %swap3A_200 = vector.shape_cast %swap3A_199 : vector<1x16xf32> to vector<16xf32>
        %swap3A_201 = vector.shape_cast %mul3A_196 : vector<16xf32> to vector<1x16xf32>
        tpu.vector_store %arg15[%swap3A_197, %swap3A_198], %swap3A_201 {strides = array<i32>} : memref<80x128xf32, #tpu.memory_space<vmem>>, vector<1x16xf32>,
        %get3A_202 = arith.index_cast %scan3A_168 : i32 to index
        %get3A_203 = arith.constant 48 : index
        %get3A_204 = tpu.vector_load %arg15[%get3A_202, %get3A_203] {strides = array<i32>} : memref<80x128xf32, #tpu.memory_space<vmem>>, vector<1x16xf32>,
        %get3A_205 = vector.shape_cast %get3A_204 : vector<1x16xf32> to vector<16xf32>
        %mul3A_206 = arith.mulf %get3A_205, %exp3A : vector<16xf32>
        %swap3A_207 = arith.index_cast %scan3A_168 : i32 to index
        %swap3A_208 = arith.constant 48 : index
        %swap3A_209 = tpu.vector_load %arg15[%swap3A_207, %swap3A_208] {strides = array<i32>} : memref<80x128xf32, #tpu.memory_space<vmem>>, vector<1x16xf32>,
        %swap3A_210 = vector.shape_cast %swap3A_209 : vector<1x16xf32> to vector<16xf32>
        %swap3A_211 = vector.shape_cast %mul3A_206 : vector<16xf32> to vector<1x16xf32>
        tpu.vector_store %arg15[%swap3A_207, %swap3A_208], %swap3A_211 {strides = array<i32>} : memref<80x128xf32, #tpu.memory_space<vmem>>, vector<1x16xf32>,
        %get3A_212 = arith.index_cast %scan3A_168 : i32 to index
        %get3A_213 = arith.constant 64 : index
        %get3A_214 = tpu.vector_load %arg15[%get3A_212, %get3A_213] {strides = array<i32>} : memref<80x128xf32, #tpu.memory_space<vmem>>, vector<1x16xf32>,
        %get3A_215 = vector.shape_cast %get3A_214 : vector<1x16xf32> to vector<16xf32>
        %mul3A_216 = arith.mulf %get3A_215, %exp3A : vector<16xf32>
        %swap3A_217 = arith.index_cast %scan3A_168 : i32 to index
        %swap3A_218 = arith.constant 64 : index
        %swap3A_219 = tpu.vector_load %arg15[%swap3A_217, %swap3A_218] {strides = array<i32>} : memref<80x128xf32, #tpu.memory_space<vmem>>, vector<1x16xf32>,
        %swap3A_220 = vector.shape_cast %swap3A_219 : vector<1x16xf32> to vector<16xf32>
        %swap3A_221 = vector.shape_cast %mul3A_216 : vector<16xf32> to vector<1x16xf32>
        tpu.vector_store %arg15[%swap3A_217, %swap3A_218], %swap3A_221 {strides = array<i32>} : memref<80x128xf32, #tpu.memory_space<vmem>>, vector<1x16xf32>,
        %get3A_222 = arith.index_cast %scan3A_168 : i32 to index
        %get3A_223 = arith.constant 80 : index
        %get3A_224 = tpu.vector_load %arg15[%get3A_222, %get3A_223] {strides = array<i32>} : memref<80x128xf32, #tpu.memory_space<vmem>>, vector<1x16xf32>,
        %get3A_225 = vector.shape_cast %get3A_224 : vector<1x16xf32> to vector<16xf32>
        %mul3A_226 = arith.mulf %get3A_225, %exp3A : vector<16xf32>
        %swap3A_227 = arith.index_cast %scan3A_168 : i32 to index
        %swap3A_228 = arith.constant 80 : index
        %swap3A_229 = tpu.vector_load %arg15[%swap3A_227, %swap3A_228] {strides = array<i32>} : memref<80x128xf32, #tpu.memory_space<vmem>>, vector<1x16xf32>,
        %swap3A_230 = vector.shape_cast %swap3A_229 : vector<1x16xf32> to vector<16xf32>
        %swap3A_231 = vector.shape_cast %mul3A_226 : vector<16xf32> to vector<1x16xf32>
        tpu.vector_store %arg15[%swap3A_227, %swap3A_228], %swap3A_231 {strides = array<i32>} : memref<80x128xf32, #tpu.memory_space<vmem>>, vector<1x16xf32>,
        %get3A_232 = arith.index_cast %scan3A_168 : i32 to index
        %get3A_233 = arith.constant 96 : index
        %get3A_234 = tpu.vector_load %arg15[%get3A_232, %get3A_233] {strides = array<i32>} : memref<80x128xf32, #tpu.memory_space<vmem>>, vector<1x16xf32>,
        %get3A_235 = vector.shape_cast %get3A_234 : vector<1x16xf32> to vector<16xf32>
        %mul3A_236 = arith.mulf %get3A_235, %exp3A : vector<16xf32>
        %swap3A_237 = arith.index_cast %scan3A_168 : i32 to index
        %swap3A_238 = arith.constant 96 : index
        %swap3A_239 = tpu.vector_load %arg15[%swap3A_237, %swap3A_238] {strides = array<i32>} : memref<80x128xf32, #tpu.memory_space<vmem>>, vector<1x16xf32>,
        %swap3A_240 = vector.shape_cast %swap3A_239 : vector<1x16xf32> to vector<16xf32>
        %swap3A_241 = vector.shape_cast %mul3A_236 : vector<16xf32> to vector<1x16xf32>
        tpu.vector_store %arg15[%swap3A_237, %swap3A_238], %swap3A_241 {strides = array<i32>} : memref<80x128xf32, #tpu.memory_space<vmem>>, vector<1x16xf32>,
        %get3A_242 = arith.index_cast %scan3A_168 : i32 to index
        %get3A_243 = arith.constant 112 : index
        %get3A_244 = tpu.vector_load %arg15[%get3A_242, %get3A_243] {strides = array<i32>} : memref<80x128xf32, #tpu.memory_space<vmem>>, vector<1x16xf32>,
        %get3A_245 = vector.shape_cast %get3A_244 : vector<1x16xf32> to vector<16xf32>
        %mul3A_246 = arith.mulf %get3A_245, %exp3A : vector<16xf32>
        %swap3A_247 = arith.index_cast %scan3A_168 : i32 to index
        %swap3A_248 = arith.constant 112 : index
        %swap3A_249 = tpu.vector_load %arg15[%swap3A_247, %swap3A_248] {strides = array<i32>} : memref<80x128xf32, #tpu.memory_space<vmem>>, vector<1x16xf32>,
        %swap3A_250 = vector.shape_cast %swap3A_249 : vector<1x16xf32> to vector<16xf32>
        %swap3A_251 = vector.shape_cast %mul3A_246 : vector<16xf32> to vector<1x16xf32>
        tpu.vector_store %arg15[%swap3A_247, %swap3A_248], %swap3A_251 {strides = array<i32>} : memref<80x128xf32, #tpu.memory_space<vmem>>, vector<1x16xf32>,
      }
      %scan3A_120 = arith.constant 80 : i32
      %dma_start3A_121 = arith.constant 0 : i32
      %dma_start3A_122 = arith.constant 0 : i32
      %dma_start3A_123 = tpu.memref_slice %arg18[%dma_start3A_121, %dma_start3A_122] : memref<10240x128xf32, #tpu.memory_space<vmem_shared>> -> memref<10240x128xf32, #tpu.memory_space<vmem_shared>>
      tpu.enqueue_indirect_dma source(%arg15 : memref<80x128xf32, #tpu.memory_space<vmem>>) target(%dma_start3A_123 : memref<10240x128xf32, #tpu.memory_space<vmem_shared>>) offsets(%arg11 : memref<80xi32, #tpu.memory_space<vmem>>) semaphore(%arg23 : memref<!tpu.dma_semaphore, #tpu.memory_space<semaphore_mem>>) {add = true}
      %mul3A_124 = arith.constant 2 : i32
      %mul3A_125 = arith.muli %mul3A_124, %scan3A_82 : i32
      %add3A_126 = arith.constant 1 : i32
      %add3A_127 = arith.addi %mul3A_125, %add3A_126 : i32
      %mul3A_128 = arith.constant 10000 : i32
      %mul3A_129 = arith.muli %add3A, %mul3A_128 : i32
      %mul3A_130 = arith.constant 80 : i32
      %mul3A_131 = arith.muli %add3A_127, %mul3A_130 : i32
      %add3A_132 = arith.addi %mul3A_129, %mul3A_131 : i32
      %ge3A_133 = arith.constant 2 : i32
      %ge3A_134 = arith.cmpi sge, %add3A_127, %ge3A_133 : i32
      %convert_element_type3A_135 = arith.extui %ge3A_134 : i1 to i32
      %cond3A_136 = arith.constant 0 : i32
      %cond3A_137 = arith.cmpi ne, %convert_element_type3A_135, %cond3A_136 : i32
      scf.if %cond3A_137 {
        %dma_wait3A_168 = arith.constant 0 : i32
        %dma_wait3A_169 = arith.constant 0 : i32
        %dma_wait3A_170 = tpu.memref_slice %arg18[%dma_wait3A_168, %dma_wait3A_169] : memref<10240x128xf32, #tpu.memory_space<vmem_shared>> -> memref<10240x128xf32, #tpu.memory_space<vmem_shared>>
        tpu.wait_indirect_dma semaphore(%arg24 : memref<!tpu.dma_semaphore, #tpu.memory_space<semaphore_mem>>) src(%arg16 : memref<80x128xf32, #tpu.memory_space<vmem>>) dst(%dma_wait3A_170 : memref<10240x128xf32, #tpu.memory_space<vmem_shared>>)
      } else {
      }
      %dma_start3A_138 = tpu.memref_slice %arg3[%add3A_132] : memref<320000xi32, #tpu.memory_space<hbm>> -> memref<80xi32, #tpu.memory_space<hbm>>
      %dma_start3A_139 = tpu.memref_slice %arg3[%add3A_132] : memref<320000xi32, #tpu.memory_space<hbm>> -> memref<80xi32, #tpu.memory_space<hbm>>
      tpu.enqueue_dma source(%dma_start3A_139 : memref<80xi32, #tpu.memory_space<hbm>>) target(%arg10 : memref<80xi32, #tpu.memory_space<vmem>>) target_semaphore(%arg20 : memref<!tpu.dma_semaphore, #tpu.memory_space<semaphore_mem>>)
      %dma_start3A_140 = tpu.memref_slice %arg4[%add3A_132] : memref<320000xi32, #tpu.memory_space<hbm>> -> memref<80xi32, #tpu.memory_space<hbm>>
      %dma_start3A_141 = tpu.memref_slice %arg4[%add3A_132] : memref<320000xi32, #tpu.memory_space<hbm>> -> memref<80xi32, #tpu.memory_space<hbm>>
      tpu.enqueue_dma source(%dma_start3A_141 : memref<80xi32, #tpu.memory_space<hbm>>) target(%arg12 : memref<80xi32, #tpu.memory_space<vmem>>) target_semaphore(%arg20 : memref<!tpu.dma_semaphore, #tpu.memory_space<semaphore_mem>>)
      %dma_start3A_142 = arith.constant 0 : i32
      %dma_start3A_143 = tpu.memref_slice %arg5[%add3A_132, %dma_start3A_142] : memref<320000x16xf32, #tpu.memory_space<hbm>> -> memref<80x16xf32, #tpu.memory_space<hbm>>
      %dma_start3A_144 = arith.constant 0 : i32
      %dma_start3A_145 = tpu.memref_slice %arg5[%add3A_132, %dma_start3A_144] : memref<320000x16xf32, #tpu.memory_space<hbm>> -> memref<80x16xf32, #tpu.memory_space<hbm>>
      tpu.enqueue_dma source(%dma_start3A_145 : memref<80x16xf32, #tpu.memory_space<hbm>>) target(%arg14 : memref<80x16xf32, #tpu.memory_space<vmem>>) target_semaphore(%arg20 : memref<!tpu.dma_semaphore, #tpu.memory_space<semaphore_mem>>)
      %dma_wait3A_146 = tpu.memref_slice %arg3[%add3A_132] : memref<320000xi32, #tpu.memory_space<hbm>> -> memref<80xi32, #tpu.memory_space<hbm>>
      %dma_wait3A_147 = tpu.memref_slice %arg3[%add3A_132] : memref<320000xi32, #tpu.memory_space<hbm>> -> memref<80xi32, #tpu.memory_space<hbm>>
      tpu.wait_dma2 semaphore(%arg20 : memref<!tpu.dma_semaphore, #tpu.memory_space<semaphore_mem>>) src(%dma_wait3A_147 : memref<80xi32, #tpu.memory_space<hbm>>) dst(%arg10 : memref<80xi32, #tpu.memory_space<vmem>>)
      %dma_wait3A_148 = tpu.memref_slice %arg4[%add3A_132] : memref<320000xi32, #tpu.memory_space<hbm>> -> memref<80xi32, #tpu.memory_space<hbm>>
      %dma_wait3A_149 = tpu.memref_slice %arg4[%add3A_132] : memref<320000xi32, #tpu.memory_space<hbm>> -> memref<80xi32, #tpu.memory_space<hbm>>
      tpu.wait_dma2 semaphore(%arg20 : memref<!tpu.dma_semaphore, #tpu.memory_space<semaphore_mem>>) src(%dma_wait3A_149 : memref<80xi32, #tpu.memory_space<hbm>>) dst(%arg12 : memref<80xi32, #tpu.memory_space<vmem>>)
      %dma_wait3A_150 = arith.constant 0 : i32
      %dma_wait3A_151 = tpu.memref_slice %arg5[%add3A_132, %dma_wait3A_150] : memref<320000x16xf32, #tpu.memory_space<hbm>> -> memref<80x16xf32, #tpu.memory_space<hbm>>
      %dma_wait3A_152 = arith.constant 0 : i32
      %dma_wait3A_153 = tpu.memref_slice %arg5[%add3A_132, %dma_wait3A_152] : memref<320000x16xf32, #tpu.memory_space<hbm>> -> memref<80x16xf32, #tpu.memory_space<hbm>>
      tpu.wait_dma2 semaphore(%arg20 : memref<!tpu.dma_semaphore, #tpu.memory_space<semaphore_mem>>) src(%dma_wait3A_153 : memref<80x16xf32, #tpu.memory_space<hbm>>) dst(%arg14 : memref<80x16xf32, #tpu.memory_space<vmem>>)
      %dma_start3A_154 = arith.constant 0 : i32
      %dma_start3A_155 = arith.constant 0 : i32
      %dma_start3A_156 = tpu.memref_slice %arg2[%dma_start3A_154, %dma_start3A_155] : memref<10000x128xf32, #tpu.memory_space<hbm>> -> memref<10000x128xf32, #tpu.memory_space<hbm>>
      tpu.enqueue_indirect_dma source(%dma_start3A_156 : memref<10000x128xf32, #tpu.memory_space<hbm>>) target(%arg16 : memref<80x128xf32, #tpu.memory_space<vmem>>) offsets(%arg10 : memref<80xi32, #tpu.memory_space<vmem>>) semaphore(%arg22 : memref<!tpu.dma_semaphore, #tpu.memory_space<semaphore_mem>>)
      %dma_wait3A_157 = arith.constant 0 : i32
      %dma_wait3A_158 = arith.constant 0 : i32
      %dma_wait3A_159 = tpu.memref_slice %arg2[%dma_wait3A_157, %dma_wait3A_158] : memref<10000x128xf32, #tpu.memory_space<hbm>> -> memref<10000x128xf32, #tpu.memory_space<hbm>>
      tpu.wait_indirect_dma semaphore(%arg22 : memref<!tpu.dma_semaphore, #tpu.memory_space<semaphore_mem>>) src(%dma_wait3A_159 : memref<10000x128xf32, #tpu.memory_space<hbm>>) dst(%arg16 : memref<80x128xf32, #tpu.memory_space<vmem>>)
      %scan3A_160 = arith.constant 0 : i32
      %scan3A_161 = arith.constant 80 : i32
      %scan3A_162 = arith.addi %scan3A_160, %scan3A_161 : i32
      %scan3A_163 = arith.constant 1 : i32
      scf.for %scan3A_168 = %scan3A_160 to %scan3A_162 step %scan3A_163  : i32 {
        %get3A_169 = arith.index_cast %scan3A_168 : i32 to index
        %get3A_170 = arith.constant 0 : index
        %get3A_171 = tpu.vector_load %arg14[%get3A_169, %get3A_170] {strides = array<i32>} : memref<80x16xf32, #tpu.memory_space<vmem>>, vector<1x16xf32>,
        %get3A_172 = vector.shape_cast %get3A_171 : vector<1x16xf32> to vector<16xf32>
        %sub3A = arith.subf %get3A_172, %get3A_4 : vector<16xf32>
        %exp3A = math.exp %sub3A : vector<16xf32>
        %get3A_173 = arith.index_cast %scan3A_168 : i32 to index
        %get3A_174 = arith.constant 0 : index
        %get3A_175 = tpu.vector_load %arg16[%get3A_173, %get3A_174] {strides = array<i32>} : memref<80x128xf32, #tpu.memory_space<vmem>>, vector<1x16xf32>,
        %get3A_176 = vector.shape_cast %get3A_175 : vector<1x16xf32> to vector<16xf32>
        %mul3A_177 = arith.mulf %get3A_176, %exp3A : vector<16xf32>
        %swap3A = arith.index_cast %scan3A_168 : i32 to index
        %swap3A_178 = arith.constant 0 : index
        %swap3A_179 = tpu.vector_load %arg16[%swap3A, %swap3A_178] {strides = array<i32>} : memref<80x128xf32, #tpu.memory_space<vmem>>, vector<1x16xf32>,
        %swap3A_180 = vector.shape_cast %swap3A_179 : vector<1x16xf32> to vector<16xf32>
        %swap3A_181 = vector.shape_cast %mul3A_177 : vector<16xf32> to vector<1x16xf32>
        tpu.vector_store %arg16[%swap3A, %swap3A_178], %swap3A_181 {strides = array<i32>} : memref<80x128xf32, #tpu.memory_space<vmem>>, vector<1x16xf32>,
        %get3A_182 = arith.index_cast %scan3A_168 : i32 to index
        %get3A_183 = arith.constant 16 : index
        %get3A_184 = tpu.vector_load %arg16[%get3A_182, %get3A_183] {strides = array<i32>} : memref<80x128xf32, #tpu.memory_space<vmem>>, vector<1x16xf32>,
        %get3A_185 = vector.shape_cast %get3A_184 : vector<1x16xf32> to vector<16xf32>
        %mul3A_186 = arith.mulf %get3A_185, %exp3A : vector<16xf32>
        %swap3A_187 = arith.index_cast %scan3A_168 : i32 to index
        %swap3A_188 = arith.constant 16 : index
        %swap3A_189 = tpu.vector_load %arg16[%swap3A_187, %swap3A_188] {strides = array<i32>} : memref<80x128xf32, #tpu.memory_space<vmem>>, vector<1x16xf32>,
        %swap3A_190 = vector.shape_cast %swap3A_189 : vector<1x16xf32> to vector<16xf32>
        %swap3A_191 = vector.shape_cast %mul3A_186 : vector<16xf32> to vector<1x16xf32>
        tpu.vector_store %arg16[%swap3A_187, %swap3A_188], %swap3A_191 {strides = array<i32>} : memref<80x128xf32, #tpu.memory_space<vmem>>, vector<1x16xf32>,
        %get3A_192 = arith.index_cast %scan3A_168 : i32 to index
        %get3A_193 = arith.constant 32 : index
        %get3A_194 = tpu.vector_load %arg16[%get3A_192, %get3A_193] {strides = array<i32>} : memref<80x128xf32, #tpu.memory_space<vmem>>, vector<1x16xf32>,
        %get3A_195 = vector.shape_cast %get3A_194 : vector<1x16xf32> to vector<16xf32>
        %mul3A_196 = arith.mulf %get3A_195, %exp3A : vector<16xf32>
        %swap3A_197 = arith.index_cast %scan3A_168 : i32 to index
        %swap3A_198 = arith.constant 32 : index
        %swap3A_199 = tpu.vector_load %arg16[%swap3A_197, %swap3A_198] {strides = array<i32>} : memref<80x128xf32, #tpu.memory_space<vmem>>, vector<1x16xf32>,
        %swap3A_200 = vector.shape_cast %swap3A_199 : vector<1x16xf32> to vector<16xf32>
        %swap3A_201 = vector.shape_cast %mul3A_196 : vector<16xf32> to vector<1x16xf32>
        tpu.vector_store %arg16[%swap3A_197, %swap3A_198], %swap3A_201 {strides = array<i32>} : memref<80x128xf32, #tpu.memory_space<vmem>>, vector<1x16xf32>,
        %get3A_202 = arith.index_cast %scan3A_168 : i32 to index
        %get3A_203 = arith.constant 48 : index
        %get3A_204 = tpu.vector_load %arg16[%get3A_202, %get3A_203] {strides = array<i32>} : memref<80x128xf32, #tpu.memory_space<vmem>>, vector<1x16xf32>,
        %get3A_205 = vector.shape_cast %get3A_204 : vector<1x16xf32> to vector<16xf32>
        %mul3A_206 = arith.mulf %get3A_205, %exp3A : vector<16xf32>
        %swap3A_207 = arith.index_cast %scan3A_168 : i32 to index
        %swap3A_208 = arith.constant 48 : index
        %swap3A_209 = tpu.vector_load %arg16[%swap3A_207, %swap3A_208] {strides = array<i32>} : memref<80x128xf32, #tpu.memory_space<vmem>>, vector<1x16xf32>,
        %swap3A_210 = vector.shape_cast %swap3A_209 : vector<1x16xf32> to vector<16xf32>
        %swap3A_211 = vector.shape_cast %mul3A_206 : vector<16xf32> to vector<1x16xf32>
        tpu.vector_store %arg16[%swap3A_207, %swap3A_208], %swap3A_211 {strides = array<i32>} : memref<80x128xf32, #tpu.memory_space<vmem>>, vector<1x16xf32>,
        %get3A_212 = arith.index_cast %scan3A_168 : i32 to index
        %get3A_213 = arith.constant 64 : index
        %get3A_214 = tpu.vector_load %arg16[%get3A_212, %get3A_213] {strides = array<i32>} : memref<80x128xf32, #tpu.memory_space<vmem>>, vector<1x16xf32>,
        %get3A_215 = vector.shape_cast %get3A_214 : vector<1x16xf32> to vector<16xf32>
        %mul3A_216 = arith.mulf %get3A_215, %exp3A : vector<16xf32>
        %swap3A_217 = arith.index_cast %scan3A_168 : i32 to index
        %swap3A_218 = arith.constant 64 : index
        %swap3A_219 = tpu.vector_load %arg16[%swap3A_217, %swap3A_218] {strides = array<i32>} : memref<80x128xf32, #tpu.memory_space<vmem>>, vector<1x16xf32>,
        %swap3A_220 = vector.shape_cast %swap3A_219 : vector<1x16xf32> to vector<16xf32>
        %swap3A_221 = vector.shape_cast %mul3A_216 : vector<16xf32> to vector<1x16xf32>
        tpu.vector_store %arg16[%swap3A_217, %swap3A_218], %swap3A_221 {strides = array<i32>} : memref<80x128xf32, #tpu.memory_space<vmem>>, vector<1x16xf32>,
        %get3A_222 = arith.index_cast %scan3A_168 : i32 to index
        %get3A_223 = arith.constant 80 : index
        %get3A_224 = tpu.vector_load %arg16[%get3A_222, %get3A_223] {strides = array<i32>} : memref<80x128xf32, #tpu.memory_space<vmem>>, vector<1x16xf32>,
        %get3A_225 = vector.shape_cast %get3A_224 : vector<1x16xf32> to vector<16xf32>
        %mul3A_226 = arith.mulf %get3A_225, %exp3A : vector<16xf32>
        %swap3A_227 = arith.index_cast %scan3A_168 : i32 to index
        %swap3A_228 = arith.constant 80 : index
        %swap3A_229 = tpu.vector_load %arg16[%swap3A_227, %swap3A_228] {strides = array<i32>} : memref<80x128xf32, #tpu.memory_space<vmem>>, vector<1x16xf32>,
        %swap3A_230 = vector.shape_cast %swap3A_229 : vector<1x16xf32> to vector<16xf32>
        %swap3A_231 = vector.shape_cast %mul3A_226 : vector<16xf32> to vector<1x16xf32>
        tpu.vector_store %arg16[%swap3A_227, %swap3A_228], %swap3A_231 {strides = array<i32>} : memref<80x128xf32, #tpu.memory_space<vmem>>, vector<1x16xf32>,
        %get3A_232 = arith.index_cast %scan3A_168 : i32 to index
        %get3A_233 = arith.constant 96 : index
        %get3A_234 = tpu.vector_load %arg16[%get3A_232, %get3A_233] {strides = array<i32>} : memref<80x128xf32, #tpu.memory_space<vmem>>, vector<1x16xf32>,
        %get3A_235 = vector.shape_cast %get3A_234 : vector<1x16xf32> to vector<16xf32>
        %mul3A_236 = arith.mulf %get3A_235, %exp3A : vector<16xf32>
        %swap3A_237 = arith.index_cast %scan3A_168 : i32 to index
        %swap3A_238 = arith.constant 96 : index
        %swap3A_239 = tpu.vector_load %arg16[%swap3A_237, %swap3A_238] {strides = array<i32>} : memref<80x128xf32, #tpu.memory_space<vmem>>, vector<1x16xf32>,
        %swap3A_240 = vector.shape_cast %swap3A_239 : vector<1x16xf32> to vector<16xf32>
        %swap3A_241 = vector.shape_cast %mul3A_236 : vector<16xf32> to vector<1x16xf32>
        tpu.vector_store %arg16[%swap3A_237, %swap3A_238], %swap3A_241 {strides = array<i32>} : memref<80x128xf32, #tpu.memory_space<vmem>>, vector<1x16xf32>,
        %get3A_242 = arith.index_cast %scan3A_168 : i32 to index
        %get3A_243 = arith.constant 112 : index
        %get3A_244 = tpu.vector_load %arg16[%get3A_242, %get3A_243] {strides = array<i32>} : memref<80x128xf32, #tpu.memory_space<vmem>>, vector<1x16xf32>,
        %get3A_245 = vector.shape_cast %get3A_244 : vector<1x16xf32> to vector<16xf32>
        %mul3A_246 = arith.mulf %get3A_245, %exp3A : vector<16xf32>
        %swap3A_247 = arith.index_cast %scan3A_168 : i32 to index
        %swap3A_248 = arith.constant 112 : index
        %swap3A_249 = tpu.vector_load %arg16[%swap3A_247, %swap3A_248] {strides = array<i32>} : memref<80x128xf32, #tpu.memory_space<vmem>>, vector<1x16xf32>,
        %swap3A_250 = vector.shape_cast %swap3A_249 : vector<1x16xf32> to vector<16xf32>
        %swap3A_251 = vector.shape_cast %mul3A_246 : vector<16xf32> to vector<1x16xf32>
        tpu.vector_store %arg16[%swap3A_247, %swap3A_248], %swap3A_251 {strides = array<i32>} : memref<80x128xf32, #tpu.memory_space<vmem>>, vector<1x16xf32>,
      }
      %scan3A_164 = arith.constant 80 : i32
      %dma_start3A_165 = arith.constant 0 : i32
      %dma_start3A_166 = arith.constant 0 : i32
      %dma_start3A_167 = tpu.memref_slice %arg18[%dma_start3A_165, %dma_start3A_166] : memref<10240x128xf32, #tpu.memory_space<vmem_shared>> -> memref<10240x128xf32, #tpu.memory_space<vmem_shared>>
      tpu.enqueue_indirect_dma source(%arg16 : memref<80x128xf32, #tpu.memory_space<vmem>>) target(%dma_start3A_167 : memref<10240x128xf32, #tpu.memory_space<vmem_shared>>) offsets(%arg12 : memref<80xi32, #tpu.memory_space<vmem>>) semaphore(%arg24 : memref<!tpu.dma_semaphore, #tpu.memory_space<semaphore_mem>>) {add = true}
    }
    %scan3A_32 = arith.constant 62 : i32
    %mul3A_33 = arith.constant 10000 : i32
    %mul3A_34 = arith.muli %add3A, %mul3A_33 : i32
    %add3A_35 = arith.constant 9920 : i32
    %add3A_36 = arith.addi %mul3A_34, %add3A_35 : i32
    %dma_wait3A = arith.constant 0 : i32
    %dma_wait3A_37 = arith.constant 0 : i32
    %dma_wait3A_38 = tpu.memref_slice %arg18[%dma_wait3A, %dma_wait3A_37] : memref<10240x128xf32, #tpu.memory_space<vmem_shared>> -> memref<10240x128xf32, #tpu.memory_space<vmem_shared>>
    tpu.wait_indirect_dma semaphore(%arg23 : memref<!tpu.dma_semaphore, #tpu.memory_space<semaphore_mem>>) src(%arg15 : memref<80x128xf32, #tpu.memory_space<vmem>>) dst(%dma_wait3A_38 : memref<10240x128xf32, #tpu.memory_space<vmem_shared>>)
    %dma_start3A = tpu.memref_slice %arg3[%add3A_36] : memref<320000xi32, #tpu.memory_space<hbm>> -> memref<80xi32, #tpu.memory_space<hbm>>
    %dma_start3A_39 = tpu.memref_slice %arg3[%add3A_36] : memref<320000xi32, #tpu.memory_space<hbm>> -> memref<80xi32, #tpu.memory_space<hbm>>
    tpu.enqueue_dma source(%dma_start3A_39 : memref<80xi32, #tpu.memory_space<hbm>>) target(%arg9 : memref<80xi32, #tpu.memory_space<vmem>>) target_semaphore(%arg19 : memref<!tpu.dma_semaphore, #tpu.memory_space<semaphore_mem>>)
    %dma_start3A_40 = tpu.memref_slice %arg4[%add3A_36] : memref<320000xi32, #tpu.memory_space<hbm>> -> memref<80xi32, #tpu.memory_space<hbm>>
    %dma_start3A_41 = tpu.memref_slice %arg4[%add3A_36] : memref<320000xi32, #tpu.memory_space<hbm>> -> memref<80xi32, #tpu.memory_space<hbm>>
    tpu.enqueue_dma source(%dma_start3A_41 : memref<80xi32, #tpu.memory_space<hbm>>) target(%arg11 : memref<80xi32, #tpu.memory_space<vmem>>) target_semaphore(%arg19 : memref<!tpu.dma_semaphore, #tpu.memory_space<semaphore_mem>>)
    %dma_start3A_42 = arith.constant 0 : i32
    %dma_start3A_43 = tpu.memref_slice %arg5[%add3A_36, %dma_start3A_42] : memref<320000x16xf32, #tpu.memory_space<hbm>> -> memref<80x16xf32, #tpu.memory_space<hbm>>
    %dma_start3A_44 = arith.constant 0 : i32
    %dma_start3A_45 = tpu.memref_slice %arg5[%add3A_36, %dma_start3A_44] : memref<320000x16xf32, #tpu.memory_space<hbm>> -> memref<80x16xf32, #tpu.memory_space<hbm>>
    tpu.enqueue_dma source(%dma_start3A_45 : memref<80x16xf32, #tpu.memory_space<hbm>>) target(%arg13 : memref<80x16xf32, #tpu.memory_space<vmem>>) target_semaphore(%arg19 : memref<!tpu.dma_semaphore, #tpu.memory_space<semaphore_mem>>)
    %dma_wait3A_46 = tpu.memref_slice %arg3[%add3A_36] : memref<320000xi32, #tpu.memory_space<hbm>> -> memref<80xi32, #tpu.memory_space<hbm>>
    %dma_wait3A_47 = tpu.memref_slice %arg3[%add3A_36] : memref<320000xi32, #tpu.memory_space<hbm>> -> memref<80xi32, #tpu.memory_space<hbm>>
    tpu.wait_dma2 semaphore(%arg19 : memref<!tpu.dma_semaphore, #tpu.memory_space<semaphore_mem>>) src(%dma_wait3A_47 : memref<80xi32, #tpu.memory_space<hbm>>) dst(%arg9 : memref<80xi32, #tpu.memory_space<vmem>>)
    %dma_wait3A_48 = tpu.memref_slice %arg4[%add3A_36] : memref<320000xi32, #tpu.memory_space<hbm>> -> memref<80xi32, #tpu.memory_space<hbm>>
    %dma_wait3A_49 = tpu.memref_slice %arg4[%add3A_36] : memref<320000xi32, #tpu.memory_space<hbm>> -> memref<80xi32, #tpu.memory_space<hbm>>
    tpu.wait_dma2 semaphore(%arg19 : memref<!tpu.dma_semaphore, #tpu.memory_space<semaphore_mem>>) src(%dma_wait3A_49 : memref<80xi32, #tpu.memory_space<hbm>>) dst(%arg11 : memref<80xi32, #tpu.memory_space<vmem>>)
    %dma_wait3A_50 = arith.constant 0 : i32
    %dma_wait3A_51 = tpu.memref_slice %arg5[%add3A_36, %dma_wait3A_50] : memref<320000x16xf32, #tpu.memory_space<hbm>> -> memref<80x16xf32, #tpu.memory_space<hbm>>
    %dma_wait3A_52 = arith.constant 0 : i32
    %dma_wait3A_53 = tpu.memref_slice %arg5[%add3A_36, %dma_wait3A_52] : memref<320000x16xf32, #tpu.memory_space<hbm>> -> memref<80x16xf32, #tpu.memory_space<hbm>>
    tpu.wait_dma2 semaphore(%arg19 : memref<!tpu.dma_semaphore, #tpu.memory_space<semaphore_mem>>) src(%dma_wait3A_53 : memref<80x16xf32, #tpu.memory_space<hbm>>) dst(%arg13 : memref<80x16xf32, #tpu.memory_space<vmem>>)
    %dma_start3A_54 = arith.constant 0 : i32
    %dma_start3A_55 = arith.constant 0 : i32
    %dma_start3A_56 = tpu.memref_slice %arg2[%dma_start3A_54, %dma_start3A_55] : memref<10000x128xf32, #tpu.memory_space<hbm>> -> memref<10000x128xf32, #tpu.memory_space<hbm>>
    tpu.enqueue_indirect_dma source(%dma_start3A_56 : memref<10000x128xf32, #tpu.memory_space<hbm>>) target(%arg15 : memref<80x128xf32, #tpu.memory_space<vmem>>) offsets(%arg9 : memref<80xi32, #tpu.memory_space<vmem>>) semaphore(%arg21 : memref<!tpu.dma_semaphore, #tpu.memory_space<semaphore_mem>>)
    %dma_wait3A_57 = arith.constant 0 : i32
    %dma_wait3A_58 = arith.constant 0 : i32
    %dma_wait3A_59 = tpu.memref_slice %arg2[%dma_wait3A_57, %dma_wait3A_58] : memref<10000x128xf32, #tpu.memory_space<hbm>> -> memref<10000x128xf32, #tpu.memory_space<hbm>>
    tpu.wait_indirect_dma semaphore(%arg21 : memref<!tpu.dma_semaphore, #tpu.memory_space<semaphore_mem>>) src(%dma_wait3A_59 : memref<10000x128xf32, #tpu.memory_space<hbm>>) dst(%arg15 : memref<80x128xf32, #tpu.memory_space<vmem>>)
    %scan3A_60 = arith.constant 0 : i32
    %scan3A_61 = arith.constant 80 : i32
    %scan3A_62 = arith.addi %scan3A_60, %scan3A_61 : i32
    %scan3A_63 = arith.constant 1 : i32
    scf.for %scan3A_82 = %scan3A_60 to %scan3A_62 step %scan3A_63  : i32 {
      %get3A_83 = arith.index_cast %scan3A_82 : i32 to index
      %get3A_84 = arith.constant 0 : index
      %get3A_85 = tpu.vector_load %arg13[%get3A_83, %get3A_84] {strides = array<i32>} : memref<80x16xf32, #tpu.memory_space<vmem>>, vector<1x16xf32>,
      %get3A_86 = vector.shape_cast %get3A_85 : vector<1x16xf32> to vector<16xf32>
      %sub3A = arith.subf %get3A_86, %get3A_4 : vector<16xf32>
      %exp3A = math.exp %sub3A : vector<16xf32>
      %get3A_87 = arith.index_cast %scan3A_82 : i32 to index
      %get3A_88 = arith.constant 0 : index
      %get3A_89 = tpu.vector_load %arg15[%get3A_87, %get3A_88] {strides = array<i32>} : memref<80x128xf32, #tpu.memory_space<vmem>>, vector<1x16xf32>,
      %get3A_90 = vector.shape_cast %get3A_89 : vector<1x16xf32> to vector<16xf32>
      %mul3A_91 = arith.mulf %get3A_90, %exp3A : vector<16xf32>
      %swap3A = arith.index_cast %scan3A_82 : i32 to index
      %swap3A_92 = arith.constant 0 : index
      %swap3A_93 = tpu.vector_load %arg15[%swap3A, %swap3A_92] {strides = array<i32>} : memref<80x128xf32, #tpu.memory_space<vmem>>, vector<1x16xf32>,
      %swap3A_94 = vector.shape_cast %swap3A_93 : vector<1x16xf32> to vector<16xf32>
      %swap3A_95 = vector.shape_cast %mul3A_91 : vector<16xf32> to vector<1x16xf32>
      tpu.vector_store %arg15[%swap3A, %swap3A_92], %swap3A_95 {strides = array<i32>} : memref<80x128xf32, #tpu.memory_space<vmem>>, vector<1x16xf32>,
      %get3A_96 = arith.index_cast %scan3A_82 : i32 to index
      %get3A_97 = arith.constant 16 : index
      %get3A_98 = tpu.vector_load %arg15[%get3A_96, %get3A_97] {strides = array<i32>} : memref<80x128xf32, #tpu.memory_space<vmem>>, vector<1x16xf32>,
      %get3A_99 = vector.shape_cast %get3A_98 : vector<1x16xf32> to vector<16xf32>
      %mul3A_100 = arith.mulf %get3A_99, %exp3A : vector<16xf32>
      %swap3A_101 = arith.index_cast %scan3A_82 : i32 to index
      %swap3A_102 = arith.constant 16 : index
      %swap3A_103 = tpu.vector_load %arg15[%swap3A_101, %swap3A_102] {strides = array<i32>} : memref<80x128xf32, #tpu.memory_space<vmem>>, vector<1x16xf32>,
      %swap3A_104 = vector.shape_cast %swap3A_103 : vector<1x16xf32> to vector<16xf32>
      %swap3A_105 = vector.shape_cast %mul3A_100 : vector<16xf32> to vector<1x16xf32>
      tpu.vector_store %arg15[%swap3A_101, %swap3A_102], %swap3A_105 {strides = array<i32>} : memref<80x128xf32, #tpu.memory_space<vmem>>, vector<1x16xf32>,
      %get3A_106 = arith.index_cast %scan3A_82 : i32 to index
      %get3A_107 = arith.constant 32 : index
      %get3A_108 = tpu.vector_load %arg15[%get3A_106, %get3A_107] {strides = array<i32>} : memref<80x128xf32, #tpu.memory_space<vmem>>, vector<1x16xf32>,
      %get3A_109 = vector.shape_cast %get3A_108 : vector<1x16xf32> to vector<16xf32>
      %mul3A_110 = arith.mulf %get3A_109, %exp3A : vector<16xf32>
      %swap3A_111 = arith.index_cast %scan3A_82 : i32 to index
      %swap3A_112 = arith.constant 32 : index
      %swap3A_113 = tpu.vector_load %arg15[%swap3A_111, %swap3A_112] {strides = array<i32>} : memref<80x128xf32, #tpu.memory_space<vmem>>, vector<1x16xf32>,
      %swap3A_114 = vector.shape_cast %swap3A_113 : vector<1x16xf32> to vector<16xf32>
      %swap3A_115 = vector.shape_cast %mul3A_110 : vector<16xf32> to vector<1x16xf32>
      tpu.vector_store %arg15[%swap3A_111, %swap3A_112], %swap3A_115 {strides = array<i32>} : memref<80x128xf32, #tpu.memory_space<vmem>>, vector<1x16xf32>,
      %get3A_116 = arith.index_cast %scan3A_82 : i32 to index
      %get3A_117 = arith.constant 48 : index
      %get3A_118 = tpu.vector_load %arg15[%get3A_116, %get3A_117] {strides = array<i32>} : memref<80x128xf32, #tpu.memory_space<vmem>>, vector<1x16xf32>,
      %get3A_119 = vector.shape_cast %get3A_118 : vector<1x16xf32> to vector<16xf32>
      %mul3A_120 = arith.mulf %get3A_119, %exp3A : vector<16xf32>
      %swap3A_121 = arith.index_cast %scan3A_82 : i32 to index
      %swap3A_122 = arith.constant 48 : index
      %swap3A_123 = tpu.vector_load %arg15[%swap3A_121, %swap3A_122] {strides = array<i32>} : memref<80x128xf32, #tpu.memory_space<vmem>>, vector<1x16xf32>,
      %swap3A_124 = vector.shape_cast %swap3A_123 : vector<1x16xf32> to vector<16xf32>
      %swap3A_125 = vector.shape_cast %mul3A_120 : vector<16xf32> to vector<1x16xf32>
      tpu.vector_store %arg15[%swap3A_121, %swap3A_122], %swap3A_125 {strides = array<i32>} : memref<80x128xf32, #tpu.memory_space<vmem>>, vector<1x16xf32>,
      %get3A_126 = arith.index_cast %scan3A_82 : i32 to index
      %get3A_127 = arith.constant 64 : index
      %get3A_128 = tpu.vector_load %arg15[%get3A_126, %get3A_127] {strides = array<i32>} : memref<80x128xf32, #tpu.memory_space<vmem>>, vector<1x16xf32>,
      %get3A_129 = vector.shape_cast %get3A_128 : vector<1x16xf32> to vector<16xf32>
      %mul3A_130 = arith.mulf %get3A_129, %exp3A : vector<16xf32>
      %swap3A_131 = arith.index_cast %scan3A_82 : i32 to index
      %swap3A_132 = arith.constant 64 : index
      %swap3A_133 = tpu.vector_load %arg15[%swap3A_131, %swap3A_132] {strides = array<i32>} : memref<80x128xf32, #tpu.memory_space<vmem>>, vector<1x16xf32>,
      %swap3A_134 = vector.shape_cast %swap3A_133 : vector<1x16xf32> to vector<16xf32>
      %swap3A_135 = vector.shape_cast %mul3A_130 : vector<16xf32> to vector<1x16xf32>
      tpu.vector_store %arg15[%swap3A_131, %swap3A_132], %swap3A_135 {strides = array<i32>} : memref<80x128xf32, #tpu.memory_space<vmem>>, vector<1x16xf32>,
      %get3A_136 = arith.index_cast %scan3A_82 : i32 to index
      %get3A_137 = arith.constant 80 : index
      %get3A_138 = tpu.vector_load %arg15[%get3A_136, %get3A_137] {strides = array<i32>} : memref<80x128xf32, #tpu.memory_space<vmem>>, vector<1x16xf32>,
      %get3A_139 = vector.shape_cast %get3A_138 : vector<1x16xf32> to vector<16xf32>
      %mul3A_140 = arith.mulf %get3A_139, %exp3A : vector<16xf32>
      %swap3A_141 = arith.index_cast %scan3A_82 : i32 to index
      %swap3A_142 = arith.constant 80 : index
      %swap3A_143 = tpu.vector_load %arg15[%swap3A_141, %swap3A_142] {strides = array<i32>} : memref<80x128xf32, #tpu.memory_space<vmem>>, vector<1x16xf32>,
      %swap3A_144 = vector.shape_cast %swap3A_143 : vector<1x16xf32> to vector<16xf32>
      %swap3A_145 = vector.shape_cast %mul3A_140 : vector<16xf32> to vector<1x16xf32>
      tpu.vector_store %arg15[%swap3A_141, %swap3A_142], %swap3A_145 {strides = array<i32>} : memref<80x128xf32, #tpu.memory_space<vmem>>, vector<1x16xf32>,
      %get3A_146 = arith.index_cast %scan3A_82 : i32 to index
      %get3A_147 = arith.constant 96 : index
      %get3A_148 = tpu.vector_load %arg15[%get3A_146, %get3A_147] {strides = array<i32>} : memref<80x128xf32, #tpu.memory_space<vmem>>, vector<1x16xf32>,
      %get3A_149 = vector.shape_cast %get3A_148 : vector<1x16xf32> to vector<16xf32>
      %mul3A_150 = arith.mulf %get3A_149, %exp3A : vector<16xf32>
      %swap3A_151 = arith.index_cast %scan3A_82 : i32 to index
      %swap3A_152 = arith.constant 96 : index
      %swap3A_153 = tpu.vector_load %arg15[%swap3A_151, %swap3A_152] {strides = array<i32>} : memref<80x128xf32, #tpu.memory_space<vmem>>, vector<1x16xf32>,
      %swap3A_154 = vector.shape_cast %swap3A_153 : vector<1x16xf32> to vector<16xf32>
      %swap3A_155 = vector.shape_cast %mul3A_150 : vector<16xf32> to vector<1x16xf32>
      tpu.vector_store %arg15[%swap3A_151, %swap3A_152], %swap3A_155 {strides = array<i32>} : memref<80x128xf32, #tpu.memory_space<vmem>>, vector<1x16xf32>,
      %get3A_156 = arith.index_cast %scan3A_82 : i32 to index
      %get3A_157 = arith.constant 112 : index
      %get3A_158 = tpu.vector_load %arg15[%get3A_156, %get3A_157] {strides = array<i32>} : memref<80x128xf32, #tpu.memory_space<vmem>>, vector<1x16xf32>,
      %get3A_159 = vector.shape_cast %get3A_158 : vector<1x16xf32> to vector<16xf32>
      %mul3A_160 = arith.mulf %get3A_159, %exp3A : vector<16xf32>
      %swap3A_161 = arith.index_cast %scan3A_82 : i32 to index
      %swap3A_162 = arith.constant 112 : index
      %swap3A_163 = tpu.vector_load %arg15[%swap3A_161, %swap3A_162] {strides = array<i32>} : memref<80x128xf32, #tpu.memory_space<vmem>>, vector<1x16xf32>,
      %swap3A_164 = vector.shape_cast %swap3A_163 : vector<1x16xf32> to vector<16xf32>
      %swap3A_165 = vector.shape_cast %mul3A_160 : vector<16xf32> to vector<1x16xf32>
      tpu.vector_store %arg15[%swap3A_161, %swap3A_162], %swap3A_165 {strides = array<i32>} : memref<80x128xf32, #tpu.memory_space<vmem>>, vector<1x16xf32>,
    }
    %scan3A_64 = arith.constant 80 : i32
    %dma_start3A_65 = arith.constant 0 : i32
    %dma_start3A_66 = arith.constant 0 : i32
    %dma_start3A_67 = tpu.memref_slice %arg18[%dma_start3A_65, %dma_start3A_66] : memref<10240x128xf32, #tpu.memory_space<vmem_shared>> -> memref<10240x128xf32, #tpu.memory_space<vmem_shared>>
    tpu.enqueue_indirect_dma source(%arg15 : memref<80x128xf32, #tpu.memory_space<vmem>>) target(%dma_start3A_67 : memref<10240x128xf32, #tpu.memory_space<vmem_shared>>) offsets(%arg11 : memref<80xi32, #tpu.memory_space<vmem>>) semaphore(%arg23 : memref<!tpu.dma_semaphore, #tpu.memory_space<semaphore_mem>>) {add = true}
    %dma_wait3A_68 = arith.constant 0 : i32
    %dma_wait3A_69 = arith.constant 0 : i32
    %dma_wait3A_70 = tpu.memref_slice %arg18[%dma_wait3A_68, %dma_wait3A_69] : memref<10240x128xf32, #tpu.memory_space<vmem_shared>> -> memref<10240x128xf32, #tpu.memory_space<vmem_shared>>
    tpu.wait_indirect_dma semaphore(%arg23 : memref<!tpu.dma_semaphore, #tpu.memory_space<semaphore_mem>>) src(%arg15 : memref<80x128xf32, #tpu.memory_space<vmem>>) dst(%dma_wait3A_70 : memref<10240x128xf32, #tpu.memory_space<vmem_shared>>)
    %dma_wait3A_71 = arith.constant 0 : i32
    %dma_wait3A_72 = arith.constant 0 : i32
    %dma_wait3A_73 = tpu.memref_slice %arg18[%dma_wait3A_71, %dma_wait3A_72] : memref<10240x128xf32, #tpu.memory_space<vmem_shared>> -> memref<10240x128xf32, #tpu.memory_space<vmem_shared>>
    tpu.wait_indirect_dma semaphore(%arg24 : memref<!tpu.dma_semaphore, #tpu.memory_space<semaphore_mem>>) src(%arg16 : memref<80x128xf32, #tpu.memory_space<vmem>>) dst(%dma_wait3A_73 : memref<10240x128xf32, #tpu.memory_space<vmem_shared>>)
    %barrier3A_74 = arith.constant 0 : index
    tpu.barrier barrier_id(%barrier3A_74)
    %eq3A = arith.constant 0 : i32
    %eq3A_75 = arith.cmpi eq, %arg0, %eq3A : i32
    %convert_element_type3A = arith.extui %eq3A_75 : i1 to i32
    %cond3A = arith.constant 0 : i32
    %cond3A_76 = arith.cmpi ne, %convert_element_type3A, %cond3A : i32
    scf.if %cond3A_76 {
      "tpu.region"() ({
        %run_scoped3A = tpu.sem_alloc : memref<!tpu.dma_semaphore, #tpu.memory_space<semaphore_mem>>
        %dma_start3A_82 = arith.constant 0 : i32
        %dma_start3A_83 = tpu.memref_slice %arg7[%mul3A_11, %dma_start3A_82] : memref<10240x128xf32, #tpu.memory_space<hbm>> -> memref<640x128xf32, #tpu.memory_space<hbm>>
        %dma_start3A_84 = arith.constant 0 : i32
        %dma_start3A_85 = tpu.memref_slice %arg18[%mul3A_11, %dma_start3A_84] : memref<10240x128xf32, #tpu.memory_space<vmem_shared>> -> memref<640x128xf32, #tpu.memory_space<vmem_shared>>
        tpu.enqueue_dma source(%dma_start3A_85 : memref<640x128xf32, #tpu.memory_space<vmem_shared>>) target(%dma_start3A_83 : memref<640x128xf32, #tpu.memory_space<hbm>>) target_semaphore(%run_scoped3A : memref<!tpu.dma_semaphore, #tpu.memory_space<semaphore_mem>>)
        %dma_wait3A_86 = arith.constant 0 : i32
        %dma_wait3A_87 = tpu.memref_slice %arg7[%mul3A_11, %dma_wait3A_86] : memref<10240x128xf32, #tpu.memory_space<hbm>> -> memref<640x128xf32, #tpu.memory_space<hbm>>
        %dma_wait3A_88 = arith.constant 0 : i32
        %dma_wait3A_89 = tpu.memref_slice %arg18[%mul3A_11, %dma_wait3A_88] : memref<10240x128xf32, #tpu.memory_space<vmem_shared>> -> memref<640x128xf32, #tpu.memory_space<vmem_shared>>
        tpu.wait_dma2 semaphore(%run_scoped3A : memref<!tpu.dma_semaphore, #tpu.memory_space<semaphore_mem>>) src(%dma_wait3A_89 : memref<640x128xf32, #tpu.memory_space<vmem_shared>>) dst(%dma_wait3A_87 : memref<640x128xf32, #tpu.memory_space<hbm>>)
        tpu.yield
      }) : () -> ()
    } else {
    }
    %eq3A_77 = arith.constant 1 : i32
    %eq3A_78 = arith.cmpi eq, %arg0, %eq3A_77 : i32
    %convert_element_type3A_79 = arith.extui %eq3A_78 : i1 to i32
    %cond3A_80 = arith.constant 0 : i32
    %cond3A_81 = arith.cmpi ne, %convert_element_type3A_79, %cond3A_80 : i32
    scf.if %cond3A_81 {
      "tpu.region"() ({
        %run_scoped3A = tpu.sem_alloc : memref<!tpu.dma_semaphore, #tpu.memory_space<semaphore_mem>>
        %dma_start3A_82 = arith.constant 0 : i32
        %dma_start3A_83 = tpu.memref_slice %arg8[%mul3A_11, %dma_start3A_82] : memref<10240x128xf32, #tpu.memory_space<hbm>> -> memref<640x128xf32, #tpu.memory_space<hbm>>
        %dma_start3A_84 = arith.constant 0 : i32
        %dma_start3A_85 = tpu.memref_slice %arg18[%mul3A_11, %dma_start3A_84] : memref<10240x128xf32, #tpu.memory_space<vmem_shared>> -> memref<640x128xf32, #tpu.memory_space<vmem_shared>>
        tpu.enqueue_dma source(%dma_start3A_85 : memref<640x128xf32, #tpu.memory_space<vmem_shared>>) target(%dma_start3A_83 : memref<640x128xf32, #tpu.memory_space<hbm>>) target_semaphore(%run_scoped3A : memref<!tpu.dma_semaphore, #tpu.memory_space<semaphore_mem>>)
        %dma_wait3A_86 = arith.constant 0 : i32
        %dma_wait3A_87 = tpu.memref_slice %arg8[%mul3A_11, %dma_wait3A_86] : memref<10240x128xf32, #tpu.memory_space<hbm>> -> memref<640x128xf32, #tpu.memory_space<hbm>>
        %dma_wait3A_88 = arith.constant 0 : i32
        %dma_wait3A_89 = tpu.memref_slice %arg18[%mul3A_11, %dma_wait3A_88] : memref<10240x128xf32, #tpu.memory_space<vmem_shared>> -> memref<640x128xf32, #tpu.memory_space<vmem_shared>>
        tpu.wait_dma2 semaphore(%run_scoped3A : memref<!tpu.dma_semaphore, #tpu.memory_space<semaphore_mem>>) src(%dma_wait3A_89 : memref<640x128xf32, #tpu.memory_space<vmem_shared>>) dst(%dma_wait3A_87 : memref<640x128xf32, #tpu.memory_space<hbm>>)
        tpu.yield
      }) : () -> ()
    } else {
    }
    return
  }
}

#map = affine_map<(d0, d1) -> (0)>
#map1 = affine_map<(d0, d1) -> (0, 0)>
module attributes {stable_mosaic.version = 14 : i64} {
  func.func @_den_body(%arg0: i32, %arg1: i32, %arg2: memref<320000xi32, #tpu.memory_space<hbm>>, %arg3: memref<320000x16xf32, #tpu.memory_space<hbm>>, %arg4: memref<1x128xf32, #tpu.memory_space<hbm>>, %arg5: memref<10240x128xf32, #tpu.memory_space<hbm>>, %arg6: memref<10240x128xf32, #tpu.memory_space<hbm>>, %arg7: memref<80xi32, #tpu.memory_space<vmem>>, %arg8: memref<80xi32, #tpu.memory_space<vmem>>, %arg9: memref<80x16xf32, #tpu.memory_space<vmem>>, %arg10: memref<80x16xf32, #tpu.memory_space<vmem>>, %arg11: memref<80x128xf32, #tpu.memory_space<vmem>>, %arg12: memref<80x128xf32, #tpu.memory_space<vmem>>, %arg13: memref<1x128xf32, #tpu.memory_space<vmem>>, %arg14: memref<10240x128xf32, #tpu.memory_space<vmem_shared>>, %arg15: memref<!tpu.dma_semaphore, #tpu.memory_space<semaphore_mem>>, %arg16: memref<!tpu.dma_semaphore, #tpu.memory_space<semaphore_mem>>, %arg17: memref<!tpu.dma_semaphore, #tpu.memory_space<semaphore_mem>>, %arg18: memref<!tpu.dma_semaphore, #tpu.memory_space<semaphore_mem>>) attributes {dimension_semantics = [#tpu.dimension_semantics<core_parallel>, #tpu.dimension_semantics<subcore_parallel>], iteration_bounds = array<i64: 2, 16>, scalar_prefetch = 0 : i64, scratch_operands = 12 : i64, tpu.core_type = #tpu.core_type<sc_vector_subcore>, window_params = [{transform_indices = #map}, {transform_indices = #map1}, {transform_indices = #map1}, {transform_indices = #map1}, {transform_indices = #map1}]} {
    %mul3A = arith.constant 2 : i32
    %mul3A_0 = arith.muli %arg1, %mul3A : i32
    %add3A = arith.addi %mul3A_0, %arg0 : i32
    "tpu.region"() ({
      %run_scoped3A = tpu.sem_alloc : memref<!tpu.dma_semaphore, #tpu.memory_space<semaphore_mem>>
      tpu.enqueue_dma source(%arg4 : memref<1x128xf32, #tpu.memory_space<hbm>>) target(%arg13 : memref<1x128xf32, #tpu.memory_space<vmem>>) target_semaphore(%run_scoped3A : memref<!tpu.dma_semaphore, #tpu.memory_space<semaphore_mem>>)
      tpu.wait_dma2 semaphore(%run_scoped3A : memref<!tpu.dma_semaphore, #tpu.memory_space<semaphore_mem>>) src(%arg4 : memref<1x128xf32, #tpu.memory_space<hbm>>) dst(%arg13 : memref<1x128xf32, #tpu.memory_space<vmem>>)
      tpu.yield
    }) : () -> ()
    %get3A = arith.constant 0 : i32
    %get3A_1 = arith.index_cast %get3A : i32 to index
    %get3A_2 = arith.constant 0 : index
    %get3A_3 = tpu.vector_load %arg13[%get3A_1, %get3A_2] {strides = array<i32>} : memref<1x128xf32, #tpu.memory_space<vmem>>, vector<1x16xf32>,
    %get3A_4 = vector.shape_cast %get3A_3 : vector<1x16xf32> to vector<16xf32>
    %broadcast_in_dim3A = arith.constant 0.000000e+00 : f32
    %broadcast_in_dim3A_5 = vector.broadcast %broadcast_in_dim3A : f32 to vector<16xf32>
    %scan3A = arith.constant 0 : i32
    %scan3A_6 = arith.constant 80 : i32
    %scan3A_7 = arith.addi %scan3A, %scan3A_6 : i32
    %scan3A_8 = arith.constant 1 : i32
    scf.for %scan3A_72 = %scan3A to %scan3A_7 step %scan3A_8  : i32 {
      %swap3A = arith.index_cast %scan3A_72 : i32 to index
      %swap3A_73 = arith.constant 0 : index
      %swap3A_74 = tpu.vector_load %arg11[%swap3A, %swap3A_73] {strides = array<i32>} : memref<80x128xf32, #tpu.memory_space<vmem>>, vector<1x16xf32>,
      %swap3A_75 = vector.shape_cast %swap3A_74 : vector<1x16xf32> to vector<16xf32>
      %swap3A_76 = vector.shape_cast %broadcast_in_dim3A_5 : vector<16xf32> to vector<1x16xf32>
      tpu.vector_store %arg11[%swap3A, %swap3A_73], %swap3A_76 {strides = array<i32>} : memref<80x128xf32, #tpu.memory_space<vmem>>, vector<1x16xf32>,
      %swap3A_77 = arith.index_cast %scan3A_72 : i32 to index
      %swap3A_78 = arith.constant 0 : index
      %swap3A_79 = tpu.vector_load %arg12[%swap3A_77, %swap3A_78] {strides = array<i32>} : memref<80x128xf32, #tpu.memory_space<vmem>>, vector<1x16xf32>,
      %swap3A_80 = vector.shape_cast %swap3A_79 : vector<1x16xf32> to vector<16xf32>
      %swap3A_81 = vector.shape_cast %broadcast_in_dim3A_5 : vector<16xf32> to vector<1x16xf32>
      tpu.vector_store %arg12[%swap3A_77, %swap3A_78], %swap3A_81 {strides = array<i32>} : memref<80x128xf32, #tpu.memory_space<vmem>>, vector<1x16xf32>,
      %swap3A_82 = arith.index_cast %scan3A_72 : i32 to index
      %swap3A_83 = arith.constant 16 : index
      %swap3A_84 = tpu.vector_load %arg11[%swap3A_82, %swap3A_83] {strides = array<i32>} : memref<80x128xf32, #tpu.memory_space<vmem>>, vector<1x16xf32>,
      %swap3A_85 = vector.shape_cast %swap3A_84 : vector<1x16xf32> to vector<16xf32>
      %swap3A_86 = vector.shape_cast %broadcast_in_dim3A_5 : vector<16xf32> to vector<1x16xf32>
      tpu.vector_store %arg11[%swap3A_82, %swap3A_83], %swap3A_86 {strides = array<i32>} : memref<80x128xf32, #tpu.memory_space<vmem>>, vector<1x16xf32>,
      %swap3A_87 = arith.index_cast %scan3A_72 : i32 to index
      %swap3A_88 = arith.constant 16 : index
      %swap3A_89 = tpu.vector_load %arg12[%swap3A_87, %swap3A_88] {strides = array<i32>} : memref<80x128xf32, #tpu.memory_space<vmem>>, vector<1x16xf32>,
      %swap3A_90 = vector.shape_cast %swap3A_89 : vector<1x16xf32> to vector<16xf32>
      %swap3A_91 = vector.shape_cast %broadcast_in_dim3A_5 : vector<16xf32> to vector<1x16xf32>
      tpu.vector_store %arg12[%swap3A_87, %swap3A_88], %swap3A_91 {strides = array<i32>} : memref<80x128xf32, #tpu.memory_space<vmem>>, vector<1x16xf32>,
      %swap3A_92 = arith.index_cast %scan3A_72 : i32 to index
      %swap3A_93 = arith.constant 32 : index
      %swap3A_94 = tpu.vector_load %arg11[%swap3A_92, %swap3A_93] {strides = array<i32>} : memref<80x128xf32, #tpu.memory_space<vmem>>, vector<1x16xf32>,
      %swap3A_95 = vector.shape_cast %swap3A_94 : vector<1x16xf32> to vector<16xf32>
      %swap3A_96 = vector.shape_cast %broadcast_in_dim3A_5 : vector<16xf32> to vector<1x16xf32>
      tpu.vector_store %arg11[%swap3A_92, %swap3A_93], %swap3A_96 {strides = array<i32>} : memref<80x128xf32, #tpu.memory_space<vmem>>, vector<1x16xf32>,
      %swap3A_97 = arith.index_cast %scan3A_72 : i32 to index
      %swap3A_98 = arith.constant 32 : index
      %swap3A_99 = tpu.vector_load %arg12[%swap3A_97, %swap3A_98] {strides = array<i32>} : memref<80x128xf32, #tpu.memory_space<vmem>>, vector<1x16xf32>,
      %swap3A_100 = vector.shape_cast %swap3A_99 : vector<1x16xf32> to vector<16xf32>
      %swap3A_101 = vector.shape_cast %broadcast_in_dim3A_5 : vector<16xf32> to vector<1x16xf32>
      tpu.vector_store %arg12[%swap3A_97, %swap3A_98], %swap3A_101 {strides = array<i32>} : memref<80x128xf32, #tpu.memory_space<vmem>>, vector<1x16xf32>,
      %swap3A_102 = arith.index_cast %scan3A_72 : i32 to index
      %swap3A_103 = arith.constant 48 : index
      %swap3A_104 = tpu.vector_load %arg11[%swap3A_102, %swap3A_103] {strides = array<i32>} : memref<80x128xf32, #tpu.memory_space<vmem>>, vector<1x16xf32>,
      %swap3A_105 = vector.shape_cast %swap3A_104 : vector<1x16xf32> to vector<16xf32>
      %swap3A_106 = vector.shape_cast %broadcast_in_dim3A_5 : vector<16xf32> to vector<1x16xf32>
      tpu.vector_store %arg11[%swap3A_102, %swap3A_103], %swap3A_106 {strides = array<i32>} : memref<80x128xf32, #tpu.memory_space<vmem>>, vector<1x16xf32>,
      %swap3A_107 = arith.index_cast %scan3A_72 : i32 to index
      %swap3A_108 = arith.constant 48 : index
      %swap3A_109 = tpu.vector_load %arg12[%swap3A_107, %swap3A_108] {strides = array<i32>} : memref<80x128xf32, #tpu.memory_space<vmem>>, vector<1x16xf32>,
      %swap3A_110 = vector.shape_cast %swap3A_109 : vector<1x16xf32> to vector<16xf32>
      %swap3A_111 = vector.shape_cast %broadcast_in_dim3A_5 : vector<16xf32> to vector<1x16xf32>
      tpu.vector_store %arg12[%swap3A_107, %swap3A_108], %swap3A_111 {strides = array<i32>} : memref<80x128xf32, #tpu.memory_space<vmem>>, vector<1x16xf32>,
      %swap3A_112 = arith.index_cast %scan3A_72 : i32 to index
      %swap3A_113 = arith.constant 64 : index
      %swap3A_114 = tpu.vector_load %arg11[%swap3A_112, %swap3A_113] {strides = array<i32>} : memref<80x128xf32, #tpu.memory_space<vmem>>, vector<1x16xf32>,
      %swap3A_115 = vector.shape_cast %swap3A_114 : vector<1x16xf32> to vector<16xf32>
      %swap3A_116 = vector.shape_cast %broadcast_in_dim3A_5 : vector<16xf32> to vector<1x16xf32>
      tpu.vector_store %arg11[%swap3A_112, %swap3A_113], %swap3A_116 {strides = array<i32>} : memref<80x128xf32, #tpu.memory_space<vmem>>, vector<1x16xf32>,
      %swap3A_117 = arith.index_cast %scan3A_72 : i32 to index
      %swap3A_118 = arith.constant 64 : index
      %swap3A_119 = tpu.vector_load %arg12[%swap3A_117, %swap3A_118] {strides = array<i32>} : memref<80x128xf32, #tpu.memory_space<vmem>>, vector<1x16xf32>,
      %swap3A_120 = vector.shape_cast %swap3A_119 : vector<1x16xf32> to vector<16xf32>
      %swap3A_121 = vector.shape_cast %broadcast_in_dim3A_5 : vector<16xf32> to vector<1x16xf32>
      tpu.vector_store %arg12[%swap3A_117, %swap3A_118], %swap3A_121 {strides = array<i32>} : memref<80x128xf32, #tpu.memory_space<vmem>>, vector<1x16xf32>,
      %swap3A_122 = arith.index_cast %scan3A_72 : i32 to index
      %swap3A_123 = arith.constant 80 : index
      %swap3A_124 = tpu.vector_load %arg11[%swap3A_122, %swap3A_123] {strides = array<i32>} : memref<80x128xf32, #tpu.memory_space<vmem>>, vector<1x16xf32>,
      %swap3A_125 = vector.shape_cast %swap3A_124 : vector<1x16xf32> to vector<16xf32>
      %swap3A_126 = vector.shape_cast %broadcast_in_dim3A_5 : vector<16xf32> to vector<1x16xf32>
      tpu.vector_store %arg11[%swap3A_122, %swap3A_123], %swap3A_126 {strides = array<i32>} : memref<80x128xf32, #tpu.memory_space<vmem>>, vector<1x16xf32>,
      %swap3A_127 = arith.index_cast %scan3A_72 : i32 to index
      %swap3A_128 = arith.constant 80 : index
      %swap3A_129 = tpu.vector_load %arg12[%swap3A_127, %swap3A_128] {strides = array<i32>} : memref<80x128xf32, #tpu.memory_space<vmem>>, vector<1x16xf32>,
      %swap3A_130 = vector.shape_cast %swap3A_129 : vector<1x16xf32> to vector<16xf32>
      %swap3A_131 = vector.shape_cast %broadcast_in_dim3A_5 : vector<16xf32> to vector<1x16xf32>
      tpu.vector_store %arg12[%swap3A_127, %swap3A_128], %swap3A_131 {strides = array<i32>} : memref<80x128xf32, #tpu.memory_space<vmem>>, vector<1x16xf32>,
      %swap3A_132 = arith.index_cast %scan3A_72 : i32 to index
      %swap3A_133 = arith.constant 96 : index
      %swap3A_134 = tpu.vector_load %arg11[%swap3A_132, %swap3A_133] {strides = array<i32>} : memref<80x128xf32, #tpu.memory_space<vmem>>, vector<1x16xf32>,
      %swap3A_135 = vector.shape_cast %swap3A_134 : vector<1x16xf32> to vector<16xf32>
      %swap3A_136 = vector.shape_cast %broadcast_in_dim3A_5 : vector<16xf32> to vector<1x16xf32>
      tpu.vector_store %arg11[%swap3A_132, %swap3A_133], %swap3A_136 {strides = array<i32>} : memref<80x128xf32, #tpu.memory_space<vmem>>, vector<1x16xf32>,
      %swap3A_137 = arith.index_cast %scan3A_72 : i32 to index
      %swap3A_138 = arith.constant 96 : index
      %swap3A_139 = tpu.vector_load %arg12[%swap3A_137, %swap3A_138] {strides = array<i32>} : memref<80x128xf32, #tpu.memory_space<vmem>>, vector<1x16xf32>,
      %swap3A_140 = vector.shape_cast %swap3A_139 : vector<1x16xf32> to vector<16xf32>
      %swap3A_141 = vector.shape_cast %broadcast_in_dim3A_5 : vector<16xf32> to vector<1x16xf32>
      tpu.vector_store %arg12[%swap3A_137, %swap3A_138], %swap3A_141 {strides = array<i32>} : memref<80x128xf32, #tpu.memory_space<vmem>>, vector<1x16xf32>,
      %swap3A_142 = arith.index_cast %scan3A_72 : i32 to index
      %swap3A_143 = arith.constant 112 : index
      %swap3A_144 = tpu.vector_load %arg11[%swap3A_142, %swap3A_143] {strides = array<i32>} : memref<80x128xf32, #tpu.memory_space<vmem>>, vector<1x16xf32>,
      %swap3A_145 = vector.shape_cast %swap3A_144 : vector<1x16xf32> to vector<16xf32>
      %swap3A_146 = vector.shape_cast %broadcast_in_dim3A_5 : vector<16xf32> to vector<1x16xf32>
      tpu.vector_store %arg11[%swap3A_142, %swap3A_143], %swap3A_146 {strides = array<i32>} : memref<80x128xf32, #tpu.memory_space<vmem>>, vector<1x16xf32>,
      %swap3A_147 = arith.index_cast %scan3A_72 : i32 to index
      %swap3A_148 = arith.constant 112 : index
      %swap3A_149 = tpu.vector_load %arg12[%swap3A_147, %swap3A_148] {strides = array<i32>} : memref<80x128xf32, #tpu.memory_space<vmem>>, vector<1x16xf32>,
      %swap3A_150 = vector.shape_cast %swap3A_149 : vector<1x16xf32> to vector<16xf32>
      %swap3A_151 = vector.shape_cast %broadcast_in_dim3A_5 : vector<16xf32> to vector<1x16xf32>
      tpu.vector_store %arg12[%swap3A_147, %swap3A_148], %swap3A_151 {strides = array<i32>} : memref<80x128xf32, #tpu.memory_space<vmem>>, vector<1x16xf32>,
    }
    %scan3A_9 = arith.constant 80 : i32
    %mul3A_10 = arith.constant 640 : i32
    %mul3A_11 = arith.muli %arg1, %mul3A_10 : i32
    %add3A_12 = arith.constant 0 : i32
    %add3A_13 = arith.addi %mul3A_11, %add3A_12 : i32
    "tpu.region"() ({
      %run_scoped3A = tpu.sem_alloc : memref<!tpu.dma_semaphore, #tpu.memory_space<semaphore_mem>>
      %dma_start3A_72 = arith.constant 0 : i32
      %dma_start3A_73 = tpu.memref_slice %arg14[%add3A_13, %dma_start3A_72] : memref<10240x128xf32, #tpu.memory_space<vmem_shared>> -> memref<80x128xf32, #tpu.memory_space<vmem_shared>>
      %dma_start3A_74 = arith.constant 0 : i32
      %dma_start3A_75 = tpu.memref_slice %arg14[%add3A_13, %dma_start3A_74] : memref<10240x128xf32, #tpu.memory_space<vmem_shared>> -> memref<80x128xf32, #tpu.memory_space<vmem_shared>>
      tpu.enqueue_dma source(%arg11 : memref<80x128xf32, #tpu.memory_space<vmem>>) target(%dma_start3A_75 : memref<80x128xf32, #tpu.memory_space<vmem_shared>>) target_semaphore(%run_scoped3A : memref<!tpu.dma_semaphore, #tpu.memory_space<semaphore_mem>>)
      %dma_wait3A_76 = arith.constant 0 : i32
      %dma_wait3A_77 = tpu.memref_slice %arg14[%add3A_13, %dma_wait3A_76] : memref<10240x128xf32, #tpu.memory_space<vmem_shared>> -> memref<80x128xf32, #tpu.memory_space<vmem_shared>>
      %dma_wait3A_78 = arith.constant 0 : i32
      %dma_wait3A_79 = tpu.memref_slice %arg14[%add3A_13, %dma_wait3A_78] : memref<10240x128xf32, #tpu.memory_space<vmem_shared>> -> memref<80x128xf32, #tpu.memory_space<vmem_shared>>
      tpu.wait_dma2 semaphore(%run_scoped3A : memref<!tpu.dma_semaphore, #tpu.memory_space<semaphore_mem>>) src(%arg11 : memref<80x128xf32, #tpu.memory_space<vmem>>) dst(%dma_wait3A_79 : memref<80x128xf32, #tpu.memory_space<vmem_shared>>)
      tpu.yield
    }) : () -> ()
    %add3A_14 = arith.constant 80 : i32
    %add3A_15 = arith.addi %mul3A_11, %add3A_14 : i32
    "tpu.region"() ({
      %run_scoped3A = tpu.sem_alloc : memref<!tpu.dma_semaphore, #tpu.memory_space<semaphore_mem>>
      %dma_start3A_72 = arith.constant 0 : i32
      %dma_start3A_73 = tpu.memref_slice %arg14[%add3A_15, %dma_start3A_72] : memref<10240x128xf32, #tpu.memory_space<vmem_shared>> -> memref<80x128xf32, #tpu.memory_space<vmem_shared>>
      %dma_start3A_74 = arith.constant 0 : i32
      %dma_start3A_75 = tpu.memref_slice %arg14[%add3A_15, %dma_start3A_74] : memref<10240x128xf32, #tpu.memory_space<vmem_shared>> -> memref<80x128xf32, #tpu.memory_space<vmem_shared>>
      tpu.enqueue_dma source(%arg11 : memref<80x128xf32, #tpu.memory_space<vmem>>) target(%dma_start3A_75 : memref<80x128xf32, #tpu.memory_space<vmem_shared>>) target_semaphore(%run_scoped3A : memref<!tpu.dma_semaphore, #tpu.memory_space<semaphore_mem>>)
      %dma_wait3A_76 = arith.constant 0 : i32
      %dma_wait3A_77 = tpu.memref_slice %arg14[%add3A_15, %dma_wait3A_76] : memref<10240x128xf32, #tpu.memory_space<vmem_shared>> -> memref<80x128xf32, #tpu.memory_space<vmem_shared>>
      %dma_wait3A_78 = arith.constant 0 : i32
      %dma_wait3A_79 = tpu.memref_slice %arg14[%add3A_15, %dma_wait3A_78] : memref<10240x128xf32, #tpu.memory_space<vmem_shared>> -> memref<80x128xf32, #tpu.memory_space<vmem_shared>>
      tpu.wait_dma2 semaphore(%run_scoped3A : memref<!tpu.dma_semaphore, #tpu.memory_space<semaphore_mem>>) src(%arg11 : memref<80x128xf32, #tpu.memory_space<vmem>>) dst(%dma_wait3A_79 : memref<80x128xf32, #tpu.memory_space<vmem_shared>>)
      tpu.yield
    }) : () -> ()
    %add3A_16 = arith.constant 160 : i32
    %add3A_17 = arith.addi %mul3A_11, %add3A_16 : i32
    "tpu.region"() ({
      %run_scoped3A = tpu.sem_alloc : memref<!tpu.dma_semaphore, #tpu.memory_space<semaphore_mem>>
      %dma_start3A_72 = arith.constant 0 : i32
      %dma_start3A_73 = tpu.memref_slice %arg14[%add3A_17, %dma_start3A_72] : memref<10240x128xf32, #tpu.memory_space<vmem_shared>> -> memref<80x128xf32, #tpu.memory_space<vmem_shared>>
      %dma_start3A_74 = arith.constant 0 : i32
      %dma_start3A_75 = tpu.memref_slice %arg14[%add3A_17, %dma_start3A_74] : memref<10240x128xf32, #tpu.memory_space<vmem_shared>> -> memref<80x128xf32, #tpu.memory_space<vmem_shared>>
      tpu.enqueue_dma source(%arg11 : memref<80x128xf32, #tpu.memory_space<vmem>>) target(%dma_start3A_75 : memref<80x128xf32, #tpu.memory_space<vmem_shared>>) target_semaphore(%run_scoped3A : memref<!tpu.dma_semaphore, #tpu.memory_space<semaphore_mem>>)
      %dma_wait3A_76 = arith.constant 0 : i32
      %dma_wait3A_77 = tpu.memref_slice %arg14[%add3A_17, %dma_wait3A_76] : memref<10240x128xf32, #tpu.memory_space<vmem_shared>> -> memref<80x128xf32, #tpu.memory_space<vmem_shared>>
      %dma_wait3A_78 = arith.constant 0 : i32
      %dma_wait3A_79 = tpu.memref_slice %arg14[%add3A_17, %dma_wait3A_78] : memref<10240x128xf32, #tpu.memory_space<vmem_shared>> -> memref<80x128xf32, #tpu.memory_space<vmem_shared>>
      tpu.wait_dma2 semaphore(%run_scoped3A : memref<!tpu.dma_semaphore, #tpu.memory_space<semaphore_mem>>) src(%arg11 : memref<80x128xf32, #tpu.memory_space<vmem>>) dst(%dma_wait3A_79 : memref<80x128xf32, #tpu.memory_space<vmem_shared>>)
      tpu.yield
    }) : () -> ()
    %add3A_18 = arith.constant 240 : i32
    %add3A_19 = arith.addi %mul3A_11, %add3A_18 : i32
    "tpu.region"() ({
      %run_scoped3A = tpu.sem_alloc : memref<!tpu.dma_semaphore, #tpu.memory_space<semaphore_mem>>
      %dma_start3A_72 = arith.constant 0 : i32
      %dma_start3A_73 = tpu.memref_slice %arg14[%add3A_19, %dma_start3A_72] : memref<10240x128xf32, #tpu.memory_space<vmem_shared>> -> memref<80x128xf32, #tpu.memory_space<vmem_shared>>
      %dma_start3A_74 = arith.constant 0 : i32
      %dma_start3A_75 = tpu.memref_slice %arg14[%add3A_19, %dma_start3A_74] : memref<10240x128xf32, #tpu.memory_space<vmem_shared>> -> memref<80x128xf32, #tpu.memory_space<vmem_shared>>
      tpu.enqueue_dma source(%arg11 : memref<80x128xf32, #tpu.memory_space<vmem>>) target(%dma_start3A_75 : memref<80x128xf32, #tpu.memory_space<vmem_shared>>) target_semaphore(%run_scoped3A : memref<!tpu.dma_semaphore, #tpu.memory_space<semaphore_mem>>)
      %dma_wait3A_76 = arith.constant 0 : i32
      %dma_wait3A_77 = tpu.memref_slice %arg14[%add3A_19, %dma_wait3A_76] : memref<10240x128xf32, #tpu.memory_space<vmem_shared>> -> memref<80x128xf32, #tpu.memory_space<vmem_shared>>
      %dma_wait3A_78 = arith.constant 0 : i32
      %dma_wait3A_79 = tpu.memref_slice %arg14[%add3A_19, %dma_wait3A_78] : memref<10240x128xf32, #tpu.memory_space<vmem_shared>> -> memref<80x128xf32, #tpu.memory_space<vmem_shared>>
      tpu.wait_dma2 semaphore(%run_scoped3A : memref<!tpu.dma_semaphore, #tpu.memory_space<semaphore_mem>>) src(%arg11 : memref<80x128xf32, #tpu.memory_space<vmem>>) dst(%dma_wait3A_79 : memref<80x128xf32, #tpu.memory_space<vmem_shared>>)
      tpu.yield
    }) : () -> ()
    %add3A_20 = arith.constant 320 : i32
    %add3A_21 = arith.addi %mul3A_11, %add3A_20 : i32
    "tpu.region"() ({
      %run_scoped3A = tpu.sem_alloc : memref<!tpu.dma_semaphore, #tpu.memory_space<semaphore_mem>>
      %dma_start3A_72 = arith.constant 0 : i32
      %dma_start3A_73 = tpu.memref_slice %arg14[%add3A_21, %dma_start3A_72] : memref<10240x128xf32, #tpu.memory_space<vmem_shared>> -> memref<80x128xf32, #tpu.memory_space<vmem_shared>>
      %dma_start3A_74 = arith.constant 0 : i32
      %dma_start3A_75 = tpu.memref_slice %arg14[%add3A_21, %dma_start3A_74] : memref<10240x128xf32, #tpu.memory_space<vmem_shared>> -> memref<80x128xf32, #tpu.memory_space<vmem_shared>>
      tpu.enqueue_dma source(%arg11 : memref<80x128xf32, #tpu.memory_space<vmem>>) target(%dma_start3A_75 : memref<80x128xf32, #tpu.memory_space<vmem_shared>>) target_semaphore(%run_scoped3A : memref<!tpu.dma_semaphore, #tpu.memory_space<semaphore_mem>>)
      %dma_wait3A_76 = arith.constant 0 : i32
      %dma_wait3A_77 = tpu.memref_slice %arg14[%add3A_21, %dma_wait3A_76] : memref<10240x128xf32, #tpu.memory_space<vmem_shared>> -> memref<80x128xf32, #tpu.memory_space<vmem_shared>>
      %dma_wait3A_78 = arith.constant 0 : i32
      %dma_wait3A_79 = tpu.memref_slice %arg14[%add3A_21, %dma_wait3A_78] : memref<10240x128xf32, #tpu.memory_space<vmem_shared>> -> memref<80x128xf32, #tpu.memory_space<vmem_shared>>
      tpu.wait_dma2 semaphore(%run_scoped3A : memref<!tpu.dma_semaphore, #tpu.memory_space<semaphore_mem>>) src(%arg11 : memref<80x128xf32, #tpu.memory_space<vmem>>) dst(%dma_wait3A_79 : memref<80x128xf32, #tpu.memory_space<vmem_shared>>)
      tpu.yield
    }) : () -> ()
    %add3A_22 = arith.constant 400 : i32
    %add3A_23 = arith.addi %mul3A_11, %add3A_22 : i32
    "tpu.region"() ({
      %run_scoped3A = tpu.sem_alloc : memref<!tpu.dma_semaphore, #tpu.memory_space<semaphore_mem>>
      %dma_start3A_72 = arith.constant 0 : i32
      %dma_start3A_73 = tpu.memref_slice %arg14[%add3A_23, %dma_start3A_72] : memref<10240x128xf32, #tpu.memory_space<vmem_shared>> -> memref<80x128xf32, #tpu.memory_space<vmem_shared>>
      %dma_start3A_74 = arith.constant 0 : i32
      %dma_start3A_75 = tpu.memref_slice %arg14[%add3A_23, %dma_start3A_74] : memref<10240x128xf32, #tpu.memory_space<vmem_shared>> -> memref<80x128xf32, #tpu.memory_space<vmem_shared>>
      tpu.enqueue_dma source(%arg11 : memref<80x128xf32, #tpu.memory_space<vmem>>) target(%dma_start3A_75 : memref<80x128xf32, #tpu.memory_space<vmem_shared>>) target_semaphore(%run_scoped3A : memref<!tpu.dma_semaphore, #tpu.memory_space<semaphore_mem>>)
      %dma_wait3A_76 = arith.constant 0 : i32
      %dma_wait3A_77 = tpu.memref_slice %arg14[%add3A_23, %dma_wait3A_76] : memref<10240x128xf32, #tpu.memory_space<vmem_shared>> -> memref<80x128xf32, #tpu.memory_space<vmem_shared>>
      %dma_wait3A_78 = arith.constant 0 : i32
      %dma_wait3A_79 = tpu.memref_slice %arg14[%add3A_23, %dma_wait3A_78] : memref<10240x128xf32, #tpu.memory_space<vmem_shared>> -> memref<80x128xf32, #tpu.memory_space<vmem_shared>>
      tpu.wait_dma2 semaphore(%run_scoped3A : memref<!tpu.dma_semaphore, #tpu.memory_space<semaphore_mem>>) src(%arg11 : memref<80x128xf32, #tpu.memory_space<vmem>>) dst(%dma_wait3A_79 : memref<80x128xf32, #tpu.memory_space<vmem_shared>>)
      tpu.yield
    }) : () -> ()
    %add3A_24 = arith.constant 480 : i32
    %add3A_25 = arith.addi %mul3A_11, %add3A_24 : i32
    "tpu.region"() ({
      %run_scoped3A = tpu.sem_alloc : memref<!tpu.dma_semaphore, #tpu.memory_space<semaphore_mem>>
      %dma_start3A_72 = arith.constant 0 : i32
      %dma_start3A_73 = tpu.memref_slice %arg14[%add3A_25, %dma_start3A_72] : memref<10240x128xf32, #tpu.memory_space<vmem_shared>> -> memref<80x128xf32, #tpu.memory_space<vmem_shared>>
      %dma_start3A_74 = arith.constant 0 : i32
      %dma_start3A_75 = tpu.memref_slice %arg14[%add3A_25, %dma_start3A_74] : memref<10240x128xf32, #tpu.memory_space<vmem_shared>> -> memref<80x128xf32, #tpu.memory_space<vmem_shared>>
      tpu.enqueue_dma source(%arg11 : memref<80x128xf32, #tpu.memory_space<vmem>>) target(%dma_start3A_75 : memref<80x128xf32, #tpu.memory_space<vmem_shared>>) target_semaphore(%run_scoped3A : memref<!tpu.dma_semaphore, #tpu.memory_space<semaphore_mem>>)
      %dma_wait3A_76 = arith.constant 0 : i32
      %dma_wait3A_77 = tpu.memref_slice %arg14[%add3A_25, %dma_wait3A_76] : memref<10240x128xf32, #tpu.memory_space<vmem_shared>> -> memref<80x128xf32, #tpu.memory_space<vmem_shared>>
      %dma_wait3A_78 = arith.constant 0 : i32
      %dma_wait3A_79 = tpu.memref_slice %arg14[%add3A_25, %dma_wait3A_78] : memref<10240x128xf32, #tpu.memory_space<vmem_shared>> -> memref<80x128xf32, #tpu.memory_space<vmem_shared>>
      tpu.wait_dma2 semaphore(%run_scoped3A : memref<!tpu.dma_semaphore, #tpu.memory_space<semaphore_mem>>) src(%arg11 : memref<80x128xf32, #tpu.memory_space<vmem>>) dst(%dma_wait3A_79 : memref<80x128xf32, #tpu.memory_space<vmem_shared>>)
      tpu.yield
    }) : () -> ()
    %add3A_26 = arith.constant 560 : i32
    %add3A_27 = arith.addi %mul3A_11, %add3A_26 : i32
    "tpu.region"() ({
      %run_scoped3A = tpu.sem_alloc : memref<!tpu.dma_semaphore, #tpu.memory_space<semaphore_mem>>
      %dma_start3A_72 = arith.constant 0 : i32
      %dma_start3A_73 = tpu.memref_slice %arg14[%add3A_27, %dma_start3A_72] : memref<10240x128xf32, #tpu.memory_space<vmem_shared>> -> memref<80x128xf32, #tpu.memory_space<vmem_shared>>
      %dma_start3A_74 = arith.constant 0 : i32
      %dma_start3A_75 = tpu.memref_slice %arg14[%add3A_27, %dma_start3A_74] : memref<10240x128xf32, #tpu.memory_space<vmem_shared>> -> memref<80x128xf32, #tpu.memory_space<vmem_shared>>
      tpu.enqueue_dma source(%arg11 : memref<80x128xf32, #tpu.memory_space<vmem>>) target(%dma_start3A_75 : memref<80x128xf32, #tpu.memory_space<vmem_shared>>) target_semaphore(%run_scoped3A : memref<!tpu.dma_semaphore, #tpu.memory_space<semaphore_mem>>)
      %dma_wait3A_76 = arith.constant 0 : i32
      %dma_wait3A_77 = tpu.memref_slice %arg14[%add3A_27, %dma_wait3A_76] : memref<10240x128xf32, #tpu.memory_space<vmem_shared>> -> memref<80x128xf32, #tpu.memory_space<vmem_shared>>
      %dma_wait3A_78 = arith.constant 0 : i32
      %dma_wait3A_79 = tpu.memref_slice %arg14[%add3A_27, %dma_wait3A_78] : memref<10240x128xf32, #tpu.memory_space<vmem_shared>> -> memref<80x128xf32, #tpu.memory_space<vmem_shared>>
      tpu.wait_dma2 semaphore(%run_scoped3A : memref<!tpu.dma_semaphore, #tpu.memory_space<semaphore_mem>>) src(%arg11 : memref<80x128xf32, #tpu.memory_space<vmem>>) dst(%dma_wait3A_79 : memref<80x128xf32, #tpu.memory_space<vmem_shared>>)
      tpu.yield
    }) : () -> ()
    %barrier3A = arith.constant 0 : index
    tpu.barrier barrier_id(%barrier3A)
    %scan3A_28 = arith.constant 0 : i32
    %scan3A_29 = arith.constant 62 : i32
    %scan3A_30 = arith.addi %scan3A_28, %scan3A_29 : i32
    %scan3A_31 = arith.constant 1 : i32
    scf.for %scan3A_72 = %scan3A_28 to %scan3A_30 step %scan3A_31  : i32 {
      %mul3A_73 = arith.constant 2 : i32
      %mul3A_74 = arith.muli %mul3A_73, %scan3A_72 : i32
      %mul3A_75 = arith.constant 10000 : i32
      %mul3A_76 = arith.muli %add3A, %mul3A_75 : i32
      %mul3A_77 = arith.constant 80 : i32
      %mul3A_78 = arith.muli %mul3A_74, %mul3A_77 : i32
      %add3A_79 = arith.addi %mul3A_76, %mul3A_78 : i32
      %ge3A = arith.constant 2 : i32
      %ge3A_80 = arith.cmpi sge, %mul3A_74, %ge3A : i32
      %convert_element_type3A_81 = arith.extui %ge3A_80 : i1 to i32
      %cond3A_82 = arith.constant 0 : i32
      %cond3A_83 = arith.cmpi ne, %convert_element_type3A_81, %cond3A_82 : i32
      scf.if %cond3A_83 {
        %dma_wait3A_138 = arith.constant 0 : i32
        %dma_wait3A_139 = arith.constant 0 : i32
        %dma_wait3A_140 = tpu.memref_slice %arg14[%dma_wait3A_138, %dma_wait3A_139] : memref<10240x128xf32, #tpu.memory_space<vmem_shared>> -> memref<10240x128xf32, #tpu.memory_space<vmem_shared>>
        tpu.wait_indirect_dma semaphore(%arg17 : memref<!tpu.dma_semaphore, #tpu.memory_space<semaphore_mem>>) src(%arg11 : memref<80x128xf32, #tpu.memory_space<vmem>>) dst(%dma_wait3A_140 : memref<10240x128xf32, #tpu.memory_space<vmem_shared>>)
      } else {
      }
      %dma_start3A_84 = tpu.memref_slice %arg2[%add3A_79] : memref<320000xi32, #tpu.memory_space<hbm>> -> memref<80xi32, #tpu.memory_space<hbm>>
      %dma_start3A_85 = tpu.memref_slice %arg2[%add3A_79] : memref<320000xi32, #tpu.memory_space<hbm>> -> memref<80xi32, #tpu.memory_space<hbm>>
      tpu.enqueue_dma source(%dma_start3A_85 : memref<80xi32, #tpu.memory_space<hbm>>) target(%arg7 : memref<80xi32, #tpu.memory_space<vmem>>) target_semaphore(%arg15 : memref<!tpu.dma_semaphore, #tpu.memory_space<semaphore_mem>>)
      %dma_start3A_86 = arith.constant 0 : i32
      %dma_start3A_87 = tpu.memref_slice %arg3[%add3A_79, %dma_start3A_86] : memref<320000x16xf32, #tpu.memory_space<hbm>> -> memref<80x16xf32, #tpu.memory_space<hbm>>
      %dma_start3A_88 = arith.constant 0 : i32
      %dma_start3A_89 = tpu.memref_slice %arg3[%add3A_79, %dma_start3A_88] : memref<320000x16xf32, #tpu.memory_space<hbm>> -> memref<80x16xf32, #tpu.memory_space<hbm>>
      tpu.enqueue_dma source(%dma_start3A_89 : memref<80x16xf32, #tpu.memory_space<hbm>>) target(%arg9 : memref<80x16xf32, #tpu.memory_space<vmem>>) target_semaphore(%arg15 : memref<!tpu.dma_semaphore, #tpu.memory_space<semaphore_mem>>)
      %dma_wait3A_90 = tpu.memref_slice %arg2[%add3A_79] : memref<320000xi32, #tpu.memory_space<hbm>> -> memref<80xi32, #tpu.memory_space<hbm>>
      %dma_wait3A_91 = tpu.memref_slice %arg2[%add3A_79] : memref<320000xi32, #tpu.memory_space<hbm>> -> memref<80xi32, #tpu.memory_space<hbm>>
      tpu.wait_dma2 semaphore(%arg15 : memref<!tpu.dma_semaphore, #tpu.memory_space<semaphore_mem>>) src(%dma_wait3A_91 : memref<80xi32, #tpu.memory_space<hbm>>) dst(%arg7 : memref<80xi32, #tpu.memory_space<vmem>>)
      %dma_wait3A_92 = arith.constant 0 : i32
      %dma_wait3A_93 = tpu.memref_slice %arg3[%add3A_79, %dma_wait3A_92] : memref<320000x16xf32, #tpu.memory_space<hbm>> -> memref<80x16xf32, #tpu.memory_space<hbm>>
      %dma_wait3A_94 = arith.constant 0 : i32
      %dma_wait3A_95 = tpu.memref_slice %arg3[%add3A_79, %dma_wait3A_94] : memref<320000x16xf32, #tpu.memory_space<hbm>> -> memref<80x16xf32, #tpu.memory_space<hbm>>
      tpu.wait_dma2 semaphore(%arg15 : memref<!tpu.dma_semaphore, #tpu.memory_space<semaphore_mem>>) src(%dma_wait3A_95 : memref<80x16xf32, #tpu.memory_space<hbm>>) dst(%arg9 : memref<80x16xf32, #tpu.memory_space<vmem>>)
      %scan3A_96 = arith.constant 0 : i32
      %scan3A_97 = arith.constant 80 : i32
      %scan3A_98 = arith.addi %scan3A_96, %scan3A_97 : i32
      %scan3A_99 = arith.constant 1 : i32
      scf.for %scan3A_138 = %scan3A_96 to %scan3A_98 step %scan3A_99  : i32 {
        %get3A_139 = arith.index_cast %scan3A_138 : i32 to index
        %get3A_140 = arith.constant 0 : index
        %get3A_141 = tpu.vector_load %arg9[%get3A_139, %get3A_140] {strides = array<i32>} : memref<80x16xf32, #tpu.memory_space<vmem>>, vector<1x16xf32>,
        %get3A_142 = vector.shape_cast %get3A_141 : vector<1x16xf32> to vector<16xf32>
        %sub3A = arith.subf %get3A_142, %get3A_4 : vector<16xf32>
        %exp3A = math.exp %sub3A : vector<16xf32>
        %swap3A = arith.index_cast %scan3A_138 : i32 to index
        %swap3A_143 = arith.constant 0 : index
        %swap3A_144 = tpu.vector_load %arg11[%swap3A, %swap3A_143] {strides = array<i32>} : memref<80x128xf32, #tpu.memory_space<vmem>>, vector<1x16xf32>,
        %swap3A_145 = vector.shape_cast %swap3A_144 : vector<1x16xf32> to vector<16xf32>
        %swap3A_146 = vector.shape_cast %exp3A : vector<16xf32> to vector<1x16xf32>
        tpu.vector_store %arg11[%swap3A, %swap3A_143], %swap3A_146 {strides = array<i32>} : memref<80x128xf32, #tpu.memory_space<vmem>>, vector<1x16xf32>,
      }
      %scan3A_100 = arith.constant 80 : i32
      %dma_start3A_101 = arith.constant 0 : i32
      %dma_start3A_102 = arith.constant 0 : i32
      %dma_start3A_103 = tpu.memref_slice %arg14[%dma_start3A_101, %dma_start3A_102] : memref<10240x128xf32, #tpu.memory_space<vmem_shared>> -> memref<10240x128xf32, #tpu.memory_space<vmem_shared>>
      tpu.enqueue_indirect_dma source(%arg11 : memref<80x128xf32, #tpu.memory_space<vmem>>) target(%dma_start3A_103 : memref<10240x128xf32, #tpu.memory_space<vmem_shared>>) offsets(%arg7 : memref<80xi32, #tpu.memory_space<vmem>>) semaphore(%arg17 : memref<!tpu.dma_semaphore, #tpu.memory_space<semaphore_mem>>) {add = true}
      %mul3A_104 = arith.constant 2 : i32
      %mul3A_105 = arith.muli %mul3A_104, %scan3A_72 : i32
      %add3A_106 = arith.constant 1 : i32
      %add3A_107 = arith.addi %mul3A_105, %add3A_106 : i32
      %mul3A_108 = arith.constant 10000 : i32
      %mul3A_109 = arith.muli %add3A, %mul3A_108 : i32
      %mul3A_110 = arith.constant 80 : i32
      %mul3A_111 = arith.muli %add3A_107, %mul3A_110 : i32
      %add3A_112 = arith.addi %mul3A_109, %mul3A_111 : i32
      %ge3A_113 = arith.constant 2 : i32
      %ge3A_114 = arith.cmpi sge, %add3A_107, %ge3A_113 : i32
      %convert_element_type3A_115 = arith.extui %ge3A_114 : i1 to i32
      %cond3A_116 = arith.constant 0 : i32
      %cond3A_117 = arith.cmpi ne, %convert_element_type3A_115, %cond3A_116 : i32
      scf.if %cond3A_117 {
        %dma_wait3A_138 = arith.constant 0 : i32
        %dma_wait3A_139 = arith.constant 0 : i32
        %dma_wait3A_140 = tpu.memref_slice %arg14[%dma_wait3A_138, %dma_wait3A_139] : memref<10240x128xf32, #tpu.memory_space<vmem_shared>> -> memref<10240x128xf32, #tpu.memory_space<vmem_shared>>
        tpu.wait_indirect_dma semaphore(%arg18 : memref<!tpu.dma_semaphore, #tpu.memory_space<semaphore_mem>>) src(%arg12 : memref<80x128xf32, #tpu.memory_space<vmem>>) dst(%dma_wait3A_140 : memref<10240x128xf32, #tpu.memory_space<vmem_shared>>)
      } else {
      }
      %dma_start3A_118 = tpu.memref_slice %arg2[%add3A_112] : memref<320000xi32, #tpu.memory_space<hbm>> -> memref<80xi32, #tpu.memory_space<hbm>>
      %dma_start3A_119 = tpu.memref_slice %arg2[%add3A_112] : memref<320000xi32, #tpu.memory_space<hbm>> -> memref<80xi32, #tpu.memory_space<hbm>>
      tpu.enqueue_dma source(%dma_start3A_119 : memref<80xi32, #tpu.memory_space<hbm>>) target(%arg8 : memref<80xi32, #tpu.memory_space<vmem>>) target_semaphore(%arg16 : memref<!tpu.dma_semaphore, #tpu.memory_space<semaphore_mem>>)
      %dma_start3A_120 = arith.constant 0 : i32
      %dma_start3A_121 = tpu.memref_slice %arg3[%add3A_112, %dma_start3A_120] : memref<320000x16xf32, #tpu.memory_space<hbm>> -> memref<80x16xf32, #tpu.memory_space<hbm>>
      %dma_start3A_122 = arith.constant 0 : i32
      %dma_start3A_123 = tpu.memref_slice %arg3[%add3A_112, %dma_start3A_122] : memref<320000x16xf32, #tpu.memory_space<hbm>> -> memref<80x16xf32, #tpu.memory_space<hbm>>
      tpu.enqueue_dma source(%dma_start3A_123 : memref<80x16xf32, #tpu.memory_space<hbm>>) target(%arg10 : memref<80x16xf32, #tpu.memory_space<vmem>>) target_semaphore(%arg16 : memref<!tpu.dma_semaphore, #tpu.memory_space<semaphore_mem>>)
      %dma_wait3A_124 = tpu.memref_slice %arg2[%add3A_112] : memref<320000xi32, #tpu.memory_space<hbm>> -> memref<80xi32, #tpu.memory_space<hbm>>
      %dma_wait3A_125 = tpu.memref_slice %arg2[%add3A_112] : memref<320000xi32, #tpu.memory_space<hbm>> -> memref<80xi32, #tpu.memory_space<hbm>>
      tpu.wait_dma2 semaphore(%arg16 : memref<!tpu.dma_semaphore, #tpu.memory_space<semaphore_mem>>) src(%dma_wait3A_125 : memref<80xi32, #tpu.memory_space<hbm>>) dst(%arg8 : memref<80xi32, #tpu.memory_space<vmem>>)
      %dma_wait3A_126 = arith.constant 0 : i32
      %dma_wait3A_127 = tpu.memref_slice %arg3[%add3A_112, %dma_wait3A_126] : memref<320000x16xf32, #tpu.memory_space<hbm>> -> memref<80x16xf32, #tpu.memory_space<hbm>>
      %dma_wait3A_128 = arith.constant 0 : i32
      %dma_wait3A_129 = tpu.memref_slice %arg3[%add3A_112, %dma_wait3A_128] : memref<320000x16xf32, #tpu.memory_space<hbm>> -> memref<80x16xf32, #tpu.memory_space<hbm>>
      tpu.wait_dma2 semaphore(%arg16 : memref<!tpu.dma_semaphore, #tpu.memory_space<semaphore_mem>>) src(%dma_wait3A_129 : memref<80x16xf32, #tpu.memory_space<hbm>>) dst(%arg10 : memref<80x16xf32, #tpu.memory_space<vmem>>)
      %scan3A_130 = arith.constant 0 : i32
      %scan3A_131 = arith.constant 80 : i32
      %scan3A_132 = arith.addi %scan3A_130, %scan3A_131 : i32
      %scan3A_133 = arith.constant 1 : i32
      scf.for %scan3A_138 = %scan3A_130 to %scan3A_132 step %scan3A_133  : i32 {
        %get3A_139 = arith.index_cast %scan3A_138 : i32 to index
        %get3A_140 = arith.constant 0 : index
        %get3A_141 = tpu.vector_load %arg10[%get3A_139, %get3A_140] {strides = array<i32>} : memref<80x16xf32, #tpu.memory_space<vmem>>, vector<1x16xf32>,
        %get3A_142 = vector.shape_cast %get3A_141 : vector<1x16xf32> to vector<16xf32>
        %sub3A = arith.subf %get3A_142, %get3A_4 : vector<16xf32>
        %exp3A = math.exp %sub3A : vector<16xf32>
        %swap3A = arith.index_cast %scan3A_138 : i32 to index
        %swap3A_143 = arith.constant 0 : index
        %swap3A_144 = tpu.vector_load %arg12[%swap3A, %swap3A_143] {strides = array<i32>} : memref<80x128xf32, #tpu.memory_space<vmem>>, vector<1x16xf32>,
        %swap3A_145 = vector.shape_cast %swap3A_144 : vector<1x16xf32> to vector<16xf32>
        %swap3A_146 = vector.shape_cast %exp3A : vector<16xf32> to vector<1x16xf32>
        tpu.vector_store %arg12[%swap3A, %swap3A_143], %swap3A_146 {strides = array<i32>} : memref<80x128xf32, #tpu.memory_space<vmem>>, vector<1x16xf32>,
      }
      %scan3A_134 = arith.constant 80 : i32
      %dma_start3A_135 = arith.constant 0 : i32
      %dma_start3A_136 = arith.constant 0 : i32
      %dma_start3A_137 = tpu.memref_slice %arg14[%dma_start3A_135, %dma_start3A_136] : memref<10240x128xf32, #tpu.memory_space<vmem_shared>> -> memref<10240x128xf32, #tpu.memory_space<vmem_shared>>
      tpu.enqueue_indirect_dma source(%arg12 : memref<80x128xf32, #tpu.memory_space<vmem>>) target(%dma_start3A_137 : memref<10240x128xf32, #tpu.memory_space<vmem_shared>>) offsets(%arg8 : memref<80xi32, #tpu.memory_space<vmem>>) semaphore(%arg18 : memref<!tpu.dma_semaphore, #tpu.memory_space<semaphore_mem>>) {add = true}
    }
    %scan3A_32 = arith.constant 62 : i32
    %mul3A_33 = arith.constant 10000 : i32
    %mul3A_34 = arith.muli %add3A, %mul3A_33 : i32
    %add3A_35 = arith.constant 9920 : i32
    %add3A_36 = arith.addi %mul3A_34, %add3A_35 : i32
    %dma_wait3A = arith.constant 0 : i32
    %dma_wait3A_37 = arith.constant 0 : i32
    %dma_wait3A_38 = tpu.memref_slice %arg14[%dma_wait3A, %dma_wait3A_37] : memref<10240x128xf32, #tpu.memory_space<vmem_shared>> -> memref<10240x128xf32, #tpu.memory_space<vmem_shared>>
    tpu.wait_indirect_dma semaphore(%arg17 : memref<!tpu.dma_semaphore, #tpu.memory_space<semaphore_mem>>) src(%arg11 : memref<80x128xf32, #tpu.memory_space<vmem>>) dst(%dma_wait3A_38 : memref<10240x128xf32, #tpu.memory_space<vmem_shared>>)
    %dma_start3A = tpu.memref_slice %arg2[%add3A_36] : memref<320000xi32, #tpu.memory_space<hbm>> -> memref<80xi32, #tpu.memory_space<hbm>>
    %dma_start3A_39 = tpu.memref_slice %arg2[%add3A_36] : memref<320000xi32, #tpu.memory_space<hbm>> -> memref<80xi32, #tpu.memory_space<hbm>>
    tpu.enqueue_dma source(%dma_start3A_39 : memref<80xi32, #tpu.memory_space<hbm>>) target(%arg7 : memref<80xi32, #tpu.memory_space<vmem>>) target_semaphore(%arg15 : memref<!tpu.dma_semaphore, #tpu.memory_space<semaphore_mem>>)
    %dma_start3A_40 = arith.constant 0 : i32
    %dma_start3A_41 = tpu.memref_slice %arg3[%add3A_36, %dma_start3A_40] : memref<320000x16xf32, #tpu.memory_space<hbm>> -> memref<80x16xf32, #tpu.memory_space<hbm>>
    %dma_start3A_42 = arith.constant 0 : i32
    %dma_start3A_43 = tpu.memref_slice %arg3[%add3A_36, %dma_start3A_42] : memref<320000x16xf32, #tpu.memory_space<hbm>> -> memref<80x16xf32, #tpu.memory_space<hbm>>
    tpu.enqueue_dma source(%dma_start3A_43 : memref<80x16xf32, #tpu.memory_space<hbm>>) target(%arg9 : memref<80x16xf32, #tpu.memory_space<vmem>>) target_semaphore(%arg15 : memref<!tpu.dma_semaphore, #tpu.memory_space<semaphore_mem>>)
    %dma_wait3A_44 = tpu.memref_slice %arg2[%add3A_36] : memref<320000xi32, #tpu.memory_space<hbm>> -> memref<80xi32, #tpu.memory_space<hbm>>
    %dma_wait3A_45 = tpu.memref_slice %arg2[%add3A_36] : memref<320000xi32, #tpu.memory_space<hbm>> -> memref<80xi32, #tpu.memory_space<hbm>>
    tpu.wait_dma2 semaphore(%arg15 : memref<!tpu.dma_semaphore, #tpu.memory_space<semaphore_mem>>) src(%dma_wait3A_45 : memref<80xi32, #tpu.memory_space<hbm>>) dst(%arg7 : memref<80xi32, #tpu.memory_space<vmem>>)
    %dma_wait3A_46 = arith.constant 0 : i32
    %dma_wait3A_47 = tpu.memref_slice %arg3[%add3A_36, %dma_wait3A_46] : memref<320000x16xf32, #tpu.memory_space<hbm>> -> memref<80x16xf32, #tpu.memory_space<hbm>>
    %dma_wait3A_48 = arith.constant 0 : i32
    %dma_wait3A_49 = tpu.memref_slice %arg3[%add3A_36, %dma_wait3A_48] : memref<320000x16xf32, #tpu.memory_space<hbm>> -> memref<80x16xf32, #tpu.memory_space<hbm>>
    tpu.wait_dma2 semaphore(%arg15 : memref<!tpu.dma_semaphore, #tpu.memory_space<semaphore_mem>>) src(%dma_wait3A_49 : memref<80x16xf32, #tpu.memory_space<hbm>>) dst(%arg9 : memref<80x16xf32, #tpu.memory_space<vmem>>)
    %scan3A_50 = arith.constant 0 : i32
    %scan3A_51 = arith.constant 80 : i32
    %scan3A_52 = arith.addi %scan3A_50, %scan3A_51 : i32
    %scan3A_53 = arith.constant 1 : i32
    scf.for %scan3A_72 = %scan3A_50 to %scan3A_52 step %scan3A_53  : i32 {
      %get3A_73 = arith.index_cast %scan3A_72 : i32 to index
      %get3A_74 = arith.constant 0 : index
      %get3A_75 = tpu.vector_load %arg9[%get3A_73, %get3A_74] {strides = array<i32>} : memref<80x16xf32, #tpu.memory_space<vmem>>, vector<1x16xf32>,
      %get3A_76 = vector.shape_cast %get3A_75 : vector<1x16xf32> to vector<16xf32>
      %sub3A = arith.subf %get3A_76, %get3A_4 : vector<16xf32>
      %exp3A = math.exp %sub3A : vector<16xf32>
      %swap3A = arith.index_cast %scan3A_72 : i32 to index
      %swap3A_77 = arith.constant 0 : index
      %swap3A_78 = tpu.vector_load %arg11[%swap3A, %swap3A_77] {strides = array<i32>} : memref<80x128xf32, #tpu.memory_space<vmem>>, vector<1x16xf32>,
      %swap3A_79 = vector.shape_cast %swap3A_78 : vector<1x16xf32> to vector<16xf32>
      %swap3A_80 = vector.shape_cast %exp3A : vector<16xf32> to vector<1x16xf32>
      tpu.vector_store %arg11[%swap3A, %swap3A_77], %swap3A_80 {strides = array<i32>} : memref<80x128xf32, #tpu.memory_space<vmem>>, vector<1x16xf32>,
    }
    %scan3A_54 = arith.constant 80 : i32
    %dma_start3A_55 = arith.constant 0 : i32
    %dma_start3A_56 = arith.constant 0 : i32
    %dma_start3A_57 = tpu.memref_slice %arg14[%dma_start3A_55, %dma_start3A_56] : memref<10240x128xf32, #tpu.memory_space<vmem_shared>> -> memref<10240x128xf32, #tpu.memory_space<vmem_shared>>
    tpu.enqueue_indirect_dma source(%arg11 : memref<80x128xf32, #tpu.memory_space<vmem>>) target(%dma_start3A_57 : memref<10240x128xf32, #tpu.memory_space<vmem_shared>>) offsets(%arg7 : memref<80xi32, #tpu.memory_space<vmem>>) semaphore(%arg17 : memref<!tpu.dma_semaphore, #tpu.memory_space<semaphore_mem>>) {add = true}
    %dma_wait3A_58 = arith.constant 0 : i32
    %dma_wait3A_59 = arith.constant 0 : i32
    %dma_wait3A_60 = tpu.memref_slice %arg14[%dma_wait3A_58, %dma_wait3A_59] : memref<10240x128xf32, #tpu.memory_space<vmem_shared>> -> memref<10240x128xf32, #tpu.memory_space<vmem_shared>>
    tpu.wait_indirect_dma semaphore(%arg17 : memref<!tpu.dma_semaphore, #tpu.memory_space<semaphore_mem>>) src(%arg11 : memref<80x128xf32, #tpu.memory_space<vmem>>) dst(%dma_wait3A_60 : memref<10240x128xf32, #tpu.memory_space<vmem_shared>>)
    %dma_wait3A_61 = arith.constant 0 : i32
    %dma_wait3A_62 = arith.constant 0 : i32
    %dma_wait3A_63 = tpu.memref_slice %arg14[%dma_wait3A_61, %dma_wait3A_62] : memref<10240x128xf32, #tpu.memory_space<vmem_shared>> -> memref<10240x128xf32, #tpu.memory_space<vmem_shared>>
    tpu.wait_indirect_dma semaphore(%arg18 : memref<!tpu.dma_semaphore, #tpu.memory_space<semaphore_mem>>) src(%arg12 : memref<80x128xf32, #tpu.memory_space<vmem>>) dst(%dma_wait3A_63 : memref<10240x128xf32, #tpu.memory_space<vmem_shared>>)
    %barrier3A_64 = arith.constant 0 : index
    tpu.barrier barrier_id(%barrier3A_64)
    %eq3A = arith.constant 0 : i32
    %eq3A_65 = arith.cmpi eq, %arg0, %eq3A : i32
    %convert_element_type3A = arith.extui %eq3A_65 : i1 to i32
    %cond3A = arith.constant 0 : i32
    %cond3A_66 = arith.cmpi ne, %convert_element_type3A, %cond3A : i32
    scf.if %cond3A_66 {
      "tpu.region"() ({
        %run_scoped3A = tpu.sem_alloc : memref<!tpu.dma_semaphore, #tpu.memory_space<semaphore_mem>>
        %dma_start3A_72 = arith.constant 0 : i32
        %dma_start3A_73 = tpu.memref_slice %arg5[%mul3A_11, %dma_start3A_72] : memref<10240x128xf32, #tpu.memory_space<hbm>> -> memref<640x128xf32, #tpu.memory_space<hbm>>
        %dma_start3A_74 = arith.constant 0 : i32
        %dma_start3A_75 = tpu.memref_slice %arg14[%mul3A_11, %dma_start3A_74] : memref<10240x128xf32, #tpu.memory_space<vmem_shared>> -> memref<640x128xf32, #tpu.memory_space<vmem_shared>>
        tpu.enqueue_dma source(%dma_start3A_75 : memref<640x128xf32, #tpu.memory_space<vmem_shared>>) target(%dma_start3A_73 : memref<640x128xf32, #tpu.memory_space<hbm>>) target_semaphore(%run_scoped3A : memref<!tpu.dma_semaphore, #tpu.memory_space<semaphore_mem>>)
        %dma_wait3A_76 = arith.constant 0 : i32
        %dma_wait3A_77 = tpu.memref_slice %arg5[%mul3A_11, %dma_wait3A_76] : memref<10240x128xf32, #tpu.memory_space<hbm>> -> memref<640x128xf32, #tpu.memory_space<hbm>>
        %dma_wait3A_78 = arith.constant 0 : i32
        %dma_wait3A_79 = tpu.memref_slice %arg14[%mul3A_11, %dma_wait3A_78] : memref<10240x128xf32, #tpu.memory_space<vmem_shared>> -> memref<640x128xf32, #tpu.memory_space<vmem_shared>>
        tpu.wait_dma2 semaphore(%run_scoped3A : memref<!tpu.dma_semaphore, #tpu.memory_space<semaphore_mem>>) src(%dma_wait3A_79 : memref<640x128xf32, #tpu.memory_space<vmem_shared>>) dst(%dma_wait3A_77 : memref<640x128xf32, #tpu.memory_space<hbm>>)
        tpu.yield
      }) : () -> ()
    } else {
    }
    %eq3A_67 = arith.constant 1 : i32
    %eq3A_68 = arith.cmpi eq, %arg0, %eq3A_67 : i32
    %convert_element_type3A_69 = arith.extui %eq3A_68 : i1 to i32
    %cond3A_70 = arith.constant 0 : i32
    %cond3A_71 = arith.cmpi ne, %convert_element_type3A_69, %cond3A_70 : i32
    scf.if %cond3A_71 {
      "tpu.region"() ({
        %run_scoped3A = tpu.sem_alloc : memref<!tpu.dma_semaphore, #tpu.memory_space<semaphore_mem>>
        %dma_start3A_72 = arith.constant 0 : i32
        %dma_start3A_73 = tpu.memref_slice %arg6[%mul3A_11, %dma_start3A_72] : memref<10240x128xf32, #tpu.memory_space<hbm>> -> memref<640x128xf32, #tpu.memory_space<hbm>>
        %dma_start3A_74 = arith.constant 0 : i32
        %dma_start3A_75 = tpu.memref_slice %arg14[%mul3A_11, %dma_start3A_74] : memref<10240x128xf32, #tpu.memory_space<vmem_shared>> -> memref<640x128xf32, #tpu.memory_space<vmem_shared>>
        tpu.enqueue_dma source(%dma_start3A_75 : memref<640x128xf32, #tpu.memory_space<vmem_shared>>) target(%dma_start3A_73 : memref<640x128xf32, #tpu.memory_space<hbm>>) target_semaphore(%run_scoped3A : memref<!tpu.dma_semaphore, #tpu.memory_space<semaphore_mem>>)
        %dma_wait3A_76 = arith.constant 0 : i32
        %dma_wait3A_77 = tpu.memref_slice %arg6[%mul3A_11, %dma_wait3A_76] : memref<10240x128xf32, #tpu.memory_space<hbm>> -> memref<640x128xf32, #tpu.memory_space<hbm>>
        %dma_wait3A_78 = arith.constant 0 : i32
        %dma_wait3A_79 = tpu.memref_slice %arg14[%mul3A_11, %dma_wait3A_78] : memref<10240x128xf32, #tpu.memory_space<vmem_shared>> -> memref<640x128xf32, #tpu.memory_space<vmem_shared>>
        tpu.wait_dma2 semaphore(%run_scoped3A : memref<!tpu.dma_semaphore, #tpu.memory_space<semaphore_mem>>) src(%dma_wait3A_79 : memref<640x128xf32, #tpu.memory_space<vmem_shared>>) dst(%dma_wait3A_77 : memref<640x128xf32, #tpu.memory_space<hbm>>)
        tpu.yield
      }) : () -> ()
    } else {
    }
    return
  }
}

#map = affine_map<(d0, d1) -> (0, 0)>
#map1 = affine_map<(d0, d1) -> (0)>
module attributes {stable_mosaic.version = 14 : i64} {
  func.func @_gather_body(%arg0: i32, %arg1: i32, %arg2: memref<10000x128xf32, #tpu.memory_space<hbm>>, %arg3: memref<10000x128xf32, #tpu.memory_space<hbm>>, %arg4: memref<320000xi32, #tpu.memory_space<hbm>>, %arg5: memref<320000xi32, #tpu.memory_space<hbm>>, %arg6: memref<320000x128xf32, #tpu.memory_space<hbm>>, %arg7: memref<80xi32, #tpu.memory_space<vmem>>, %arg8: memref<80xi32, #tpu.memory_space<vmem>>, %arg9: memref<80xi32, #tpu.memory_space<vmem>>, %arg10: memref<80xi32, #tpu.memory_space<vmem>>, %arg11: memref<80x128xf32, #tpu.memory_space<vmem>>, %arg12: memref<80x128xf32, #tpu.memory_space<vmem>>, %arg13: memref<80x128xf32, #tpu.memory_space<vmem>>, %arg14: memref<80x128xf32, #tpu.memory_space<vmem>>, %arg15: memref<!tpu.dma_semaphore, #tpu.memory_space<semaphore_mem>>, %arg16: memref<!tpu.dma_semaphore, #tpu.memory_space<semaphore_mem>>, %arg17: memref<!tpu.dma_semaphore, #tpu.memory_space<semaphore_mem>>, %arg18: memref<!tpu.dma_semaphore, #tpu.memory_space<semaphore_mem>>, %arg19: memref<!tpu.dma_semaphore, #tpu.memory_space<semaphore_mem>>, %arg20: memref<!tpu.dma_semaphore, #tpu.memory_space<semaphore_mem>>) attributes {dimension_semantics = [#tpu.dimension_semantics<core_parallel>, #tpu.dimension_semantics<subcore_parallel>], iteration_bounds = array<i64: 2, 16>, scalar_prefetch = 0 : i64, scratch_operands = 14 : i64, tpu.core_type = #tpu.core_type<sc_vector_subcore>, window_params = [{transform_indices = #map}, {transform_indices = #map}, {transform_indices = #map1}, {transform_indices = #map1}, {transform_indices = #map}]} {
    %mul3A = arith.constant 2 : i32
    %mul3A_0 = arith.muli %arg1, %mul3A : i32
    %add3A = arith.addi %mul3A_0, %arg0 : i32
    %mul3A_1 = arith.constant 10000 : i32
    %mul3A_2 = arith.muli %add3A, %mul3A_1 : i32
    %add3A_3 = arith.constant 0 : i32
    %add3A_4 = arith.addi %mul3A_2, %add3A_3 : i32
    %dma_start3A = tpu.memref_slice %arg4[%add3A_4] : memref<320000xi32, #tpu.memory_space<hbm>> -> memref<80xi32, #tpu.memory_space<hbm>>
    %dma_start3A_5 = tpu.memref_slice %arg4[%add3A_4] : memref<320000xi32, #tpu.memory_space<hbm>> -> memref<80xi32, #tpu.memory_space<hbm>>
    tpu.enqueue_dma source(%dma_start3A_5 : memref<80xi32, #tpu.memory_space<hbm>>) target(%arg7 : memref<80xi32, #tpu.memory_space<vmem>>) target_semaphore(%arg15 : memref<!tpu.dma_semaphore, #tpu.memory_space<semaphore_mem>>)
    %dma_start3A_6 = tpu.memref_slice %arg5[%add3A_4] : memref<320000xi32, #tpu.memory_space<hbm>> -> memref<80xi32, #tpu.memory_space<hbm>>
    %dma_start3A_7 = tpu.memref_slice %arg5[%add3A_4] : memref<320000xi32, #tpu.memory_space<hbm>> -> memref<80xi32, #tpu.memory_space<hbm>>
    tpu.enqueue_dma source(%dma_start3A_7 : memref<80xi32, #tpu.memory_space<hbm>>) target(%arg9 : memref<80xi32, #tpu.memory_space<vmem>>) target_semaphore(%arg15 : memref<!tpu.dma_semaphore, #tpu.memory_space<semaphore_mem>>)
    %mul3A_8 = arith.constant 10000 : i32
    %mul3A_9 = arith.muli %add3A, %mul3A_8 : i32
    %add3A_10 = arith.constant 80 : i32
    %add3A_11 = arith.addi %mul3A_9, %add3A_10 : i32
    %dma_start3A_12 = tpu.memref_slice %arg4[%add3A_11] : memref<320000xi32, #tpu.memory_space<hbm>> -> memref<80xi32, #tpu.memory_space<hbm>>
    %dma_start3A_13 = tpu.memref_slice %arg4[%add3A_11] : memref<320000xi32, #tpu.memory_space<hbm>> -> memref<80xi32, #tpu.memory_space<hbm>>
    tpu.enqueue_dma source(%dma_start3A_13 : memref<80xi32, #tpu.memory_space<hbm>>) target(%arg8 : memref<80xi32, #tpu.memory_space<vmem>>) target_semaphore(%arg16 : memref<!tpu.dma_semaphore, #tpu.memory_space<semaphore_mem>>)
    %dma_start3A_14 = tpu.memref_slice %arg5[%add3A_11] : memref<320000xi32, #tpu.memory_space<hbm>> -> memref<80xi32, #tpu.memory_space<hbm>>
    %dma_start3A_15 = tpu.memref_slice %arg5[%add3A_11] : memref<320000xi32, #tpu.memory_space<hbm>> -> memref<80xi32, #tpu.memory_space<hbm>>
    tpu.enqueue_dma source(%dma_start3A_15 : memref<80xi32, #tpu.memory_space<hbm>>) target(%arg10 : memref<80xi32, #tpu.memory_space<vmem>>) target_semaphore(%arg16 : memref<!tpu.dma_semaphore, #tpu.memory_space<semaphore_mem>>)
    %scan3A = arith.constant 0 : i32
    %scan3A_16 = arith.constant 62 : i32
    %scan3A_17 = arith.addi %scan3A, %scan3A_16 : i32
    %scan3A_18 = arith.constant 1 : i32
    scf.for %scan3A_64 = %scan3A to %scan3A_17 step %scan3A_18  : i32 {
      %mul3A_65 = arith.constant 2 : i32
      %mul3A_66 = arith.muli %mul3A_65, %scan3A_64 : i32
      %mul3A_67 = arith.constant 10000 : i32
      %mul3A_68 = arith.muli %add3A, %mul3A_67 : i32
      %mul3A_69 = arith.constant 80 : i32
      %mul3A_70 = arith.muli %mul3A_66, %mul3A_69 : i32
      %add3A_71 = arith.addi %mul3A_68, %mul3A_70 : i32
      %dma_wait3A_72 = tpu.memref_slice %arg4[%add3A_71] : memref<320000xi32, #tpu.memory_space<hbm>> -> memref<80xi32, #tpu.memory_space<hbm>>
      %dma_wait3A_73 = tpu.memref_slice %arg4[%add3A_71] : memref<320000xi32, #tpu.memory_space<hbm>> -> memref<80xi32, #tpu.memory_space<hbm>>
      tpu.wait_dma2 semaphore(%arg15 : memref<!tpu.dma_semaphore, #tpu.memory_space<semaphore_mem>>) src(%dma_wait3A_73 : memref<80xi32, #tpu.memory_space<hbm>>) dst(%arg7 : memref<80xi32, #tpu.memory_space<vmem>>)
      %dma_wait3A_74 = tpu.memref_slice %arg5[%add3A_71] : memref<320000xi32, #tpu.memory_space<hbm>> -> memref<80xi32, #tpu.memory_space<hbm>>
      %dma_wait3A_75 = tpu.memref_slice %arg5[%add3A_71] : memref<320000xi32, #tpu.memory_space<hbm>> -> memref<80xi32, #tpu.memory_space<hbm>>
      tpu.wait_dma2 semaphore(%arg15 : memref<!tpu.dma_semaphore, #tpu.memory_space<semaphore_mem>>) src(%dma_wait3A_75 : memref<80xi32, #tpu.memory_space<hbm>>) dst(%arg9 : memref<80xi32, #tpu.memory_space<vmem>>)
      %ge3A = arith.constant 2 : i32
      %ge3A_76 = arith.cmpi sge, %mul3A_66, %ge3A : i32
      %convert_element_type3A = arith.extui %ge3A_76 : i1 to i32
      %cond3A = arith.constant 0 : i32
      %cond3A_77 = arith.cmpi ne, %convert_element_type3A, %cond3A : i32
      scf.if %cond3A_77 {
        %dma_wait3A_151 = arith.constant 0 : i32
        %dma_wait3A_152 = tpu.memref_slice %arg6[%add3A_71, %dma_wait3A_151] : memref<320000x128xf32, #tpu.memory_space<hbm>> -> memref<80x128xf32, #tpu.memory_space<hbm>>
        %dma_wait3A_153 = arith.constant 0 : i32
        %dma_wait3A_154 = tpu.memref_slice %arg6[%add3A_71, %dma_wait3A_153] : memref<320000x128xf32, #tpu.memory_space<hbm>> -> memref<80x128xf32, #tpu.memory_space<hbm>>
        tpu.wait_dma2 semaphore(%arg19 : memref<!tpu.dma_semaphore, #tpu.memory_space<semaphore_mem>>) src(%arg11 : memref<80x128xf32, #tpu.memory_space<vmem>>) dst(%dma_wait3A_154 : memref<80x128xf32, #tpu.memory_space<hbm>>)
      } else {
      }
      %dma_start3A_78 = arith.constant 0 : i32
      %dma_start3A_79 = arith.constant 0 : i32
      %dma_start3A_80 = tpu.memref_slice %arg2[%dma_start3A_78, %dma_start3A_79] : memref<10000x128xf32, #tpu.memory_space<hbm>> -> memref<10000x128xf32, #tpu.memory_space<hbm>>
      tpu.enqueue_indirect_dma source(%dma_start3A_80 : memref<10000x128xf32, #tpu.memory_space<hbm>>) target(%arg11 : memref<80x128xf32, #tpu.memory_space<vmem>>) offsets(%arg7 : memref<80xi32, #tpu.memory_space<vmem>>) semaphore(%arg17 : memref<!tpu.dma_semaphore, #tpu.memory_space<semaphore_mem>>)
      %dma_start3A_81 = arith.constant 0 : i32
      %dma_start3A_82 = arith.constant 0 : i32
      %dma_start3A_83 = tpu.memref_slice %arg3[%dma_start3A_81, %dma_start3A_82] : memref<10000x128xf32, #tpu.memory_space<hbm>> -> memref<10000x128xf32, #tpu.memory_space<hbm>>
      tpu.enqueue_indirect_dma source(%dma_start3A_83 : memref<10000x128xf32, #tpu.memory_space<hbm>>) target(%arg13 : memref<80x128xf32, #tpu.memory_space<vmem>>) offsets(%arg9 : memref<80xi32, #tpu.memory_space<vmem>>) semaphore(%arg17 : memref<!tpu.dma_semaphore, #tpu.memory_space<semaphore_mem>>)
      %dma_wait3A_84 = arith.constant 0 : i32
      %dma_wait3A_85 = arith.constant 0 : i32
      %dma_wait3A_86 = tpu.memref_slice %arg2[%dma_wait3A_84, %dma_wait3A_85] : memref<10000x128xf32, #tpu.memory_space<hbm>> -> memref<10000x128xf32, #tpu.memory_space<hbm>>
      tpu.wait_indirect_dma semaphore(%arg17 : memref<!tpu.dma_semaphore, #tpu.memory_space<semaphore_mem>>) src(%dma_wait3A_86 : memref<10000x128xf32, #tpu.memory_space<hbm>>) dst(%arg11 : memref<80x128xf32, #tpu.memory_space<vmem>>)
      %dma_wait3A_87 = arith.constant 0 : i32
      %dma_wait3A_88 = arith.constant 0 : i32
      %dma_wait3A_89 = tpu.memref_slice %arg3[%dma_wait3A_87, %dma_wait3A_88] : memref<10000x128xf32, #tpu.memory_space<hbm>> -> memref<10000x128xf32, #tpu.memory_space<hbm>>
      tpu.wait_indirect_dma semaphore(%arg17 : memref<!tpu.dma_semaphore, #tpu.memory_space<semaphore_mem>>) src(%dma_wait3A_89 : memref<10000x128xf32, #tpu.memory_space<hbm>>) dst(%arg13 : memref<80x128xf32, #tpu.memory_space<vmem>>)
      %scan3A_90 = arith.constant 0 : i32
      %scan3A_91 = arith.constant 80 : i32
      %scan3A_92 = arith.addi %scan3A_90, %scan3A_91 : i32
      %scan3A_93 = arith.constant 1 : i32
      scf.for %scan3A_151 = %scan3A_90 to %scan3A_92 step %scan3A_93  : i32 {
        %get3A = arith.index_cast %scan3A_151 : i32 to index
        %get3A_152 = arith.constant 0 : index
        %get3A_153 = tpu.vector_load %arg11[%get3A, %get3A_152] {strides = array<i32>} : memref<80x128xf32, #tpu.memory_space<vmem>>, vector<1x16xf32>,
        %get3A_154 = vector.shape_cast %get3A_153 : vector<1x16xf32> to vector<16xf32>
        %get3A_155 = arith.index_cast %scan3A_151 : i32 to index
        %get3A_156 = arith.constant 0 : index
        %get3A_157 = tpu.vector_load %arg13[%get3A_155, %get3A_156] {strides = array<i32>} : memref<80x128xf32, #tpu.memory_space<vmem>>, vector<1x16xf32>,
        %get3A_158 = vector.shape_cast %get3A_157 : vector<1x16xf32> to vector<16xf32>
        %add3A_159 = arith.addf %get3A_154, %get3A_158 : vector<16xf32>
        %swap3A = arith.index_cast %scan3A_151 : i32 to index
        %swap3A_160 = arith.constant 0 : index
        %swap3A_161 = tpu.vector_load %arg11[%swap3A, %swap3A_160] {strides = array<i32>} : memref<80x128xf32, #tpu.memory_space<vmem>>, vector<1x16xf32>,
        %swap3A_162 = vector.shape_cast %swap3A_161 : vector<1x16xf32> to vector<16xf32>
        %swap3A_163 = vector.shape_cast %add3A_159 : vector<16xf32> to vector<1x16xf32>
        tpu.vector_store %arg11[%swap3A, %swap3A_160], %swap3A_163 {strides = array<i32>} : memref<80x128xf32, #tpu.memory_space<vmem>>, vector<1x16xf32>,
        %get3A_164 = arith.index_cast %scan3A_151 : i32 to index
        %get3A_165 = arith.constant 16 : index
        %get3A_166 = tpu.vector_load %arg11[%get3A_164, %get3A_165] {strides = array<i32>} : memref<80x128xf32, #tpu.memory_space<vmem>>, vector<1x16xf32>,
        %get3A_167 = vector.shape_cast %get3A_166 : vector<1x16xf32> to vector<16xf32>
        %get3A_168 = arith.index_cast %scan3A_151 : i32 to index
        %get3A_169 = arith.constant 16 : index
        %get3A_170 = tpu.vector_load %arg13[%get3A_168, %get3A_169] {strides = array<i32>} : memref<80x128xf32, #tpu.memory_space<vmem>>, vector<1x16xf32>,
        %get3A_171 = vector.shape_cast %get3A_170 : vector<1x16xf32> to vector<16xf32>
        %add3A_172 = arith.addf %get3A_167, %get3A_171 : vector<16xf32>
        %swap3A_173 = arith.index_cast %scan3A_151 : i32 to index
        %swap3A_174 = arith.constant 16 : index
        %swap3A_175 = tpu.vector_load %arg11[%swap3A_173, %swap3A_174] {strides = array<i32>} : memref<80x128xf32, #tpu.memory_space<vmem>>, vector<1x16xf32>,
        %swap3A_176 = vector.shape_cast %swap3A_175 : vector<1x16xf32> to vector<16xf32>
        %swap3A_177 = vector.shape_cast %add3A_172 : vector<16xf32> to vector<1x16xf32>
        tpu.vector_store %arg11[%swap3A_173, %swap3A_174], %swap3A_177 {strides = array<i32>} : memref<80x128xf32, #tpu.memory_space<vmem>>, vector<1x16xf32>,
        %get3A_178 = arith.index_cast %scan3A_151 : i32 to index
        %get3A_179 = arith.constant 32 : index
        %get3A_180 = tpu.vector_load %arg11[%get3A_178, %get3A_179] {strides = array<i32>} : memref<80x128xf32, #tpu.memory_space<vmem>>, vector<1x16xf32>,
        %get3A_181 = vector.shape_cast %get3A_180 : vector<1x16xf32> to vector<16xf32>
        %get3A_182 = arith.index_cast %scan3A_151 : i32 to index
        %get3A_183 = arith.constant 32 : index
        %get3A_184 = tpu.vector_load %arg13[%get3A_182, %get3A_183] {strides = array<i32>} : memref<80x128xf32, #tpu.memory_space<vmem>>, vector<1x16xf32>,
        %get3A_185 = vector.shape_cast %get3A_184 : vector<1x16xf32> to vector<16xf32>
        %add3A_186 = arith.addf %get3A_181, %get3A_185 : vector<16xf32>
        %swap3A_187 = arith.index_cast %scan3A_151 : i32 to index
        %swap3A_188 = arith.constant 32 : index
        %swap3A_189 = tpu.vector_load %arg11[%swap3A_187, %swap3A_188] {strides = array<i32>} : memref<80x128xf32, #tpu.memory_space<vmem>>, vector<1x16xf32>,
        %swap3A_190 = vector.shape_cast %swap3A_189 : vector<1x16xf32> to vector<16xf32>
        %swap3A_191 = vector.shape_cast %add3A_186 : vector<16xf32> to vector<1x16xf32>
        tpu.vector_store %arg11[%swap3A_187, %swap3A_188], %swap3A_191 {strides = array<i32>} : memref<80x128xf32, #tpu.memory_space<vmem>>, vector<1x16xf32>,
        %get3A_192 = arith.index_cast %scan3A_151 : i32 to index
        %get3A_193 = arith.constant 48 : index
        %get3A_194 = tpu.vector_load %arg11[%get3A_192, %get3A_193] {strides = array<i32>} : memref<80x128xf32, #tpu.memory_space<vmem>>, vector<1x16xf32>,
        %get3A_195 = vector.shape_cast %get3A_194 : vector<1x16xf32> to vector<16xf32>
        %get3A_196 = arith.index_cast %scan3A_151 : i32 to index
        %get3A_197 = arith.constant 48 : index
        %get3A_198 = tpu.vector_load %arg13[%get3A_196, %get3A_197] {strides = array<i32>} : memref<80x128xf32, #tpu.memory_space<vmem>>, vector<1x16xf32>,
        %get3A_199 = vector.shape_cast %get3A_198 : vector<1x16xf32> to vector<16xf32>
        %add3A_200 = arith.addf %get3A_195, %get3A_199 : vector<16xf32>
        %swap3A_201 = arith.index_cast %scan3A_151 : i32 to index
        %swap3A_202 = arith.constant 48 : index
        %swap3A_203 = tpu.vector_load %arg11[%swap3A_201, %swap3A_202] {strides = array<i32>} : memref<80x128xf32, #tpu.memory_space<vmem>>, vector<1x16xf32>,
        %swap3A_204 = vector.shape_cast %swap3A_203 : vector<1x16xf32> to vector<16xf32>
        %swap3A_205 = vector.shape_cast %add3A_200 : vector<16xf32> to vector<1x16xf32>
        tpu.vector_store %arg11[%swap3A_201, %swap3A_202], %swap3A_205 {strides = array<i32>} : memref<80x128xf32, #tpu.memory_space<vmem>>, vector<1x16xf32>,
        %get3A_206 = arith.index_cast %scan3A_151 : i32 to index
        %get3A_207 = arith.constant 64 : index
        %get3A_208 = tpu.vector_load %arg11[%get3A_206, %get3A_207] {strides = array<i32>} : memref<80x128xf32, #tpu.memory_space<vmem>>, vector<1x16xf32>,
        %get3A_209 = vector.shape_cast %get3A_208 : vector<1x16xf32> to vector<16xf32>
        %get3A_210 = arith.index_cast %scan3A_151 : i32 to index
        %get3A_211 = arith.constant 64 : index
        %get3A_212 = tpu.vector_load %arg13[%get3A_210, %get3A_211] {strides = array<i32>} : memref<80x128xf32, #tpu.memory_space<vmem>>, vector<1x16xf32>,
        %get3A_213 = vector.shape_cast %get3A_212 : vector<1x16xf32> to vector<16xf32>
        %add3A_214 = arith.addf %get3A_209, %get3A_213 : vector<16xf32>
        %swap3A_215 = arith.index_cast %scan3A_151 : i32 to index
        %swap3A_216 = arith.constant 64 : index
        %swap3A_217 = tpu.vector_load %arg11[%swap3A_215, %swap3A_216] {strides = array<i32>} : memref<80x128xf32, #tpu.memory_space<vmem>>, vector<1x16xf32>,
        %swap3A_218 = vector.shape_cast %swap3A_217 : vector<1x16xf32> to vector<16xf32>
        %swap3A_219 = vector.shape_cast %add3A_214 : vector<16xf32> to vector<1x16xf32>
        tpu.vector_store %arg11[%swap3A_215, %swap3A_216], %swap3A_219 {strides = array<i32>} : memref<80x128xf32, #tpu.memory_space<vmem>>, vector<1x16xf32>,
        %get3A_220 = arith.index_cast %scan3A_151 : i32 to index
        %get3A_221 = arith.constant 80 : index
        %get3A_222 = tpu.vector_load %arg11[%get3A_220, %get3A_221] {strides = array<i32>} : memref<80x128xf32, #tpu.memory_space<vmem>>, vector<1x16xf32>,
        %get3A_223 = vector.shape_cast %get3A_222 : vector<1x16xf32> to vector<16xf32>
        %get3A_224 = arith.index_cast %scan3A_151 : i32 to index
        %get3A_225 = arith.constant 80 : index
        %get3A_226 = tpu.vector_load %arg13[%get3A_224, %get3A_225] {strides = array<i32>} : memref<80x128xf32, #tpu.memory_space<vmem>>, vector<1x16xf32>,
        %get3A_227 = vector.shape_cast %get3A_226 : vector<1x16xf32> to vector<16xf32>
        %add3A_228 = arith.addf %get3A_223, %get3A_227 : vector<16xf32>
        %swap3A_229 = arith.index_cast %scan3A_151 : i32 to index
        %swap3A_230 = arith.constant 80 : index
        %swap3A_231 = tpu.vector_load %arg11[%swap3A_229, %swap3A_230] {strides = array<i32>} : memref<80x128xf32, #tpu.memory_space<vmem>>, vector<1x16xf32>,
        %swap3A_232 = vector.shape_cast %swap3A_231 : vector<1x16xf32> to vector<16xf32>
        %swap3A_233 = vector.shape_cast %add3A_228 : vector<16xf32> to vector<1x16xf32>
        tpu.vector_store %arg11[%swap3A_229, %swap3A_230], %swap3A_233 {strides = array<i32>} : memref<80x128xf32, #tpu.memory_space<vmem>>, vector<1x16xf32>,
        %get3A_234 = arith.index_cast %scan3A_151 : i32 to index
        %get3A_235 = arith.constant 96 : index
        %get3A_236 = tpu.vector_load %arg11[%get3A_234, %get3A_235] {strides = array<i32>} : memref<80x128xf32, #tpu.memory_space<vmem>>, vector<1x16xf32>,
        %get3A_237 = vector.shape_cast %get3A_236 : vector<1x16xf32> to vector<16xf32>
        %get3A_238 = arith.index_cast %scan3A_151 : i32 to index
        %get3A_239 = arith.constant 96 : index
        %get3A_240 = tpu.vector_load %arg13[%get3A_238, %get3A_239] {strides = array<i32>} : memref<80x128xf32, #tpu.memory_space<vmem>>, vector<1x16xf32>,
        %get3A_241 = vector.shape_cast %get3A_240 : vector<1x16xf32> to vector<16xf32>
        %add3A_242 = arith.addf %get3A_237, %get3A_241 : vector<16xf32>
        %swap3A_243 = arith.index_cast %scan3A_151 : i32 to index
        %swap3A_244 = arith.constant 96 : index
        %swap3A_245 = tpu.vector_load %arg11[%swap3A_243, %swap3A_244] {strides = array<i32>} : memref<80x128xf32, #tpu.memory_space<vmem>>, vector<1x16xf32>,
        %swap3A_246 = vector.shape_cast %swap3A_245 : vector<1x16xf32> to vector<16xf32>
        %swap3A_247 = vector.shape_cast %add3A_242 : vector<16xf32> to vector<1x16xf32>
        tpu.vector_store %arg11[%swap3A_243, %swap3A_244], %swap3A_247 {strides = array<i32>} : memref<80x128xf32, #tpu.memory_space<vmem>>, vector<1x16xf32>,
        %get3A_248 = arith.index_cast %scan3A_151 : i32 to index
        %get3A_249 = arith.constant 112 : index
        %get3A_250 = tpu.vector_load %arg11[%get3A_248, %get3A_249] {strides = array<i32>} : memref<80x128xf32, #tpu.memory_space<vmem>>, vector<1x16xf32>,
        %get3A_251 = vector.shape_cast %get3A_250 : vector<1x16xf32> to vector<16xf32>
        %get3A_252 = arith.index_cast %scan3A_151 : i32 to index
        %get3A_253 = arith.constant 112 : index
        %get3A_254 = tpu.vector_load %arg13[%get3A_252, %get3A_253] {strides = array<i32>} : memref<80x128xf32, #tpu.memory_space<vmem>>, vector<1x16xf32>,
        %get3A_255 = vector.shape_cast %get3A_254 : vector<1x16xf32> to vector<16xf32>
        %add3A_256 = arith.addf %get3A_251, %get3A_255 : vector<16xf32>
        %swap3A_257 = arith.index_cast %scan3A_151 : i32 to index
        %swap3A_258 = arith.constant 112 : index
        %swap3A_259 = tpu.vector_load %arg11[%swap3A_257, %swap3A_258] {strides = array<i32>} : memref<80x128xf32, #tpu.memory_space<vmem>>, vector<1x16xf32>,
        %swap3A_260 = vector.shape_cast %swap3A_259 : vector<1x16xf32> to vector<16xf32>
        %swap3A_261 = vector.shape_cast %add3A_256 : vector<16xf32> to vector<1x16xf32>
        tpu.vector_store %arg11[%swap3A_257, %swap3A_258], %swap3A_261 {strides = array<i32>} : memref<80x128xf32, #tpu.memory_space<vmem>>, vector<1x16xf32>,
      }
      %scan3A_94 = arith.constant 80 : i32
      %dma_start3A_95 = arith.constant 0 : i32
      %dma_start3A_96 = tpu.memref_slice %arg6[%add3A_71, %dma_start3A_95] : memref<320000x128xf32, #tpu.memory_space<hbm>> -> memref<80x128xf32, #tpu.memory_space<hbm>>
      %dma_start3A_97 = arith.constant 0 : i32
      %dma_start3A_98 = tpu.memref_slice %arg6[%add3A_71, %dma_start3A_97] : memref<320000x128xf32, #tpu.memory_space<hbm>> -> memref<80x128xf32, #tpu.memory_space<hbm>>
      tpu.enqueue_dma source(%arg11 : memref<80x128xf32, #tpu.memory_space<vmem>>) target(%dma_start3A_98 : memref<80x128xf32, #tpu.memory_space<hbm>>) target_semaphore(%arg19 : memref<!tpu.dma_semaphore, #tpu.memory_space<semaphore_mem>>)
      %add3A_99 = arith.constant 2 : i32
      %add3A_100 = arith.addi %mul3A_66, %add3A_99 : i32
      %lt3A = arith.constant 125 : i32
      %lt3A_101 = arith.cmpi slt, %add3A_100, %lt3A : i32
      %convert_element_type3A_102 = arith.extui %lt3A_101 : i1 to i32
      %cond3A_103 = arith.constant 0 : i32
      %cond3A_104 = arith.cmpi ne, %convert_element_type3A_102, %cond3A_103 : i32
      scf.if %cond3A_104 {
        %add3A_151 = arith.constant 2 : i32
        %add3A_152 = arith.addi %mul3A_66, %add3A_151 : i32
        %mul3A_153 = arith.constant 10000 : i32
        %mul3A_154 = arith.muli %add3A, %mul3A_153 : i32
        %mul3A_155 = arith.constant 80 : i32
        %mul3A_156 = arith.muli %add3A_152, %mul3A_155 : i32
        %add3A_157 = arith.addi %mul3A_154, %mul3A_156 : i32
        %dma_start3A_158 = tpu.memref_slice %arg4[%add3A_157] : memref<320000xi32, #tpu.memory_space<hbm>> -> memref<80xi32, #tpu.memory_space<hbm>>
        %dma_start3A_159 = tpu.memref_slice %arg4[%add3A_157] : memref<320000xi32, #tpu.memory_space<hbm>> -> memref<80xi32, #tpu.memory_space<hbm>>
        tpu.enqueue_dma source(%dma_start3A_159 : memref<80xi32, #tpu.memory_space<hbm>>) target(%arg7 : memref<80xi32, #tpu.memory_space<vmem>>) target_semaphore(%arg15 : memref<!tpu.dma_semaphore, #tpu.memory_space<semaphore_mem>>)
        %dma_start3A_160 = tpu.memref_slice %arg5[%add3A_157] : memref<320000xi32, #tpu.memory_space<hbm>> -> memref<80xi32, #tpu.memory_space<hbm>>
        %dma_start3A_161 = tpu.memref_slice %arg5[%add3A_157] : memref<320000xi32, #tpu.memory_space<hbm>> -> memref<80xi32, #tpu.memory_space<hbm>>
        tpu.enqueue_dma source(%dma_start3A_161 : memref<80xi32, #tpu.memory_space<hbm>>) target(%arg9 : memref<80xi32, #tpu.memory_space<vmem>>) target_semaphore(%arg15 : memref<!tpu.dma_semaphore, #tpu.memory_space<semaphore_mem>>)
      } else {
      }
      %mul3A_105 = arith.constant 2 : i32
      %mul3A_106 = arith.muli %mul3A_105, %scan3A_64 : i32
      %add3A_107 = arith.constant 1 : i32
      %add3A_108 = arith.addi %mul3A_106, %add3A_107 : i32
      %mul3A_109 = arith.constant 10000 : i32
      %mul3A_110 = arith.muli %add3A, %mul3A_109 : i32
      %mul3A_111 = arith.constant 80 : i32
      %mul3A_112 = arith.muli %add3A_108, %mul3A_111 : i32
      %add3A_113 = arith.addi %mul3A_110, %mul3A_112 : i32
      %dma_wait3A_114 = tpu.memref_slice %arg4[%add3A_113] : memref<320000xi32, #tpu.memory_space<hbm>> -> memref<80xi32, #tpu.memory_space<hbm>>
      %dma_wait3A_115 = tpu.memref_slice %arg4[%add3A_113] : memref<320000xi32, #tpu.memory_space<hbm>> -> memref<80xi32, #tpu.memory_space<hbm>>
      tpu.wait_dma2 semaphore(%arg16 : memref<!tpu.dma_semaphore, #tpu.memory_space<semaphore_mem>>) src(%dma_wait3A_115 : memref<80xi32, #tpu.memory_space<hbm>>) dst(%arg8 : memref<80xi32, #tpu.memory_space<vmem>>)
      %dma_wait3A_116 = tpu.memref_slice %arg5[%add3A_113] : memref<320000xi32, #tpu.memory_space<hbm>> -> memref<80xi32, #tpu.memory_space<hbm>>
      %dma_wait3A_117 = tpu.memref_slice %arg5[%add3A_113] : memref<320000xi32, #tpu.memory_space<hbm>> -> memref<80xi32, #tpu.memory_space<hbm>>
      tpu.wait_dma2 semaphore(%arg16 : memref<!tpu.dma_semaphore, #tpu.memory_space<semaphore_mem>>) src(%dma_wait3A_117 : memref<80xi32, #tpu.memory_space<hbm>>) dst(%arg10 : memref<80xi32, #tpu.memory_space<vmem>>)
      %ge3A_118 = arith.constant 2 : i32
      %ge3A_119 = arith.cmpi sge, %add3A_108, %ge3A_118 : i32
      %convert_element_type3A_120 = arith.extui %ge3A_119 : i1 to i32
      %cond3A_121 = arith.constant 0 : i32
      %cond3A_122 = arith.cmpi ne, %convert_element_type3A_120, %cond3A_121 : i32
      scf.if %cond3A_122 {
        %dma_wait3A_151 = arith.constant 0 : i32
        %dma_wait3A_152 = tpu.memref_slice %arg6[%add3A_113, %dma_wait3A_151] : memref<320000x128xf32, #tpu.memory_space<hbm>> -> memref<80x128xf32, #tpu.memory_space<hbm>>
        %dma_wait3A_153 = arith.constant 0 : i32
        %dma_wait3A_154 = tpu.memref_slice %arg6[%add3A_113, %dma_wait3A_153] : memref<320000x128xf32, #tpu.memory_space<hbm>> -> memref<80x128xf32, #tpu.memory_space<hbm>>
        tpu.wait_dma2 semaphore(%arg20 : memref<!tpu.dma_semaphore, #tpu.memory_space<semaphore_mem>>) src(%arg12 : memref<80x128xf32, #tpu.memory_space<vmem>>) dst(%dma_wait3A_154 : memref<80x128xf32, #tpu.memory_space<hbm>>)
      } else {
      }
      %dma_start3A_123 = arith.constant 0 : i32
      %dma_start3A_124 = arith.constant 0 : i32
      %dma_start3A_125 = tpu.memref_slice %arg2[%dma_start3A_123, %dma_start3A_124] : memref<10000x128xf32, #tpu.memory_space<hbm>> -> memref<10000x128xf32, #tpu.memory_space<hbm>>
      tpu.enqueue_indirect_dma source(%dma_start3A_125 : memref<10000x128xf32, #tpu.memory_space<hbm>>) target(%arg12 : memref<80x128xf32, #tpu.memory_space<vmem>>) offsets(%arg8 : memref<80xi32, #tpu.memory_space<vmem>>) semaphore(%arg18 : memref<!tpu.dma_semaphore, #tpu.memory_space<semaphore_mem>>)
      %dma_start3A_126 = arith.constant 0 : i32
      %dma_start3A_127 = arith.constant 0 : i32
      %dma_start3A_128 = tpu.memref_slice %arg3[%dma_start3A_126, %dma_start3A_127] : memref<10000x128xf32, #tpu.memory_space<hbm>> -> memref<10000x128xf32, #tpu.memory_space<hbm>>
      tpu.enqueue_indirect_dma source(%dma_start3A_128 : memref<10000x128xf32, #tpu.memory_space<hbm>>) target(%arg14 : memref<80x128xf32, #tpu.memory_space<vmem>>) offsets(%arg10 : memref<80xi32, #tpu.memory_space<vmem>>) semaphore(%arg18 : memref<!tpu.dma_semaphore, #tpu.memory_space<semaphore_mem>>)
      %dma_wait3A_129 = arith.constant 0 : i32
      %dma_wait3A_130 = arith.constant 0 : i32
      %dma_wait3A_131 = tpu.memref_slice %arg2[%dma_wait3A_129, %dma_wait3A_130] : memref<10000x128xf32, #tpu.memory_space<hbm>> -> memref<10000x128xf32, #tpu.memory_space<hbm>>
      tpu.wait_indirect_dma semaphore(%arg18 : memref<!tpu.dma_semaphore, #tpu.memory_space<semaphore_mem>>) src(%dma_wait3A_131 : memref<10000x128xf32, #tpu.memory_space<hbm>>) dst(%arg12 : memref<80x128xf32, #tpu.memory_space<vmem>>)
      %dma_wait3A_132 = arith.constant 0 : i32
      %dma_wait3A_133 = arith.constant 0 : i32
      %dma_wait3A_134 = tpu.memref_slice %arg3[%dma_wait3A_132, %dma_wait3A_133] : memref<10000x128xf32, #tpu.memory_space<hbm>> -> memref<10000x128xf32, #tpu.memory_space<hbm>>
      tpu.wait_indirect_dma semaphore(%arg18 : memref<!tpu.dma_semaphore, #tpu.memory_space<semaphore_mem>>) src(%dma_wait3A_134 : memref<10000x128xf32, #tpu.memory_space<hbm>>) dst(%arg14 : memref<80x128xf32, #tpu.memory_space<vmem>>)
      %scan3A_135 = arith.constant 0 : i32
      %scan3A_136 = arith.constant 80 : i32
      %scan3A_137 = arith.addi %scan3A_135, %scan3A_136 : i32
      %scan3A_138 = arith.constant 1 : i32
      scf.for %scan3A_151 = %scan3A_135 to %scan3A_137 step %scan3A_138  : i32 {
        %get3A = arith.index_cast %scan3A_151 : i32 to index
        %get3A_152 = arith.constant 0 : index
        %get3A_153 = tpu.vector_load %arg12[%get3A, %get3A_152] {strides = array<i32>} : memref<80x128xf32, #tpu.memory_space<vmem>>, vector<1x16xf32>,
        %get3A_154 = vector.shape_cast %get3A_153 : vector<1x16xf32> to vector<16xf32>
        %get3A_155 = arith.index_cast %scan3A_151 : i32 to index
        %get3A_156 = arith.constant 0 : index
        %get3A_157 = tpu.vector_load %arg14[%get3A_155, %get3A_156] {strides = array<i32>} : memref<80x128xf32, #tpu.memory_space<vmem>>, vector<1x16xf32>,
        %get3A_158 = vector.shape_cast %get3A_157 : vector<1x16xf32> to vector<16xf32>
        %add3A_159 = arith.addf %get3A_154, %get3A_158 : vector<16xf32>
        %swap3A = arith.index_cast %scan3A_151 : i32 to index
        %swap3A_160 = arith.constant 0 : index
        %swap3A_161 = tpu.vector_load %arg12[%swap3A, %swap3A_160] {strides = array<i32>} : memref<80x128xf32, #tpu.memory_space<vmem>>, vector<1x16xf32>,
        %swap3A_162 = vector.shape_cast %swap3A_161 : vector<1x16xf32> to vector<16xf32>
        %swap3A_163 = vector.shape_cast %add3A_159 : vector<16xf32> to vector<1x16xf32>
        tpu.vector_store %arg12[%swap3A, %swap3A_160], %swap3A_163 {strides = array<i32>} : memref<80x128xf32, #tpu.memory_space<vmem>>, vector<1x16xf32>,
        %get3A_164 = arith.index_cast %scan3A_151 : i32 to index
        %get3A_165 = arith.constant 16 : index
        %get3A_166 = tpu.vector_load %arg12[%get3A_164, %get3A_165] {strides = array<i32>} : memref<80x128xf32, #tpu.memory_space<vmem>>, vector<1x16xf32>,
        %get3A_167 = vector.shape_cast %get3A_166 : vector<1x16xf32> to vector<16xf32>
        %get3A_168 = arith.index_cast %scan3A_151 : i32 to index
        %get3A_169 = arith.constant 16 : index
        %get3A_170 = tpu.vector_load %arg14[%get3A_168, %get3A_169] {strides = array<i32>} : memref<80x128xf32, #tpu.memory_space<vmem>>, vector<1x16xf32>,
        %get3A_171 = vector.shape_cast %get3A_170 : vector<1x16xf32> to vector<16xf32>
        %add3A_172 = arith.addf %get3A_167, %get3A_171 : vector<16xf32>
        %swap3A_173 = arith.index_cast %scan3A_151 : i32 to index
        %swap3A_174 = arith.constant 16 : index
        %swap3A_175 = tpu.vector_load %arg12[%swap3A_173, %swap3A_174] {strides = array<i32>} : memref<80x128xf32, #tpu.memory_space<vmem>>, vector<1x16xf32>,
        %swap3A_176 = vector.shape_cast %swap3A_175 : vector<1x16xf32> to vector<16xf32>
        %swap3A_177 = vector.shape_cast %add3A_172 : vector<16xf32> to vector<1x16xf32>
        tpu.vector_store %arg12[%swap3A_173, %swap3A_174], %swap3A_177 {strides = array<i32>} : memref<80x128xf32, #tpu.memory_space<vmem>>, vector<1x16xf32>,
        %get3A_178 = arith.index_cast %scan3A_151 : i32 to index
        %get3A_179 = arith.constant 32 : index
        %get3A_180 = tpu.vector_load %arg12[%get3A_178, %get3A_179] {strides = array<i32>} : memref<80x128xf32, #tpu.memory_space<vmem>>, vector<1x16xf32>,
        %get3A_181 = vector.shape_cast %get3A_180 : vector<1x16xf32> to vector<16xf32>
        %get3A_182 = arith.index_cast %scan3A_151 : i32 to index
        %get3A_183 = arith.constant 32 : index
        %get3A_184 = tpu.vector_load %arg14[%get3A_182, %get3A_183] {strides = array<i32>} : memref<80x128xf32, #tpu.memory_space<vmem>>, vector<1x16xf32>,
        %get3A_185 = vector.shape_cast %get3A_184 : vector<1x16xf32> to vector<16xf32>
        %add3A_186 = arith.addf %get3A_181, %get3A_185 : vector<16xf32>
        %swap3A_187 = arith.index_cast %scan3A_151 : i32 to index
        %swap3A_188 = arith.constant 32 : index
        %swap3A_189 = tpu.vector_load %arg12[%swap3A_187, %swap3A_188] {strides = array<i32>} : memref<80x128xf32, #tpu.memory_space<vmem>>, vector<1x16xf32>,
        %swap3A_190 = vector.shape_cast %swap3A_189 : vector<1x16xf32> to vector<16xf32>
        %swap3A_191 = vector.shape_cast %add3A_186 : vector<16xf32> to vector<1x16xf32>
        tpu.vector_store %arg12[%swap3A_187, %swap3A_188], %swap3A_191 {strides = array<i32>} : memref<80x128xf32, #tpu.memory_space<vmem>>, vector<1x16xf32>,
        %get3A_192 = arith.index_cast %scan3A_151 : i32 to index
        %get3A_193 = arith.constant 48 : index
        %get3A_194 = tpu.vector_load %arg12[%get3A_192, %get3A_193] {strides = array<i32>} : memref<80x128xf32, #tpu.memory_space<vmem>>, vector<1x16xf32>,
        %get3A_195 = vector.shape_cast %get3A_194 : vector<1x16xf32> to vector<16xf32>
        %get3A_196 = arith.index_cast %scan3A_151 : i32 to index
        %get3A_197 = arith.constant 48 : index
        %get3A_198 = tpu.vector_load %arg14[%get3A_196, %get3A_197] {strides = array<i32>} : memref<80x128xf32, #tpu.memory_space<vmem>>, vector<1x16xf32>,
        %get3A_199 = vector.shape_cast %get3A_198 : vector<1x16xf32> to vector<16xf32>
        %add3A_200 = arith.addf %get3A_195, %get3A_199 : vector<16xf32>
        %swap3A_201 = arith.index_cast %scan3A_151 : i32 to index
        %swap3A_202 = arith.constant 48 : index
        %swap3A_203 = tpu.vector_load %arg12[%swap3A_201, %swap3A_202] {strides = array<i32>} : memref<80x128xf32, #tpu.memory_space<vmem>>, vector<1x16xf32>,
        %swap3A_204 = vector.shape_cast %swap3A_203 : vector<1x16xf32> to vector<16xf32>
        %swap3A_205 = vector.shape_cast %add3A_200 : vector<16xf32> to vector<1x16xf32>
        tpu.vector_store %arg12[%swap3A_201, %swap3A_202], %swap3A_205 {strides = array<i32>} : memref<80x128xf32, #tpu.memory_space<vmem>>, vector<1x16xf32>,
        %get3A_206 = arith.index_cast %scan3A_151 : i32 to index
        %get3A_207 = arith.constant 64 : index
        %get3A_208 = tpu.vector_load %arg12[%get3A_206, %get3A_207] {strides = array<i32>} : memref<80x128xf32, #tpu.memory_space<vmem>>, vector<1x16xf32>,
        %get3A_209 = vector.shape_cast %get3A_208 : vector<1x16xf32> to vector<16xf32>
        %get3A_210 = arith.index_cast %scan3A_151 : i32 to index
        %get3A_211 = arith.constant 64 : index
        %get3A_212 = tpu.vector_load %arg14[%get3A_210, %get3A_211] {strides = array<i32>} : memref<80x128xf32, #tpu.memory_space<vmem>>, vector<1x16xf32>,
        %get3A_213 = vector.shape_cast %get3A_212 : vector<1x16xf32> to vector<16xf32>
        %add3A_214 = arith.addf %get3A_209, %get3A_213 : vector<16xf32>
        %swap3A_215 = arith.index_cast %scan3A_151 : i32 to index
        %swap3A_216 = arith.constant 64 : index
        %swap3A_217 = tpu.vector_load %arg12[%swap3A_215, %swap3A_216] {strides = array<i32>} : memref<80x128xf32, #tpu.memory_space<vmem>>, vector<1x16xf32>,
        %swap3A_218 = vector.shape_cast %swap3A_217 : vector<1x16xf32> to vector<16xf32>
        %swap3A_219 = vector.shape_cast %add3A_214 : vector<16xf32> to vector<1x16xf32>
        tpu.vector_store %arg12[%swap3A_215, %swap3A_216], %swap3A_219 {strides = array<i32>} : memref<80x128xf32, #tpu.memory_space<vmem>>, vector<1x16xf32>,
        %get3A_220 = arith.index_cast %scan3A_151 : i32 to index
        %get3A_221 = arith.constant 80 : index
        %get3A_222 = tpu.vector_load %arg12[%get3A_220, %get3A_221] {strides = array<i32>} : memref<80x128xf32, #tpu.memory_space<vmem>>, vector<1x16xf32>,
        %get3A_223 = vector.shape_cast %get3A_222 : vector<1x16xf32> to vector<16xf32>
        %get3A_224 = arith.index_cast %scan3A_151 : i32 to index
        %get3A_225 = arith.constant 80 : index
        %get3A_226 = tpu.vector_load %arg14[%get3A_224, %get3A_225] {strides = array<i32>} : memref<80x128xf32, #tpu.memory_space<vmem>>, vector<1x16xf32>,
        %get3A_227 = vector.shape_cast %get3A_226 : vector<1x16xf32> to vector<16xf32>
        %add3A_228 = arith.addf %get3A_223, %get3A_227 : vector<16xf32>
        %swap3A_229 = arith.index_cast %scan3A_151 : i32 to index
        %swap3A_230 = arith.constant 80 : index
        %swap3A_231 = tpu.vector_load %arg12[%swap3A_229, %swap3A_230] {strides = array<i32>} : memref<80x128xf32, #tpu.memory_space<vmem>>, vector<1x16xf32>,
        %swap3A_232 = vector.shape_cast %swap3A_231 : vector<1x16xf32> to vector<16xf32>
        %swap3A_233 = vector.shape_cast %add3A_228 : vector<16xf32> to vector<1x16xf32>
        tpu.vector_store %arg12[%swap3A_229, %swap3A_230], %swap3A_233 {strides = array<i32>} : memref<80x128xf32, #tpu.memory_space<vmem>>, vector<1x16xf32>,
        %get3A_234 = arith.index_cast %scan3A_151 : i32 to index
        %get3A_235 = arith.constant 96 : index
        %get3A_236 = tpu.vector_load %arg12[%get3A_234, %get3A_235] {strides = array<i32>} : memref<80x128xf32, #tpu.memory_space<vmem>>, vector<1x16xf32>,
        %get3A_237 = vector.shape_cast %get3A_236 : vector<1x16xf32> to vector<16xf32>
        %get3A_238 = arith.index_cast %scan3A_151 : i32 to index
        %get3A_239 = arith.constant 96 : index
        %get3A_240 = tpu.vector_load %arg14[%get3A_238, %get3A_239] {strides = array<i32>} : memref<80x128xf32, #tpu.memory_space<vmem>>, vector<1x16xf32>,
        %get3A_241 = vector.shape_cast %get3A_240 : vector<1x16xf32> to vector<16xf32>
        %add3A_242 = arith.addf %get3A_237, %get3A_241 : vector<16xf32>
        %swap3A_243 = arith.index_cast %scan3A_151 : i32 to index
        %swap3A_244 = arith.constant 96 : index
        %swap3A_245 = tpu.vector_load %arg12[%swap3A_243, %swap3A_244] {strides = array<i32>} : memref<80x128xf32, #tpu.memory_space<vmem>>, vector<1x16xf32>,
        %swap3A_246 = vector.shape_cast %swap3A_245 : vector<1x16xf32> to vector<16xf32>
        %swap3A_247 = vector.shape_cast %add3A_242 : vector<16xf32> to vector<1x16xf32>
        tpu.vector_store %arg12[%swap3A_243, %swap3A_244], %swap3A_247 {strides = array<i32>} : memref<80x128xf32, #tpu.memory_space<vmem>>, vector<1x16xf32>,
        %get3A_248 = arith.index_cast %scan3A_151 : i32 to index
        %get3A_249 = arith.constant 112 : index
        %get3A_250 = tpu.vector_load %arg12[%get3A_248, %get3A_249] {strides = array<i32>} : memref<80x128xf32, #tpu.memory_space<vmem>>, vector<1x16xf32>,
        %get3A_251 = vector.shape_cast %get3A_250 : vector<1x16xf32> to vector<16xf32>
        %get3A_252 = arith.index_cast %scan3A_151 : i32 to index
        %get3A_253 = arith.constant 112 : index
        %get3A_254 = tpu.vector_load %arg14[%get3A_252, %get3A_253] {strides = array<i32>} : memref<80x128xf32, #tpu.memory_space<vmem>>, vector<1x16xf32>,
        %get3A_255 = vector.shape_cast %get3A_254 : vector<1x16xf32> to vector<16xf32>
        %add3A_256 = arith.addf %get3A_251, %get3A_255 : vector<16xf32>
        %swap3A_257 = arith.index_cast %scan3A_151 : i32 to index
        %swap3A_258 = arith.constant 112 : index
        %swap3A_259 = tpu.vector_load %arg12[%swap3A_257, %swap3A_258] {strides = array<i32>} : memref<80x128xf32, #tpu.memory_space<vmem>>, vector<1x16xf32>,
        %swap3A_260 = vector.shape_cast %swap3A_259 : vector<1x16xf32> to vector<16xf32>
        %swap3A_261 = vector.shape_cast %add3A_256 : vector<16xf32> to vector<1x16xf32>
        tpu.vector_store %arg12[%swap3A_257, %swap3A_258], %swap3A_261 {strides = array<i32>} : memref<80x128xf32, #tpu.memory_space<vmem>>, vector<1x16xf32>,
      }
      %scan3A_139 = arith.constant 80 : i32
      %dma_start3A_140 = arith.constant 0 : i32
      %dma_start3A_141 = tpu.memref_slice %arg6[%add3A_113, %dma_start3A_140] : memref<320000x128xf32, #tpu.memory_space<hbm>> -> memref<80x128xf32, #tpu.memory_space<hbm>>
      %dma_start3A_142 = arith.constant 0 : i32
      %dma_start3A_143 = tpu.memref_slice %arg6[%add3A_113, %dma_start3A_142] : memref<320000x128xf32, #tpu.memory_space<hbm>> -> memref<80x128xf32, #tpu.memory_space<hbm>>
      tpu.enqueue_dma source(%arg12 : memref<80x128xf32, #tpu.memory_space<vmem>>) target(%dma_start3A_143 : memref<80x128xf32, #tpu.memory_space<hbm>>) target_semaphore(%arg20 : memref<!tpu.dma_semaphore, #tpu.memory_space<semaphore_mem>>)
      %add3A_144 = arith.constant 2 : i32
      %add3A_145 = arith.addi %add3A_108, %add3A_144 : i32
      %lt3A_146 = arith.constant 125 : i32
      %lt3A_147 = arith.cmpi slt, %add3A_145, %lt3A_146 : i32
      %convert_element_type3A_148 = arith.extui %lt3A_147 : i1 to i32
      %cond3A_149 = arith.constant 0 : i32
      %cond3A_150 = arith.cmpi ne, %convert_element_type3A_148, %cond3A_149 : i32
      scf.if %cond3A_150 {
        %add3A_151 = arith.constant 2 : i32
        %add3A_152 = arith.addi %add3A_108, %add3A_151 : i32
        %mul3A_153 = arith.constant 10000 : i32
        %mul3A_154 = arith.muli %add3A, %mul3A_153 : i32
        %mul3A_155 = arith.constant 80 : i32
        %mul3A_156 = arith.muli %add3A_152, %mul3A_155 : i32
        %add3A_157 = arith.addi %mul3A_154, %mul3A_156 : i32
        %dma_start3A_158 = tpu.memref_slice %arg4[%add3A_157] : memref<320000xi32, #tpu.memory_space<hbm>> -> memref<80xi32, #tpu.memory_space<hbm>>
        %dma_start3A_159 = tpu.memref_slice %arg4[%add3A_157] : memref<320000xi32, #tpu.memory_space<hbm>> -> memref<80xi32, #tpu.memory_space<hbm>>
        tpu.enqueue_dma source(%dma_start3A_159 : memref<80xi32, #tpu.memory_space<hbm>>) target(%arg8 : memref<80xi32, #tpu.memory_space<vmem>>) target_semaphore(%arg16 : memref<!tpu.dma_semaphore, #tpu.memory_space<semaphore_mem>>)
        %dma_start3A_160 = tpu.memref_slice %arg5[%add3A_157] : memref<320000xi32, #tpu.memory_space<hbm>> -> memref<80xi32, #tpu.memory_space<hbm>>
        %dma_start3A_161 = tpu.memref_slice %arg5[%add3A_157] : memref<320000xi32, #tpu.memory_space<hbm>> -> memref<80xi32, #tpu.memory_space<hbm>>
        tpu.enqueue_dma source(%dma_start3A_161 : memref<80xi32, #tpu.memory_space<hbm>>) target(%arg10 : memref<80xi32, #tpu.memory_space<vmem>>) target_semaphore(%arg16 : memref<!tpu.dma_semaphore, #tpu.memory_space<semaphore_mem>>)
      } else {
      }
    }
    %scan3A_19 = arith.constant 62 : i32
    %mul3A_20 = arith.constant 10000 : i32
    %mul3A_21 = arith.muli %add3A, %mul3A_20 : i32
    %add3A_22 = arith.constant 9920 : i32
    %add3A_23 = arith.addi %mul3A_21, %add3A_22 : i32
    %dma_wait3A = tpu.memref_slice %arg4[%add3A_23] : memref<320000xi32, #tpu.memory_space<hbm>> -> memref<80xi32, #tpu.memory_space<hbm>>
    %dma_wait3A_24 = tpu.memref_slice %arg4[%add3A_23] : memref<320000xi32, #tpu.memory_space<hbm>> -> memref<80xi32, #tpu.memory_space<hbm>>
    tpu.wait_dma2 semaphore(%arg15 : memref<!tpu.dma_semaphore, #tpu.memory_space<semaphore_mem>>) src(%dma_wait3A_24 : memref<80xi32, #tpu.memory_space<hbm>>) dst(%arg7 : memref<80xi32, #tpu.memory_space<vmem>>)
    %dma_wait3A_25 = tpu.memref_slice %arg5[%add3A_23] : memref<320000xi32, #tpu.memory_space<hbm>> -> memref<80xi32, #tpu.memory_space<hbm>>
    %dma_wait3A_26 = tpu.memref_slice %arg5[%add3A_23] : memref<320000xi32, #tpu.memory_space<hbm>> -> memref<80xi32, #tpu.memory_space<hbm>>
    tpu.wait_dma2 semaphore(%arg15 : memref<!tpu.dma_semaphore, #tpu.memory_space<semaphore_mem>>) src(%dma_wait3A_26 : memref<80xi32, #tpu.memory_space<hbm>>) dst(%arg9 : memref<80xi32, #tpu.memory_space<vmem>>)
    %dma_wait3A_27 = arith.constant 0 : i32
    %dma_wait3A_28 = tpu.memref_slice %arg6[%add3A_23, %dma_wait3A_27] : memref<320000x128xf32, #tpu.memory_space<hbm>> -> memref<80x128xf32, #tpu.memory_space<hbm>>
    %dma_wait3A_29 = arith.constant 0 : i32
    %dma_wait3A_30 = tpu.memref_slice %arg6[%add3A_23, %dma_wait3A_29] : memref<320000x128xf32, #tpu.memory_space<hbm>> -> memref<80x128xf32, #tpu.memory_space<hbm>>
    tpu.wait_dma2 semaphore(%arg19 : memref<!tpu.dma_semaphore, #tpu.memory_space<semaphore_mem>>) src(%arg11 : memref<80x128xf32, #tpu.memory_space<vmem>>) dst(%dma_wait3A_30 : memref<80x128xf32, #tpu.memory_space<hbm>>)
    %dma_start3A_31 = arith.constant 0 : i32
    %dma_start3A_32 = arith.constant 0 : i32
    %dma_start3A_33 = tpu.memref_slice %arg2[%dma_start3A_31, %dma_start3A_32] : memref<10000x128xf32, #tpu.memory_space<hbm>> -> memref<10000x128xf32, #tpu.memory_space<hbm>>
    tpu.enqueue_indirect_dma source(%dma_start3A_33 : memref<10000x128xf32, #tpu.memory_space<hbm>>) target(%arg11 : memref<80x128xf32, #tpu.memory_space<vmem>>) offsets(%arg7 : memref<80xi32, #tpu.memory_space<vmem>>) semaphore(%arg17 : memref<!tpu.dma_semaphore, #tpu.memory_space<semaphore_mem>>)
    %dma_start3A_34 = arith.constant 0 : i32
    %dma_start3A_35 = arith.constant 0 : i32
    %dma_start3A_36 = tpu.memref_slice %arg3[%dma_start3A_34, %dma_start3A_35] : memref<10000x128xf32, #tpu.memory_space<hbm>> -> memref<10000x128xf32, #tpu.memory_space<hbm>>
    tpu.enqueue_indirect_dma source(%dma_start3A_36 : memref<10000x128xf32, #tpu.memory_space<hbm>>) target(%arg13 : memref<80x128xf32, #tpu.memory_space<vmem>>) offsets(%arg9 : memref<80xi32, #tpu.memory_space<vmem>>) semaphore(%arg17 : memref<!tpu.dma_semaphore, #tpu.memory_space<semaphore_mem>>)
    %dma_wait3A_37 = arith.constant 0 : i32
    %dma_wait3A_38 = arith.constant 0 : i32
    %dma_wait3A_39 = tpu.memref_slice %arg2[%dma_wait3A_37, %dma_wait3A_38] : memref<10000x128xf32, #tpu.memory_space<hbm>> -> memref<10000x128xf32, #tpu.memory_space<hbm>>
    tpu.wait_indirect_dma semaphore(%arg17 : memref<!tpu.dma_semaphore, #tpu.memory_space<semaphore_mem>>) src(%dma_wait3A_39 : memref<10000x128xf32, #tpu.memory_space<hbm>>) dst(%arg11 : memref<80x128xf32, #tpu.memory_space<vmem>>)
    %dma_wait3A_40 = arith.constant 0 : i32
    %dma_wait3A_41 = arith.constant 0 : i32
    %dma_wait3A_42 = tpu.memref_slice %arg3[%dma_wait3A_40, %dma_wait3A_41] : memref<10000x128xf32, #tpu.memory_space<hbm>> -> memref<10000x128xf32, #tpu.memory_space<hbm>>
    tpu.wait_indirect_dma semaphore(%arg17 : memref<!tpu.dma_semaphore, #tpu.memory_space<semaphore_mem>>) src(%dma_wait3A_42 : memref<10000x128xf32, #tpu.memory_space<hbm>>) dst(%arg13 : memref<80x128xf32, #tpu.memory_space<vmem>>)
    %scan3A_43 = arith.constant 0 : i32
    %scan3A_44 = arith.constant 80 : i32
    %scan3A_45 = arith.addi %scan3A_43, %scan3A_44 : i32
    %scan3A_46 = arith.constant 1 : i32
    scf.for %scan3A_64 = %scan3A_43 to %scan3A_45 step %scan3A_46  : i32 {
      %get3A = arith.index_cast %scan3A_64 : i32 to index
      %get3A_65 = arith.constant 0 : index
      %get3A_66 = tpu.vector_load %arg11[%get3A, %get3A_65] {strides = array<i32>} : memref<80x128xf32, #tpu.memory_space<vmem>>, vector<1x16xf32>,
      %get3A_67 = vector.shape_cast %get3A_66 : vector<1x16xf32> to vector<16xf32>
      %get3A_68 = arith.index_cast %scan3A_64 : i32 to index
      %get3A_69 = arith.constant 0 : index
      %get3A_70 = tpu.vector_load %arg13[%get3A_68, %get3A_69] {strides = array<i32>} : memref<80x128xf32, #tpu.memory_space<vmem>>, vector<1x16xf32>,
      %get3A_71 = vector.shape_cast %get3A_70 : vector<1x16xf32> to vector<16xf32>
      %add3A_72 = arith.addf %get3A_67, %get3A_71 : vector<16xf32>
      %swap3A = arith.index_cast %scan3A_64 : i32 to index
      %swap3A_73 = arith.constant 0 : index
      %swap3A_74 = tpu.vector_load %arg11[%swap3A, %swap3A_73] {strides = array<i32>} : memref<80x128xf32, #tpu.memory_space<vmem>>, vector<1x16xf32>,
      %swap3A_75 = vector.shape_cast %swap3A_74 : vector<1x16xf32> to vector<16xf32>
      %swap3A_76 = vector.shape_cast %add3A_72 : vector<16xf32> to vector<1x16xf32>
      tpu.vector_store %arg11[%swap3A, %swap3A_73], %swap3A_76 {strides = array<i32>} : memref<80x128xf32, #tpu.memory_space<vmem>>, vector<1x16xf32>,
      %get3A_77 = arith.index_cast %scan3A_64 : i32 to index
      %get3A_78 = arith.constant 16 : index
      %get3A_79 = tpu.vector_load %arg11[%get3A_77, %get3A_78] {strides = array<i32>} : memref<80x128xf32, #tpu.memory_space<vmem>>, vector<1x16xf32>,
      %get3A_80 = vector.shape_cast %get3A_79 : vector<1x16xf32> to vector<16xf32>
      %get3A_81 = arith.index_cast %scan3A_64 : i32 to index
      %get3A_82 = arith.constant 16 : index
      %get3A_83 = tpu.vector_load %arg13[%get3A_81, %get3A_82] {strides = array<i32>} : memref<80x128xf32, #tpu.memory_space<vmem>>, vector<1x16xf32>,
      %get3A_84 = vector.shape_cast %get3A_83 : vector<1x16xf32> to vector<16xf32>
      %add3A_85 = arith.addf %get3A_80, %get3A_84 : vector<16xf32>
      %swap3A_86 = arith.index_cast %scan3A_64 : i32 to index
      %swap3A_87 = arith.constant 16 : index
      %swap3A_88 = tpu.vector_load %arg11[%swap3A_86, %swap3A_87] {strides = array<i32>} : memref<80x128xf32, #tpu.memory_space<vmem>>, vector<1x16xf32>,
      %swap3A_89 = vector.shape_cast %swap3A_88 : vector<1x16xf32> to vector<16xf32>
      %swap3A_90 = vector.shape_cast %add3A_85 : vector<16xf32> to vector<1x16xf32>
      tpu.vector_store %arg11[%swap3A_86, %swap3A_87], %swap3A_90 {strides = array<i32>} : memref<80x128xf32, #tpu.memory_space<vmem>>, vector<1x16xf32>,
      %get3A_91 = arith.index_cast %scan3A_64 : i32 to index
      %get3A_92 = arith.constant 32 : index
      %get3A_93 = tpu.vector_load %arg11[%get3A_91, %get3A_92] {strides = array<i32>} : memref<80x128xf32, #tpu.memory_space<vmem>>, vector<1x16xf32>,
      %get3A_94 = vector.shape_cast %get3A_93 : vector<1x16xf32> to vector<16xf32>
      %get3A_95 = arith.index_cast %scan3A_64 : i32 to index
      %get3A_96 = arith.constant 32 : index
      %get3A_97 = tpu.vector_load %arg13[%get3A_95, %get3A_96] {strides = array<i32>} : memref<80x128xf32, #tpu.memory_space<vmem>>, vector<1x16xf32>,
      %get3A_98 = vector.shape_cast %get3A_97 : vector<1x16xf32> to vector<16xf32>
      %add3A_99 = arith.addf %get3A_94, %get3A_98 : vector<16xf32>
      %swap3A_100 = arith.index_cast %scan3A_64 : i32 to index
      %swap3A_101 = arith.constant 32 : index
      %swap3A_102 = tpu.vector_load %arg11[%swap3A_100, %swap3A_101] {strides = array<i32>} : memref<80x128xf32, #tpu.memory_space<vmem>>, vector<1x16xf32>,
      %swap3A_103 = vector.shape_cast %swap3A_102 : vector<1x16xf32> to vector<16xf32>
      %swap3A_104 = vector.shape_cast %add3A_99 : vector<16xf32> to vector<1x16xf32>
      tpu.vector_store %arg11[%swap3A_100, %swap3A_101], %swap3A_104 {strides = array<i32>} : memref<80x128xf32, #tpu.memory_space<vmem>>, vector<1x16xf32>,
      %get3A_105 = arith.index_cast %scan3A_64 : i32 to index
      %get3A_106 = arith.constant 48 : index
      %get3A_107 = tpu.vector_load %arg11[%get3A_105, %get3A_106] {strides = array<i32>} : memref<80x128xf32, #tpu.memory_space<vmem>>, vector<1x16xf32>,
      %get3A_108 = vector.shape_cast %get3A_107 : vector<1x16xf32> to vector<16xf32>
      %get3A_109 = arith.index_cast %scan3A_64 : i32 to index
      %get3A_110 = arith.constant 48 : index
      %get3A_111 = tpu.vector_load %arg13[%get3A_109, %get3A_110] {strides = array<i32>} : memref<80x128xf32, #tpu.memory_space<vmem>>, vector<1x16xf32>,
      %get3A_112 = vector.shape_cast %get3A_111 : vector<1x16xf32> to vector<16xf32>
      %add3A_113 = arith.addf %get3A_108, %get3A_112 : vector<16xf32>
      %swap3A_114 = arith.index_cast %scan3A_64 : i32 to index
      %swap3A_115 = arith.constant 48 : index
      %swap3A_116 = tpu.vector_load %arg11[%swap3A_114, %swap3A_115] {strides = array<i32>} : memref<80x128xf32, #tpu.memory_space<vmem>>, vector<1x16xf32>,
      %swap3A_117 = vector.shape_cast %swap3A_116 : vector<1x16xf32> to vector<16xf32>
      %swap3A_118 = vector.shape_cast %add3A_113 : vector<16xf32> to vector<1x16xf32>
      tpu.vector_store %arg11[%swap3A_114, %swap3A_115], %swap3A_118 {strides = array<i32>} : memref<80x128xf32, #tpu.memory_space<vmem>>, vector<1x16xf32>,
      %get3A_119 = arith.index_cast %scan3A_64 : i32 to index
      %get3A_120 = arith.constant 64 : index
      %get3A_121 = tpu.vector_load %arg11[%get3A_119, %get3A_120] {strides = array<i32>} : memref<80x128xf32, #tpu.memory_space<vmem>>, vector<1x16xf32>,
      %get3A_122 = vector.shape_cast %get3A_121 : vector<1x16xf32> to vector<16xf32>
      %get3A_123 = arith.index_cast %scan3A_64 : i32 to index
      %get3A_124 = arith.constant 64 : index
      %get3A_125 = tpu.vector_load %arg13[%get3A_123, %get3A_124] {strides = array<i32>} : memref<80x128xf32, #tpu.memory_space<vmem>>, vector<1x16xf32>,
      %get3A_126 = vector.shape_cast %get3A_125 : vector<1x16xf32> to vector<16xf32>
      %add3A_127 = arith.addf %get3A_122, %get3A_126 : vector<16xf32>
      %swap3A_128 = arith.index_cast %scan3A_64 : i32 to index
      %swap3A_129 = arith.constant 64 : index
      %swap3A_130 = tpu.vector_load %arg11[%swap3A_128, %swap3A_129] {strides = array<i32>} : memref<80x128xf32, #tpu.memory_space<vmem>>, vector<1x16xf32>,
      %swap3A_131 = vector.shape_cast %swap3A_130 : vector<1x16xf32> to vector<16xf32>
      %swap3A_132 = vector.shape_cast %add3A_127 : vector<16xf32> to vector<1x16xf32>
      tpu.vector_store %arg11[%swap3A_128, %swap3A_129], %swap3A_132 {strides = array<i32>} : memref<80x128xf32, #tpu.memory_space<vmem>>, vector<1x16xf32>,
      %get3A_133 = arith.index_cast %scan3A_64 : i32 to index
      %get3A_134 = arith.constant 80 : index
      %get3A_135 = tpu.vector_load %arg11[%get3A_133, %get3A_134] {strides = array<i32>} : memref<80x128xf32, #tpu.memory_space<vmem>>, vector<1x16xf32>,
      %get3A_136 = vector.shape_cast %get3A_135 : vector<1x16xf32> to vector<16xf32>
      %get3A_137 = arith.index_cast %scan3A_64 : i32 to index
      %get3A_138 = arith.constant 80 : index
      %get3A_139 = tpu.vector_load %arg13[%get3A_137, %get3A_138] {strides = array<i32>} : memref<80x128xf32, #tpu.memory_space<vmem>>, vector<1x16xf32>,
      %get3A_140 = vector.shape_cast %get3A_139 : vector<1x16xf32> to vector<16xf32>
      %add3A_141 = arith.addf %get3A_136, %get3A_140 : vector<16xf32>
      %swap3A_142 = arith.index_cast %scan3A_64 : i32 to index
      %swap3A_143 = arith.constant 80 : index
      %swap3A_144 = tpu.vector_load %arg11[%swap3A_142, %swap3A_143] {strides = array<i32>} : memref<80x128xf32, #tpu.memory_space<vmem>>, vector<1x16xf32>,
      %swap3A_145 = vector.shape_cast %swap3A_144 : vector<1x16xf32> to vector<16xf32>
      %swap3A_146 = vector.shape_cast %add3A_141 : vector<16xf32> to vector<1x16xf32>
      tpu.vector_store %arg11[%swap3A_142, %swap3A_143], %swap3A_146 {strides = array<i32>} : memref<80x128xf32, #tpu.memory_space<vmem>>, vector<1x16xf32>,
      %get3A_147 = arith.index_cast %scan3A_64 : i32 to index
      %get3A_148 = arith.constant 96 : index
      %get3A_149 = tpu.vector_load %arg11[%get3A_147, %get3A_148] {strides = array<i32>} : memref<80x128xf32, #tpu.memory_space<vmem>>, vector<1x16xf32>,
      %get3A_150 = vector.shape_cast %get3A_149 : vector<1x16xf32> to vector<16xf32>
      %get3A_151 = arith.index_cast %scan3A_64 : i32 to index
      %get3A_152 = arith.constant 96 : index
      %get3A_153 = tpu.vector_load %arg13[%get3A_151, %get3A_152] {strides = array<i32>} : memref<80x128xf32, #tpu.memory_space<vmem>>, vector<1x16xf32>,
      %get3A_154 = vector.shape_cast %get3A_153 : vector<1x16xf32> to vector<16xf32>
      %add3A_155 = arith.addf %get3A_150, %get3A_154 : vector<16xf32>
      %swap3A_156 = arith.index_cast %scan3A_64 : i32 to index
      %swap3A_157 = arith.constant 96 : index
      %swap3A_158 = tpu.vector_load %arg11[%swap3A_156, %swap3A_157] {strides = array<i32>} : memref<80x128xf32, #tpu.memory_space<vmem>>, vector<1x16xf32>,
      %swap3A_159 = vector.shape_cast %swap3A_158 : vector<1x16xf32> to vector<16xf32>
      %swap3A_160 = vector.shape_cast %add3A_155 : vector<16xf32> to vector<1x16xf32>
      tpu.vector_store %arg11[%swap3A_156, %swap3A_157], %swap3A_160 {strides = array<i32>} : memref<80x128xf32, #tpu.memory_space<vmem>>, vector<1x16xf32>,
      %get3A_161 = arith.index_cast %scan3A_64 : i32 to index
      %get3A_162 = arith.constant 112 : index
      %get3A_163 = tpu.vector_load %arg11[%get3A_161, %get3A_162] {strides = array<i32>} : memref<80x128xf32, #tpu.memory_space<vmem>>, vector<1x16xf32>,
      %get3A_164 = vector.shape_cast %get3A_163 : vector<1x16xf32> to vector<16xf32>
      %get3A_165 = arith.index_cast %scan3A_64 : i32 to index
      %get3A_166 = arith.constant 112 : index
      %get3A_167 = tpu.vector_load %arg13[%get3A_165, %get3A_166] {strides = array<i32>} : memref<80x128xf32, #tpu.memory_space<vmem>>, vector<1x16xf32>,
      %get3A_168 = vector.shape_cast %get3A_167 : vector<1x16xf32> to vector<16xf32>
      %add3A_169 = arith.addf %get3A_164, %get3A_168 : vector<16xf32>
      %swap3A_170 = arith.index_cast %scan3A_64 : i32 to index
      %swap3A_171 = arith.constant 112 : index
      %swap3A_172 = tpu.vector_load %arg11[%swap3A_170, %swap3A_171] {strides = array<i32>} : memref<80x128xf32, #tpu.memory_space<vmem>>, vector<1x16xf32>,
      %swap3A_173 = vector.shape_cast %swap3A_172 : vector<1x16xf32> to vector<16xf32>
      %swap3A_174 = vector.shape_cast %add3A_169 : vector<16xf32> to vector<1x16xf32>
      tpu.vector_store %arg11[%swap3A_170, %swap3A_171], %swap3A_174 {strides = array<i32>} : memref<80x128xf32, #tpu.memory_space<vmem>>, vector<1x16xf32>,
    }
    %scan3A_47 = arith.constant 80 : i32
    %dma_start3A_48 = arith.constant 0 : i32
    %dma_start3A_49 = tpu.memref_slice %arg6[%add3A_23, %dma_start3A_48] : memref<320000x128xf32, #tpu.memory_space<hbm>> -> memref<80x128xf32, #tpu.memory_space<hbm>>
    %dma_start3A_50 = arith.constant 0 : i32
    %dma_start3A_51 = tpu.memref_slice %arg6[%add3A_23, %dma_start3A_50] : memref<320000x128xf32, #tpu.memory_space<hbm>> -> memref<80x128xf32, #tpu.memory_space<hbm>>
    tpu.enqueue_dma source(%arg11 : memref<80x128xf32, #tpu.memory_space<vmem>>) target(%dma_start3A_51 : memref<80x128xf32, #tpu.memory_space<hbm>>) target_semaphore(%arg19 : memref<!tpu.dma_semaphore, #tpu.memory_space<semaphore_mem>>)
    %mul3A_52 = arith.constant 10000 : i32
    %mul3A_53 = arith.muli %add3A, %mul3A_52 : i32
    %dma_wait3A_54 = arith.constant 0 : i32
    %dma_wait3A_55 = tpu.memref_slice %arg6[%mul3A_53, %dma_wait3A_54] : memref<320000x128xf32, #tpu.memory_space<hbm>> -> memref<80x128xf32, #tpu.memory_space<hbm>>
    %dma_wait3A_56 = arith.constant 0 : i32
    %dma_wait3A_57 = tpu.memref_slice %arg6[%mul3A_53, %dma_wait3A_56] : memref<320000x128xf32, #tpu.memory_space<hbm>> -> memref<80x128xf32, #tpu.memory_space<hbm>>
    tpu.wait_dma2 semaphore(%arg19 : memref<!tpu.dma_semaphore, #tpu.memory_space<semaphore_mem>>) src(%arg11 : memref<80x128xf32, #tpu.memory_space<vmem>>) dst(%dma_wait3A_57 : memref<80x128xf32, #tpu.memory_space<hbm>>)
    %mul3A_58 = arith.constant 10000 : i32
    %mul3A_59 = arith.muli %add3A, %mul3A_58 : i32
    %dma_wait3A_60 = arith.constant 0 : i32
    %dma_wait3A_61 = tpu.memref_slice %arg6[%mul3A_59, %dma_wait3A_60] : memref<320000x128xf32, #tpu.memory_space<hbm>> -> memref<80x128xf32, #tpu.memory_space<hbm>>
    %dma_wait3A_62 = arith.constant 0 : i32
    %dma_wait3A_63 = tpu.memref_slice %arg6[%mul3A_59, %dma_wait3A_62] : memref<320000x128xf32, #tpu.memory_space<hbm>> -> memref<80x128xf32, #tpu.memory_space<hbm>>
    tpu.wait_dma2 semaphore(%arg20 : memref<!tpu.dma_semaphore, #tpu.memory_space<semaphore_mem>>) src(%arg12 : memref<80x128xf32, #tpu.memory_space<vmem>>) dst(%dma_wait3A_63 : memref<80x128xf32, #tpu.memory_space<hbm>>)
    return
  }
}

module attributes {stable_mosaic.version = 14 : i64} {
  func.func @_prep_body(%arg0: i32, %arg1: memref<2000x128xf32, #tpu.memory_space<vmem>>, %arg2: memref<128x128xf32, #tpu.memory_space<vmem>>, %arg3: memref<128x128xf32, #tpu.memory_space<vmem>>, %arg4: memref<128x128xf32, #tpu.memory_space<vmem>>, %arg5: memref<2000x128xf32, #tpu.memory_space<vmem>>, %arg6: memref<2000x128xf32, #tpu.memory_space<vmem>>, %arg7: memref<2000x128xf32, #tpu.memory_space<vmem>>) attributes {dimension_semantics = [#tpu.dimension_semantics<arbitrary>], iteration_bounds = array<i64: 5>, scalar_prefetch = 0 : i64, scratch_operands = 0 : i64, tpu.core_type = #tpu.core_type<tc>, window_params = [{transform_indices = @transform_0, window_bounds = array<i64: 2000, 128>}, {pipeline_mode = #tpu.pipeline_mode<synchronous>, transform_indices = @transform_1, window_bounds = array<i64: 128, 128>}, {pipeline_mode = #tpu.pipeline_mode<synchronous>, transform_indices = @transform_2, window_bounds = array<i64: 128, 128>}, {pipeline_mode = #tpu.pipeline_mode<synchronous>, transform_indices = @transform_3, window_bounds = array<i64: 128, 128>}, {transform_indices = @transform_4, window_bounds = array<i64: 2000, 128>}, {transform_indices = @transform_5, window_bounds = array<i64: 2000, 128>}, {transform_indices = @transform_6, window_bounds = array<i64: 2000, 128>}]} {
    %get3A = arith.constant 0 : index
    %get3A_0 = arith.constant 0 : index
    %get3A_1 = vector.load %arg1[%get3A, %get3A_0] : memref<2000x128xf32, #tpu.memory_space<vmem>>, vector<2000x128xf32>
    %get3A_2 = arith.constant 0 : index
    %get3A_3 = arith.constant 0 : index
    %get3A_4 = vector.load %arg2[%get3A_2, %get3A_3] : memref<128x128xf32, #tpu.memory_space<vmem>>, vector<128x128xf32>
    %dot_general3A = arith.constant dense<0.000000e+00> : vector<2000x128xf32>
    %dot_general3A_5 = tpu.matmul %get3A_1, %get3A_4, %dot_general3A {dimension_numbers = #tpu.dot_dimension_numbers<[1], [0], [0], [1], [0, 0, 1, 1], [], []>, transpose_lhs_hint = false} : vector<2000x128xf32>, vector<128x128xf32>, vector<2000x128xf32> -> vector<2000x128xf32>
    %swap3A = arith.constant 0 : index
    %swap3A_6 = arith.constant 0 : index
    %swap3A_7 = vector.load %arg5[%swap3A, %swap3A_6] : memref<2000x128xf32, #tpu.memory_space<vmem>>, vector<2000x128xf32>
    tpu.vector_store %arg5[%swap3A, %swap3A_6], %dot_general3A_5 {strides = array<i32>} : memref<2000x128xf32, #tpu.memory_space<vmem>>, vector<2000x128xf32>,
    %get3A_8 = arith.constant 0 : index
    %get3A_9 = arith.constant 0 : index
    %get3A_10 = vector.load %arg3[%get3A_8, %get3A_9] : memref<128x128xf32, #tpu.memory_space<vmem>>, vector<128x128xf32>
    %dot_general3A_11 = arith.constant dense<0.000000e+00> : vector<2000x128xf32>
    %dot_general3A_12 = tpu.matmul %get3A_1, %get3A_10, %dot_general3A_11 {dimension_numbers = #tpu.dot_dimension_numbers<[1], [0], [0], [1], [0, 0, 1, 1], [], []>, transpose_lhs_hint = false} : vector<2000x128xf32>, vector<128x128xf32>, vector<2000x128xf32> -> vector<2000x128xf32>
    %swap3A_13 = arith.constant 0 : index
    %swap3A_14 = arith.constant 0 : index
    %swap3A_15 = vector.load %arg6[%swap3A_13, %swap3A_14] : memref<2000x128xf32, #tpu.memory_space<vmem>>, vector<2000x128xf32>
    tpu.vector_store %arg6[%swap3A_13, %swap3A_14], %dot_general3A_12 {strides = array<i32>} : memref<2000x128xf32, #tpu.memory_space<vmem>>, vector<2000x128xf32>,
    %get3A_16 = arith.constant 0 : index
    %get3A_17 = arith.constant 0 : index
    %get3A_18 = vector.load %arg4[%get3A_16, %get3A_17] : memref<128x128xf32, #tpu.memory_space<vmem>>, vector<128x128xf32>
    %dot_general3A_19 = arith.constant dense<0.000000e+00> : vector<2000x128xf32>
    %dot_general3A_20 = tpu.matmul %get3A_1, %get3A_18, %dot_general3A_19 {dimension_numbers = #tpu.dot_dimension_numbers<[1], [0], [0], [1], [0, 0, 1, 1], [], []>, transpose_lhs_hint = false} : vector<2000x128xf32>, vector<128x128xf32>, vector<2000x128xf32> -> vector<2000x128xf32>
    %swap3A_21 = arith.constant 0 : index
    %swap3A_22 = arith.constant 0 : index
    %swap3A_23 = vector.load %arg7[%swap3A_21, %swap3A_22] : memref<2000x128xf32, #tpu.memory_space<vmem>>, vector<2000x128xf32>
    tpu.vector_store %arg7[%swap3A_21, %swap3A_22], %dot_general3A_20 {strides = array<i32>} : memref<2000x128xf32, #tpu.memory_space<vmem>>, vector<2000x128xf32>,
    return
  }
  func.func @transform_0(%arg0: i32) -> (i32, i32) {
    %c0_i32 = arith.constant 0 : i32
    %c0_i32_0 = arith.constant 0 : i32
    return %arg0, %c0_i32 : i32, i32
  }
  func.func @transform_1(%arg0: i32) -> (i32, i32) {
    %c0_i32 = arith.constant 0 : i32
    %c0_i32_0 = arith.constant 0 : i32
    %c0_i32_1 = arith.constant 0 : i32
    return %c0_i32, %c0_i32_0 : i32, i32
  }
  func.func @transform_2(%arg0: i32) -> (i32, i32) {
    %c0_i32 = arith.constant 0 : i32
    %c0_i32_0 = arith.constant 0 : i32
    %c0_i32_1 = arith.constant 0 : i32
    return %c0_i32, %c0_i32_0 : i32, i32
  }
  func.func @transform_3(%arg0: i32) -> (i32, i32) {
    %c0_i32 = arith.constant 0 : i32
    %c0_i32_0 = arith.constant 0 : i32
    %c0_i32_1 = arith.constant 0 : i32
    return %c0_i32, %c0_i32_0 : i32, i32
  }
  func.func @transform_4(%arg0: i32) -> (i32, i32) {
    %c0_i32 = arith.constant 0 : i32
    %c0_i32_0 = arith.constant 0 : i32
    return %arg0, %c0_i32 : i32, i32
  }
  func.func @transform_5(%arg0: i32) -> (i32, i32) {
    %c0_i32 = arith.constant 0 : i32
    %c0_i32_0 = arith.constant 0 : i32
    return %arg0, %c0_i32 : i32, i32
  }
  func.func @transform_6(%arg0: i32) -> (i32, i32) {
    %c0_i32 = arith.constant 0 : i32
    %c0_i32_0 = arith.constant 0 : i32
    return %arg0, %c0_i32 : i32, i32
  }
}

module attributes {stable_mosaic.version = 14 : i64} {
  func.func @_score_body(%arg0: i32, %arg1: memref<2560x128xf32, #tpu.memory_space<vmem>>, %arg2: memref<2560x32xf32, #tpu.memory_space<vmem>>, %arg3: memref<32x128xf32, #tpu.memory_space<vmem>>, %arg4: memref<128x128xf32, #tpu.memory_space<vmem>>, %arg5: memref<1x128xf32, #tpu.memory_space<vmem>>, %arg6: memref<1x128xf32, #tpu.memory_space<vmem>>, %arg7: memref<1x1xf32, #tpu.memory_space<vmem>>, %arg8: memref<2560x16xf32, #tpu.memory_space<vmem>>, %arg9: memref<1x128xf32, #tpu.memory_space<vmem>>) attributes {dimension_semantics = [#tpu.dimension_semantics<arbitrary>], iteration_bounds = array<i64: 125>, scalar_prefetch = 0 : i64, scratch_operands = 0 : i64, tpu.core_type = #tpu.core_type<tc>, window_params = [{transform_indices = @transform_0, window_bounds = array<i64: 2560, 128>}, {transform_indices = @transform_1, window_bounds = array<i64: 2560, 32>}, {pipeline_mode = #tpu.pipeline_mode<synchronous>, transform_indices = @transform_2, window_bounds = array<i64: 32, 128>}, {pipeline_mode = #tpu.pipeline_mode<synchronous>, transform_indices = @transform_3, window_bounds = array<i64: 128, 128>}, {pipeline_mode = #tpu.pipeline_mode<synchronous>, transform_indices = @transform_4, window_bounds = array<i64: 1, 128>}, {pipeline_mode = #tpu.pipeline_mode<synchronous>, transform_indices = @transform_5, window_bounds = array<i64: 1, 128>}, {pipeline_mode = #tpu.pipeline_mode<synchronous>, transform_indices = @transform_6, window_bounds = array<i64: 1, 1>}, {transform_indices = @transform_7, window_bounds = array<i64: 2560, 16>}, {pipeline_mode = #tpu.pipeline_mode<synchronous>, transform_indices = @transform_8, window_bounds = array<i64: 1, 128>}]} {
    %get3A = arith.constant 0 : index
    %get3A_0 = arith.constant 0 : index
    %get3A_1 = vector.load %arg1[%get3A, %get3A_0] : memref<2560x128xf32, #tpu.memory_space<vmem>>, vector<2560x128xf32>
    %get3A_2 = arith.constant 0 : index
    %get3A_3 = arith.constant 0 : index
    %get3A_4 = vector.load %arg2[%get3A_2, %get3A_3] : memref<2560x32xf32, #tpu.memory_space<vmem>>, vector<2560x32xf32>
    %get3A_5 = arith.constant 0 : index
    %get3A_6 = arith.constant 0 : index
    %get3A_7 = vector.load %arg3[%get3A_5, %get3A_6] : memref<32x128xf32, #tpu.memory_space<vmem>>, vector<32x128xf32>
    %dot_general3A = arith.constant dense<0.000000e+00> : vector<2560x128xf32>
    %dot_general3A_8 = tpu.matmul %get3A_4, %get3A_7, %dot_general3A {dimension_numbers = #tpu.dot_dimension_numbers<[1], [0], [0], [1], [0, 0, 1, 1], [], []>, transpose_lhs_hint = false} : vector<2560x32xf32>, vector<32x128xf32>, vector<2560x128xf32> -> vector<2560x128xf32>
    %add3A = arith.addf %get3A_1, %dot_general3A_8 : vector<2560x128xf32>
    %logistic3A = arith.negf %add3A : vector<2560x128xf32>
    %logistic3A_9 = math.exp %logistic3A : vector<2560x128xf32>
    %logistic3A_10 = arith.constant 1.000000e+00 : f32
    %logistic3A_11 = vector.broadcast %logistic3A_10 : f32 to vector<2560x128xf32>
    %logistic3A_12 = arith.addf %logistic3A_11, %logistic3A_9 : vector<2560x128xf32>
    %logistic3A_13 = arith.divf %logistic3A_11, %logistic3A_12 : vector<2560x128xf32>
    %mul3A = arith.mulf %add3A, %logistic3A_13 : vector<2560x128xf32>
    %get3A_14 = arith.constant 0 : index
    %get3A_15 = arith.constant 0 : index
    %get3A_16 = vector.load %arg4[%get3A_14, %get3A_15] : memref<128x128xf32, #tpu.memory_space<vmem>>, vector<128x128xf32>
    %dot_general3A_17 = arith.constant dense<0.000000e+00> : vector<2560x128xf32>
    %dot_general3A_18 = tpu.matmul %mul3A, %get3A_16, %dot_general3A_17 {dimension_numbers = #tpu.dot_dimension_numbers<[1], [0], [0], [1], [0, 0, 1, 1], [], []>, transpose_lhs_hint = false} : vector<2560x128xf32>, vector<128x128xf32>, vector<2560x128xf32> -> vector<2560x128xf32>
    %get3A_19 = arith.constant 0 : index
    %get3A_20 = arith.constant 0 : index
    %get3A_21 = vector.load %arg5[%get3A_19, %get3A_20] : memref<1x128xf32, #tpu.memory_space<vmem>>, vector<1x128xf32>
    %add3A_22 = vector.broadcast %get3A_21 : vector<1x128xf32> to vector<2560x128xf32>
    %add3A_23 = arith.addf %dot_general3A_18, %add3A_22 : vector<2560x128xf32>
    %logistic3A_24 = arith.negf %add3A_23 : vector<2560x128xf32>
    %logistic3A_25 = math.exp %logistic3A_24 : vector<2560x128xf32>
    %logistic3A_26 = arith.constant 1.000000e+00 : f32
    %logistic3A_27 = vector.broadcast %logistic3A_26 : f32 to vector<2560x128xf32>
    %logistic3A_28 = arith.addf %logistic3A_27, %logistic3A_25 : vector<2560x128xf32>
    %logistic3A_29 = arith.divf %logistic3A_27, %logistic3A_28 : vector<2560x128xf32>
    %mul3A_30 = arith.mulf %add3A_23, %logistic3A_29 : vector<2560x128xf32>
    %get3A_31 = arith.constant 0 : index
    %get3A_32 = arith.constant 0 : index
    %get3A_33 = vector.load %arg6[%get3A_31, %get3A_32] : memref<1x128xf32, #tpu.memory_space<vmem>>, vector<1x128xf32>
    %mul3A_34 = vector.broadcast %get3A_33 : vector<1x128xf32> to vector<2560x128xf32>
    %mul3A_35 = arith.mulf %mul3A_30, %mul3A_34 : vector<2560x128xf32>
    %reduce_sum3A = arith.constant dense<0.000000e+00> : vector<2560xf32>
    %reduce_sum3A_36 = vector.multi_reduction <add>, %mul3A_35, %reduce_sum3A [1] : vector<2560x128xf32> to vector<2560xf32>
    %broadcast_in_dim3A = vector.shape_cast %reduce_sum3A_36 : vector<2560xf32> to vector<2560x1xf32>
    %get3A_37 = arith.constant 0 : index
    %get3A_38 = arith.constant 0 : index
    %get3A_39 = vector.load %arg7[%get3A_37, %get3A_38] : memref<1x1xf32, #tpu.memory_space<vmem>>, vector<1x1xf32>
    %get3A_40 = vector.extract %get3A_39[0, 0] : f32 from vector<1x1xf32>
    %add3A_41 = vector.broadcast %get3A_40 : f32 to vector<2560x1xf32>
    %add3A_42 = arith.addf %broadcast_in_dim3A, %add3A_41 : vector<2560x1xf32>
    %broadcast_in_dim3A_43 = vector.shape_cast %add3A_42 : vector<2560x1xf32> to vector<2560x1xf32>
    %broadcast_in_dim3A_44 = vector.broadcast %broadcast_in_dim3A_43 : vector<2560x1xf32> to vector<2560x16xf32>
    %swap3A = arith.constant 0 : index
    %swap3A_45 = arith.constant 0 : index
    %swap3A_46 = vector.load %arg8[%swap3A, %swap3A_45] : memref<2560x16xf32, #tpu.memory_space<vmem>>, vector<2560x16xf32>
    tpu.vector_store %arg8[%swap3A, %swap3A_45], %broadcast_in_dim3A_44 {strides = array<i32>} : memref<2560x16xf32, #tpu.memory_space<vmem>>, vector<2560x16xf32>,
    %eq3A = arith.constant 0 : i32
    %eq3A_47 = arith.cmpi eq, %arg0, %eq3A : i32
    %convert_element_type3A = arith.extui %eq3A_47 : i1 to i32
    %cond3A = arith.constant 0 : i32
    %cond3A_48 = arith.cmpi ne, %convert_element_type3A, %cond3A : i32
    scf.if %cond3A_48 {
      %broadcast_in_dim3A_60 = arith.constant 0xFF800000 : f32
      %broadcast_in_dim3A_61 = vector.broadcast %broadcast_in_dim3A_60 : f32 to vector<1x128xf32>
      %swap3A_62 = arith.constant 0 : index
      %swap3A_63 = arith.constant 0 : index
      %swap3A_64 = vector.load %arg9[%swap3A_62, %swap3A_63] : memref<1x128xf32, #tpu.memory_space<vmem>>, vector<1x128xf32>
      tpu.vector_store %arg9[%swap3A_62, %swap3A_63], %broadcast_in_dim3A_61 {strides = array<i32>} : memref<1x128xf32, #tpu.memory_space<vmem>>, vector<1x128xf32>,
    } else {
    }
    %get3A_49 = arith.constant 0 : index
    %get3A_50 = arith.constant 0 : index
    %get3A_51 = vector.load %arg9[%get3A_49, %get3A_50] : memref<1x128xf32, #tpu.memory_space<vmem>>, vector<1x128xf32>
    %reduce_max3A = vector.shape_cast %add3A_42 : vector<2560x1xf32> to vector<1x2560x1xf32>
    %reduce_max3A_52 = arith.constant dense<0xFF800000> : vector<1xf32>
    %reduce_max3A_53 = vector.multi_reduction <maximumf>, %reduce_max3A, %reduce_max3A_52 [1, 2] : vector<1x2560x1xf32> to vector<1xf32>
    %reduce_max3A_54 = vector.shape_cast %reduce_max3A_53 : vector<1xf32> to vector<1x1x1xf32>
    %reduce_max3A_55 = vector.extract %reduce_max3A_54[0, 0, 0] : f32 from vector<1x1x1xf32>
    %max3A = vector.broadcast %reduce_max3A_55 : f32 to vector<1x128xf32>
    %max3A_56 = arith.maximumf %get3A_51, %max3A : vector<1x128xf32>
    %swap3A_57 = arith.constant 0 : index
    %swap3A_58 = arith.constant 0 : index
    %swap3A_59 = vector.load %arg9[%swap3A_57, %swap3A_58] : memref<1x128xf32, #tpu.memory_space<vmem>>, vector<1x128xf32>
    tpu.vector_store %arg9[%swap3A_57, %swap3A_58], %max3A_56 {strides = array<i32>} : memref<1x128xf32, #tpu.memory_space<vmem>>, vector<1x128xf32>,
    return
  }
  func.func @transform_0(%arg0: i32) -> (i32, i32) {
    %c0_i32 = arith.constant 0 : i32
    %c0_i32_0 = arith.constant 0 : i32
    return %arg0, %c0_i32 : i32, i32
  }
  func.func @transform_1(%arg0: i32) -> (i32, i32) {
    %c0_i32 = arith.constant 0 : i32
    %c0_i32_0 = arith.constant 0 : i32
    return %arg0, %c0_i32 : i32, i32
  }
  func.func @transform_2(%arg0: i32) -> (i32, i32) {
    %c0_i32 = arith.constant 0 : i32
    %c0_i32_0 = arith.constant 0 : i32
    %c0_i32_1 = arith.constant 0 : i32
    return %c0_i32, %c0_i32_0 : i32, i32
  }
  func.func @transform_3(%arg0: i32) -> (i32, i32) {
    %c0_i32 = arith.constant 0 : i32
    %c0_i32_0 = arith.constant 0 : i32
    %c0_i32_1 = arith.constant 0 : i32
    return %c0_i32, %c0_i32_0 : i32, i32
  }
  func.func @transform_4(%arg0: i32) -> (i32, i32) {
    %c0_i32 = arith.constant 0 : i32
    %c0_i32_0 = arith.constant 0 : i32
    %c0_i32_1 = arith.constant 0 : i32
    return %c0_i32, %c0_i32_0 : i32, i32
  }
  func.func @transform_5(%arg0: i32) -> (i32, i32) {
    %c0_i32 = arith.constant 0 : i32
    %c0_i32_0 = arith.constant 0 : i32
    %c0_i32_1 = arith.constant 0 : i32
    return %c0_i32, %c0_i32_0 : i32, i32
  }
  func.func @transform_6(%arg0: i32) -> (i32, i32) {
    %c0_i32 = arith.constant 0 : i32
    %c0_i32_0 = arith.constant 0 : i32
    %c0_i32_1 = arith.constant 0 : i32
    return %c0_i32, %c0_i32_0 : i32, i32
  }
  func.func @transform_7(%arg0: i32) -> (i32, i32) {
    %c0_i32 = arith.constant 0 : i32
    %c0_i32_0 = arith.constant 0 : i32
    return %arg0, %c0_i32 : i32, i32
  }
  func.func @transform_8(%arg0: i32) -> (i32, i32) {
    %c0_i32 = arith.constant 0 : i32
    %c0_i32_0 = arith.constant 0 : i32
    %c0_i32_1 = arith.constant 0 : i32
    return %c0_i32, %c0_i32_0 : i32, i32
  }
}

module attributes {stable_mosaic.version = 14 : i64} {
  func.func @_final_body(%arg0: i32, %arg1: memref<2000x128xf32, #tpu.memory_space<vmem>>, %arg2: memref<2000x128xf32, #tpu.memory_space<vmem>>, %arg3: memref<2000x128xf32, #tpu.memory_space<vmem>>, %arg4: memref<2000x128xf32, #tpu.memory_space<vmem>>, %arg5: memref<2000x128xf32, #tpu.memory_space<vmem>>, %arg6: memref<2000x128xf32, #tpu.memory_space<vmem>>) attributes {dimension_semantics = [#tpu.dimension_semantics<arbitrary>], iteration_bounds = array<i64: 5>, scalar_prefetch = 0 : i64, scratch_operands = 0 : i64, tpu.core_type = #tpu.core_type<tc>, window_params = [{transform_indices = @transform_0, window_bounds = array<i64: 2000, 128>}, {transform_indices = @transform_1, window_bounds = array<i64: 2000, 128>}, {transform_indices = @transform_2, window_bounds = array<i64: 2000, 128>}, {transform_indices = @transform_3, window_bounds = array<i64: 2000, 128>}, {transform_indices = @transform_4, window_bounds = array<i64: 2000, 128>}, {transform_indices = @transform_5, window_bounds = array<i64: 2000, 128>}]} {
    %get3A = arith.constant 0 : index
    %get3A_0 = arith.constant 0 : index
    %get3A_1 = vector.load %arg2[%get3A, %get3A_0] : memref<2000x128xf32, #tpu.memory_space<vmem>>, vector<2000x128xf32>
    %get3A_2 = arith.constant 0 : index
    %get3A_3 = arith.constant 0 : index
    %get3A_4 = vector.load %arg3[%get3A_2, %get3A_3] : memref<2000x128xf32, #tpu.memory_space<vmem>>, vector<2000x128xf32>
    %add3A = arith.addf %get3A_1, %get3A_4 : vector<2000x128xf32>
    %get3A_5 = arith.constant 0 : index
    %get3A_6 = arith.constant 0 : index
    %get3A_7 = vector.load %arg4[%get3A_5, %get3A_6] : memref<2000x128xf32, #tpu.memory_space<vmem>>, vector<2000x1xf32>
    %get3A_8 = arith.constant 0 : index
    %get3A_9 = arith.constant 0 : index
    %get3A_10 = vector.load %arg5[%get3A_8, %get3A_9] : memref<2000x128xf32, #tpu.memory_space<vmem>>, vector<2000x1xf32>
    %add3A_11 = arith.addf %get3A_7, %get3A_10 : vector<2000x1xf32>
    %add3A_12 = arith.constant 9.99999996E-13 : f32
    %add3A_13 = vector.broadcast %add3A_12 : f32 to vector<2000x1xf32>
    %add3A_14 = arith.addf %add3A_11, %add3A_13 : vector<2000x1xf32>
    %get3A_15 = arith.constant 0 : index
    %get3A_16 = arith.constant 0 : index
    %get3A_17 = vector.load %arg1[%get3A_15, %get3A_16] : memref<2000x128xf32, #tpu.memory_space<vmem>>, vector<2000x128xf32>
    %div3A = vector.broadcast %add3A_14 : vector<2000x1xf32> to vector<2000x128xf32>
    %div3A_18 = arith.divf %add3A, %div3A : vector<2000x128xf32>
    %add3A_19 = arith.addf %get3A_17, %div3A_18 : vector<2000x128xf32>
    %swap3A = arith.constant 0 : index
    %swap3A_20 = arith.constant 0 : index
    %swap3A_21 = vector.load %arg6[%swap3A, %swap3A_20] : memref<2000x128xf32, #tpu.memory_space<vmem>>, vector<2000x128xf32>
    tpu.vector_store %arg6[%swap3A, %swap3A_20], %add3A_19 {strides = array<i32>} : memref<2000x128xf32, #tpu.memory_space<vmem>>, vector<2000x128xf32>,
    return
  }
  func.func @transform_0(%arg0: i32) -> (i32, i32) {
    %c0_i32 = arith.constant 0 : i32
    %c0_i32_0 = arith.constant 0 : i32
    return %arg0, %c0_i32 : i32, i32
  }
  func.func @transform_1(%arg0: i32) -> (i32, i32) {
    %c0_i32 = arith.constant 0 : i32
    %c0_i32_0 = arith.constant 0 : i32
    return %arg0, %c0_i32 : i32, i32
  }
  func.func @transform_2(%arg0: i32) -> (i32, i32) {
    %c0_i32 = arith.constant 0 : i32
    %c0_i32_0 = arith.constant 0 : i32
    return %arg0, %c0_i32 : i32, i32
  }
  func.func @transform_3(%arg0: i32) -> (i32, i32) {
    %c0_i32 = arith.constant 0 : i32
    %c0_i32_0 = arith.constant 0 : i32
    return %arg0, %c0_i32 : i32, i32
  }
  func.func @transform_4(%arg0: i32) -> (i32, i32) {
    %c0_i32 = arith.constant 0 : i32
    %c0_i32_0 = arith.constant 0 : i32
    return %arg0, %c0_i32 : i32, i32
  }
  func.func @transform_5(%arg0: i32) -> (i32, i32) {
    %c0_i32 = arith.constant 0 : i32
    %c0_i32_0 = arith.constant 0 : i32
    return %arg0, %c0_i32 : i32, i32
  }
}

</mosaic_0001>

<sc_bundles>
// kernel: kernel.11.cloned.1.call-start
scs
__scs_entry_jumppad:
0x0: {  	(pc) =	sbr.rel $0x88, $3  }
0x1: {  	(tag) =	ssettag $0x0;
	lr =	simm.s32 $0x1  }
0x2: {  	[smem:$0x3F96] =	sst lr;
	_ =	strace $0xD0000000  }
0x3: {  	_ = 	snop  }
0x4: {  	_ = 	snop  }
0x5: {  	_ = 	snop  }
0x6: {  	_ = 	snop  }
0x7: {  	_ = 	snop  }
__scs_overlays_trampoline_lowered:
0x8: {  	[smem:$0x3FA5] =	sst s0  }
0x9: {  	[smem:$0x3FA6] =	sst s1  }
0xa: {  	[smem:$0x3FA7] =	sst s2  }
0xb: {  	[smem:$0x3FA8] =	sst s3  }
0xc: {  	[smem:$0x3FA9] =	sst s4  }
0xd: {  	[smem:$0x3FAA] =	sst s5  }
0xe: {  	[smem:$0x3FAB] =	sst s6  }
0xf: {  	[smem:$0x3FAC] =	sst s7  }
0x10: {  	[smem:$0x3FAD] =	sst s8  }
0x11: {  	[smem:$0x3FAE] =	sst s9;
	s0 =	simm.s32 @!p0 $0x0  }
0x12: {  	s1 =	sld [smem:$0x3F94];
	s0 =	simm.s32 @p0 $0x1  }
0x13: {  	[smem:$0x3FAF] =	sst s0;
	s0 =	simm.s32 @!p1 $0x0  }
0x14: {  	s2 =	sld [smem:$0x3F93];
	s0 =	simm.s32 @p1 $0x1  }
0x15: {  	[smem:$0x3FB0] =	sst s0;
	s0 =	simm.s32 @!p2 $0x0  }
0x16: {  	s3 =	sld [smem:$0x3FDB];
	s0 =	simm.s32 @p2 $0x1  }
0x17: {  	s4 =	simm.s32 $0x1BF5;
	[smem:$0x3FB2] =	sst s0  }
0x18: {  	s0 =	sld [smem:$0x3F95];
	_ =	swait.ge [sflag:s4], $0x0  }
0x19: {  	s7 =	sld [smem:$0x3F96]  }
0x1a: {  	s8 =	sadd.s32 $0xFFFFE003, lr  }
0x1b: {  	s9 =	sadd.s32 $0xFFFFFEF7, lr;
	s5 =	simm.s32 $0xFFFFFFFF;
	p2 =	slt.u32 s8, $0xFFFFF086  }
0x1c: {  	p1 =	slt.u32 s9, $0xF7A;
	s5 =	simm.s32 @!p2 $0x0  }
0x1d: {  	s5 =	simm.s32 @p1 $0x1;
	p0 =	seq.s32 s7, s2  }
0x1e: {  	s7 =	smul.u32 @!p0 $0xF7A, s2;
	p2 =	seq.s32 @!p0 s5, $0x0  }
0x1f: {  	s9 =	smul.u32 $0xF7A, s1;
	s8 =	simm.s32 @!p0 $0x1BF5;
	p2 =	por !p2, p0  }
0x20: {  	[sflag:s8] =	ssyncset.s32 @!p0 $0xFFFFF086;
	s6 =	sadd.s32 @!p0 s3, s7;
	s7 =	simm.s32 @!p0 $0x108  }
0x21: {  	s3 =	sadd.s32 s3, s9;
	s6 =	sadd.s32 @!p0 $0x88, s6;
	s7 =	simm.s32 @p2 $0x1082  }
0x22: {  	[simem:s7], [sflag:s8] =	dma.local @!p0 [hbm:s6], $0xF7A  }
0x23: {  	s9 =	sor.u32 $0xD0000000, s2;
	s6 =	simm.s32 $0x108;
	_ =	swait.ge @!p0 [sflag:s8], $0x0  }
0x24: {  	s3 =	sadd.s32 $0x88, s3;
	s6 =	simm.s32 @!p1 $0x1082;
	[sflag:s4] =	ssyncset.s32 $0xFFFFF086  }
0x25: {  	[simem:s6], [sflag:s4] =	dma.local [hbm:s3], $0xF7A  }
0x26: {  	[smem:$0x3F96] =	sst s1;
	(tag) =	ssettag s2;
	_ =	strace s9  }
0x27: {  	s1 =	sld [smem:$0x3FA6]  }
0x28: {  	s2 =	sld [smem:$0x3FA7]  }
0x29: {  	s4 =	sld [smem:$0x3FA9]  }
0x2a: {  	p0 =	seq.s32 s5, $0x0;
	s5 =	sld [smem:$0x3FAA]  }
0x2b: {  	s6 =	sld [smem:$0x3FAB]  }
0x2c: {  	s7 =	sld [smem:$0x3FAC]  }
0x2d: {  	s3 =	simm.s32 $0x108;
	s8 =	sld [smem:$0x3FAD]  }
0x2e: {  	s3 =	simm.s32 @!p0 $0x1082;
	s9 =	sld [smem:$0x3FAE]  }
0x2f: {  	lr =	sadd.s32 s0, s3;
	s0 =	sld [smem:$0x3FA5]  }
0x30: {  	s3 =	sld [smem:$0x3FA8]  }
0x31: {  	[smem:$0x3FB1] =	sst s10  }
0x32: {  	s10 =	sld [smem:$0x3FAF];
	_ =	sdelay $0x3  }
0x33: {  	p0 =	seq.s32 s10, $0x1;
	s10 =	sld [smem:$0x3FB1];
	_ =	sdelay $0x3  }
0x34: {  	[smem:$0x3FB1] =	sst s10  }
0x35: {  	s10 =	sld [smem:$0x3FB0];
	_ =	sdelay $0x3  }
0x36: {  	p1 =	seq.s32 s10, $0x1;
	s10 =	sld [smem:$0x3FB1];
	_ =	sdelay $0x3  }
0x37: {  	[smem:$0x3FB1] =	sst s10  }
0x38: {  	s10 =	sld [smem:$0x3FB2]  }
0x39: {  	_ = 	snop;
	(pc) =	sbr.ind lr, $3  }
0x3a: {  	_ = 	snop  }
0x3b: {  	_ = 	snop  }
0x3c: {  	p2 =	seq.s32 s10, $0x1;
	s10 =	sld [smem:$0x3FB1]  }
0x3d: {  	_ =	shalt  }
0x3e: {  	_ =	shalt  }
0x3f: {  	_ =	shalt  }
0x40: {  	_ =	shalt  }
0x41: {  	_ =	shalt  }
0x42: {  	_ =	shalt  }
0x43: {  	_ =	shalt  }
0x44: {  	_ =	shalt  }
0x45: {  	_ =	shalt  }
0x46: {  	_ =	shalt  }
0x47: {  	_ =	shalt  }
0x48: {  	_ =	shalt  }
0x49: {  	_ =	shalt  }
0x4a: {  	_ =	shalt  }
0x4b: {  	_ =	shalt  }
0x4c: {  	_ =	shalt  }
0x4d: {  	_ =	shalt  }
0x4e: {  	_ =	shalt  }
0x4f: {  	_ =	shalt  }
0x50: {  	_ =	shalt  }
0x51: {  	_ =	shalt  }
0x52: {  	_ =	shalt  }
0x53: {  	_ =	shalt  }
0x54: {  	_ =	shalt  }
0x55: {  	_ =	shalt  }
0x56: {  	_ =	shalt  }
0x57: {  	_ =	shalt  }
0x58: {  	_ =	shalt  }
0x59: {  	_ =	shalt  }
0x5a: {  	_ =	shalt  }
0x5b: {  	_ =	shalt  }
0x5c: {  	_ =	shalt  }
0x5d: {  	_ =	shalt  }
0x5e: {  	_ =	shalt  }
0x5f: {  	_ =	shalt  }
0x60: {  	_ =	shalt  }
0x61: {  	_ =	shalt  }
0x62: {  	_ =	shalt  }
0x63: {  	_ =	shalt  }
0x64: {  	_ =	shalt  }
0x65: {  	_ =	shalt  }
0x66: {  	_ =	shalt  }
0x67: {  	_ =	shalt  }
0x68: {  	_ =	shalt  }
0x69: {  	_ =	shalt  }
0x6a: {  	_ =	shalt  }
0x6b: {  	_ =	shalt  }
0x6c: {  	_ =	shalt  }
0x6d: {  	_ =	shalt  }
0x6e: {  	_ =	shalt  }
0x6f: {  	_ =	shalt  }
0x70: {  	_ =	shalt  }
0x71: {  	_ =	shalt  }
0x72: {  	_ =	shalt  }
0x73: {  	_ =	shalt  }
0x74: {  	_ =	shalt  }
0x75: {  	_ =	shalt  }
0x76: {  	_ =	shalt  }
0x77: {  	_ =	shalt  }
0x78: {  	_ =	shalt  }
0x79: {  	_ =	shalt  }
0x7a: {  	_ =	shalt  }
0x7b: {  	_ =	shalt  }
0x7c: {  	_ =	shalt  }
0x7d: {  	_ =	shalt  }
0x7e: {  	_ =	shalt  }
0x7f: {  	_ =	shalt  }
0x80: {  	_ =	shalt  }
0x81: {  	_ =	shalt  }
0x82: {  	_ =	shalt  }
0x83: {  	_ =	shalt  }
0x84: {  	_ =	shalt  }
0x85: {  	_ =	shalt  }
0x86: {  	_ =	shalt  }
0x87: {  	_ =	shalt  }
.Lfunc_end0:
.L_simem_size_0:
called_computation.1_lowered:
.L_overlay_start_0:
0x88: {  	s2 =	sld [smem:$0x3FD9]  }
0x89: {  	s3 =	sld [smem:$0x3FFE];
	_ =	sdelay $0x1  }
0x8a: {  	s1 =	srdreg.scid  }
0x8b: {  	s0 =	sand.u32 $0x1, s1  }
0x8c: {  	s17 =	sshll.u32 s0, $0xA;
	s2 =	sadd.s32 s3, s2  }
0x8d: {  	s2 =	sadd.s32 s2, s17  }
0x8e: {  	[smem:$0x3FBD] =	sst s2  }
0x8f: {  	_ = 	snop  }
0x90: {  	s18 =	sld [smem:$0x3FD0];
	(tm) =	ssettm $0x1  }
0x91: {  	s19 =	sld [smem:$0x3FFB];
	_ =	sdelay $0x3  }
0x92: {  	_ =	strace s19  }
0x93: {  	s2 =	sld [smem:$0x3FFC];
	_ =	sdelay $0x3  }
0x94: {  	_ =	strace s2  }
0x95: {  	s2 =	sld [smem:$0x3FFD];
	_ =	sdelay $0x3  }
0x96: {  	_ =	strace s2  }
0x97: {  	_ =	strace $0x8FFFFFFF  }
0x98: {  	s20 =	sld [smem:$0x3FDB];
	_ =	sdelay $0x1  }
0x99: {  	s4 =	simm.s32 $_scs_section_size  }
0x9a: {  	s5 =	simm.s32 $_size__tile_overlayer_lowered;
	s6 =	simm.s32 $_tile_overlayer_lowered  }
0x9b: {  	s7 =	simm.s32 $0x1BFF;
	s21 =	sshll.u32 s6, $0x1;
	s4 =	sadd.s32 s4, s20  }
0x9c: {  	s22 =	simm.s32 $0x0;
	s5 =	sshll.u32 s5, $0x1;
	s6 =	sadd.s32 s21, s4  }
0x9d: {  	[timem:s22], [sflag:s7] =	dma.local [hbm:s6], s5  }
0x9e: {  	_ =	swait.ge [sflag:s7], s5  }
0x9f: {  	s5 =	ssub.s32 $0x0, s5;
	[sflag:s7] =	ssyncset.done $0x0  }
0xa0: {  	[sflag:s7] =	ssyncadd.s32 s5;
	_ =	sdelay $0x1  }
0xa1: {  	s23 =	simm.s32 $0x1B8B  }
0xa2: {  	_ =	swait.ge [sflag:s23], $0x1  }
0xa3: {  	[sflag:s23] =	ssyncset.done $0x0  }
0xa4: {  	[sflag:s23] =	ssyncadd.s32 $0xFFFFFFFF  }
0xa5: {  	s5 =	sld [smem:$0x0]  }
0xa6: {  	s6 =	sand.u32 $0xFFFFFFFE, s1  }
0xa7: {  	p0 =	sne.s32 s1, s6  }
0xa8: {  	s6 =	sshll.u32 @p0 s6, $0xE  }
0xa9: {  	s6 =	sadd.s32 @p0 $0x11B8D, s6;
	s7 =	sshll.u32 @p0 s5, $0x11  }
0xaa: {  	s6 =	sor.u32 @p0 s7, s6  }
0xab: {  	[sflag:s6] =	ssyncadd.remote.s32 @p0 $0x1;
	_ =	sdelay $0x1  }
0xac: {  	s6 =	simm.s32 @p0 $0x1B8D  }
0xad: {  	_ =	swait.eq @p0 [sflag:s6], $0x1  }
0xae: {  	[sflag:s6] =	ssyncadd.s32 @p0 $0xFFFFFFFF  }
0xaf: {  	s7 =	sshll.u32 @!p0 s1, $0xE  }
0xb0: {  	s7 =	sor.u32 @!p0 $0x4000, s7;
	s6 =	simm.s32 @!p0 $0x1B8D  }
0xb1: {  	s5 =	sshll.u32 @!p0 s5, $0x11;
	s7 =	sadd.s32 @!p0 $0x11B8D, s7;
	_ =	swait.eq @!p0 [sflag:s6], $0x1  }
0xb2: {  	s5 =	sor.u32 @!p0 s5, s7;
	[sflag:s6] =	ssyncadd.s32 @!p0 $0xFFFFFFFF  }
0xb3: {  	s25 =	simm.s32 $0x1B8E;
	s24 =	sld [smem:$0x3FFE];
	[sflag:s5] =	ssyncadd.remote.s32 @!p0 $0x1  }
0xb4: {  	s26 =	simm.s32 $execute0_lowered;
	[smem:$0x3FD2] =	sst s25  }
0xb5: {  	s6 =	sshll.u32 s26, $0x1;
	_ =	strace $0x8000004C;
	[dreg:$0x1] =	wrdreg $0xFFFFFFFF  }
0xb6: {  	s28 =	simm.s32 $_size_execute0_lowered;
	s4 =	sadd.s32 s4, s6;
	[dreg:$0x0] =	wrdreg $0x0  }
0xb7: {  	s6 =	sshll.u32 s28, $0x1;
	[dreg:$0x2] =	wrdreg s4  }
0xb8: {  	[dreg:$0x3] =	wrdreg s6  }
0xb9: {  	[dreg:$0x4] =	wrdreg $0xC0  }
0xba: {  	_ =	task [dreg:s22], $0x5FFFF  }
0xbb: {  	[dreg:$0x1] =	wrdreg $0xFFFFFFFF  }
0xbc: {  	[dreg:$0x0] =	wrdreg $0x60  }
0xbd: {  	[dreg:$0x2] =	wrdreg s18  }
0xbe: {  	[dreg:$0x3] =	wrdreg s24  }
0xbf: {  	[dreg:$0x4] =	wrdreg $0xA2800  }
0xc0: {  	[dreg:$0x5] =	wrdreg $0x9  }
0xc1: {  	_ =	task.clear_ibuf [dreg:s22], $0x6FFFF;
	_ =	strace $0x9000004C  }
0xc2: {  	s29 =	simm.s32 $0x9;
	_ =	strace $0x8000004E  }
0xc3: {  	_ =	swait.ge [sflag:s29], $0x1  }
0xc4: {  	[sflag:s29] =	ssyncadd.s32 $0xFFFFFFFF  }
0xc5: {  	_ =	strace $0x9000004E  }
0xc6: {  	_ =	sfence  }
0xc7: {  	s30 =	sld [smem:$0x0];
	_ =	sdelay $0x2  }
0xc8: {  	s31 =	sshll.u32 s1, $0xD;
	s1 =	sshrl.u32 s1, $0x2  }
0xc9: {  	s4 =	sand.u32 $0x4000, s31;
	s1 =	sadd.s32 s1, s30  }
0xca: {  	s0 =	sor.u32 s4, s0;
	s1 =	sshll.u32 s1, $0x11  }
0xcb: {  	s0 =	sor.u32 s1, s0  }
0xcc: {  	s0 =	sadd.s32 $0x8F2B, s0  }
0xcd: {  	[sflag:s0] =	ssyncadd.remote.s32 $0x1  }
0xce: {  	_ =	sfence.sel $0xFFFF  }
0xcf: {  	[dreg:$0x0] =	wrdreg $0xFFFFFFFF;
	(pc) =	sbr.abs _section_cstart, $3  }
0xd0: {  	[dreg:$0x1] =	wrdreg $0xFFFFFFFF  }
0xd1: {  	_ =	task.clear_ibuf [dreg:s22], $0x2FFFF;
	_ =	strace $0x9FFFFFFF  }
0xd2: {  	(tm) =	ssettm $0x7FFFFFFF  }
0xd3: {  	_ =	shalt  }
tec
execute0_lowered:
.L_overlay_start_1:
0x0: {  	(tag) =	ssettag $0x1  }
0x1: {  	s1 =	rddreg [dreg:$0x0]  }
0x2: {  	s0 =	rddreg [dreg:$0x1]  }
0x3: {  	s2 =	rddreg [dreg:$0x2];
	s3 =	simm.s32 $0x0;
	s13 =	stileid.u32  }
0x4: {  	s12 =	srdreg.scid;
	s28 =	simm.s32 $0x100;
	s29 =	simm.s32 $0x200  }
0x5: {  	s30 =	simm.s32 $0x1;
	s31 =	simm.s32 $0x50;
	[smem:$0x7FF] =	sst s3  }
0x6: {  	s5 =	sadd.s32 $0xD200, s0;
	s6 =	sadd.s32 $0x3400, s0;
	s7 =	sadd.s32 $0xB61E00, s0  }
0x7: {  	s4 =	smul.u32 $0x50000, s13;
	s8 =	sadd.s32 $0x17000, s0;
	s3 =	sand.u32 $0x1, s12  }
0x8: {  	s14 =	sshll.u32 s13, $0x1;
	s26 =	smul.u32 $0x2800, s13;
	s13 =	simm.s32 $0x5  }
0x9: {  	_ =	strace $0x8000004D;
	[dreg:$0x4] =	wrdreg s8;
	s11 =	ssub.s32 $0x2, s3  }
0xa: {  	s8 =	sor.u32 s3, s14;
	p0 =	seq.s32 s3, $0x1;
	s4 =	sshrl.u32 s4, $0x2  }
0xb: {  	s3 =	simm.s32 $0x8F200;
	s12 =	sshrl.u32 s11, $0x1;
	s9 =	sadd.s32 s4, s2  }
0xc: {  	s10 =	smul.u32 $0x2710, s8;
	s3 =	simm.s32 @!p0 $0x67200;
	s16 =	sadd.s32 $0x2800, s9  }
0xd: {  	s15 =	ssub.s32 s11, s12;
	s17 =	sadd.s32 $0x5000, s9;
	[dreg:$0x5] =	wrdreg s16  }
0xe: {  	s0 =	sadd.s32 s3, s0;
	s18 =	sadd.s32 $0x7800, s9;
	[dreg:$0x6] =	wrdreg s17  }
0xf: {  	s3 =	simm.s32 $0x80;
	s19 =	sadd.s32 $0xA000, s9;
	[dreg:$0x7] =	wrdreg s18  }
0x10: {  	s12 =	simm.s32 $0x4;
	s21 =	sadd.s32 $0xC800, s9;
	[dreg:$0x8] =	wrdreg s19  }
0x11: {  	s20 =	sadd.s32 $0x26C0, s10;
	s22 =	sadd.s32 $0xF000, s9;
	[dreg:$0x9] =	wrdreg s21  }
0x12: {  	s24 =	sadd.s32 $0x11800, s9;
	s4 =	smax.u32 s15, $0x1;
	[dreg:$0xa] =	wrdreg s22  }
0x13: {  	s0 =	sadd.s32 s0, s26;
	s26 =	simm.s32 $0x5200;
	[dreg:$0xb] =	wrdreg s24  }
0x14: {  	s15 =	simm.s32 $0x0;
	s23 =	sshrl.u32 s20, $0x3;
	[dreg:$0xf] =	wrdreg s4  }
0x15: {  	s18 =	sadd.s32 $0x50, s10;
	[dreg:$0x10] =	wrdreg s0;
	s25 =	sadd.s32 s5, s23  }
0x16: {  	s8 =	sshll.u32 s20, $0x4;
	s11 =	sadd.s32 s6, s23;
	[dreg:$0xc] =	wrdreg s25  }
0x17: {  	s0 =	simm.s32 $0x3;
	s8 =	sadd.s32 s7, s8;
	[dreg:$0xd] =	wrdreg s11  }
0x18: {  	s24 =	simm.s32 $0x180;
	s4 =	simm.s32 $0x2A00;
	[dreg:$0xe] =	wrdreg s8  }
0x19: {  	v0 =	vimm.f32 $0.0e+00;
	s25 =	simm.s32 $0x7;
	s8 =	simm.s32 $0x2;
	s11 =	simm.s32 $0x7A00  }
.LBB2_1:
0x1a: {  	s14 =	simm.s32 $0x0;
	s16 =	rddreg [dreg:$0x4];
	s17 =	simm.s32 $0xA200  }
0x1b: {  	[tilespmem:s17], [sflag:$0x7] =	stream.linear.gather [hbm4b:s16+s14], $0x80, $0x38;
	[tilespmem:$0x1E280] =	vst v63  }
0x1c: {  	_ =	swait.ge [sflag:s25], $0x80  }
0x1d: {  	[sflag:s25] =	ssyncset.done $0x0  }
0x1e: {  	[sflag:s25] =	ssyncadd.s32 $0xFFFFFF80  }
0x1f: {  	v1 =	vld [tilespmem:$0xA200];
	_ =	sdelay $0x2  }
0x20: {  	s16 =	simm.s32 $0x0;
	s17 =	simm.s32 $0x200  }
.LBB2_2:
0x21: {  	p0 =	sne.s32 s17, $0x9E00;
	[tilespmem:s16+$0x5270] =	vst v0  }
0x22: {  	[tilespmem:s16+$0x5200] =	vst v0  }
0x23: {  	[tilespmem:s16+$0x5210] =	vst v0  }
.Ltmp0:
0x24: {  	[tilespmem:s16+$0x5220] =	vst v0;
	(pc) =	sbr.rel @p0 .LBB2_2-.Ltmp0, $4  }
0x25: {  	[tilespmem:s16+$0x5230] =	vst v0  }
0x26: {  	[tilespmem:s16+$0x5240] =	vst v0  }
0x27: {  	[tilespmem:s16+$0x5250] =	vst v0  }
0x28: {  	[tilespmem:s16+$0x5260] =	vst v0;
	s16 =	sshra.s32 s17, $0x2;
	s17 =	sadd.s32 $0x200, s17  }
0x29: {  	[tilespmem:s16+$0x5270] =	vst v0  }
0x2a: {  	[tilespmem:s16+$0x5200] =	vst v0  }
0x2b: {  	[tilespmem:s16+$0x5210] =	vst v0  }
0x2c: {  	[tilespmem:s16+$0x5220] =	vst v0  }
0x2d: {  	[tilespmem:s16+$0x5230] =	vst v0  }
0x2e: {  	[tilespmem:s16+$0x5240] =	vst v0  }
0x2f: {  	[tilespmem:s16+$0x5250] =	vst v0  }
0x30: {  	[tilespmem:s16+$0x5260] =	vst v0  }
0x31: {  	[spmem:s9] =	stream.linear.scatter [tilespmem:s26], [sflag:$0x7], $0x2800, $0x38;
	[tilespmem:$0x1E280] =	vst v63  }
0x32: {  	_ =	swait.ge [sflag:s25], $0x2800  }
0x33: {  	[sflag:s25] =	ssyncset.done $0x0  }
0x34: {  	s14 =	rddreg [dreg:$0x5];
	[sflag:s25] =	ssyncadd.s32 $0xFFFFD800  }
0x35: {  	[spmem:s14] =	stream.linear.scatter [tilespmem:s26], [sflag:$0x7], $0x2800, $0x38;
	[tilespmem:$0x1E280] =	vst v63  }
0x36: {  	_ =	swait.ge [sflag:s25], $0x2800  }
0x37: {  	[sflag:s25] =	ssyncset.done $0x0  }
0x38: {  	s17 =	rddreg [dreg:$0x6];
	[sflag:s25] =	ssyncadd.s32 $0xFFFFD800  }
0x39: {  	[spmem:s17] =	stream.linear.scatter [tilespmem:s26], [sflag:$0x7], $0x2800, $0x38;
	[tilespmem:$0x1E280] =	vst v63  }
0x3a: {  	_ =	swait.ge [sflag:s25], $0x2800  }
0x3b: {  	[sflag:s25] =	ssyncset.done $0x0  }
0x3c: {  	s19 =	rddreg [dreg:$0x7];
	[sflag:s25] =	ssyncadd.s32 $0xFFFFD800  }
0x3d: {  	[spmem:s19] =	stream.linear.scatter [tilespmem:s26], [sflag:$0x7], $0x2800, $0x38;
	[tilespmem:$0x1E280] =	vst v63  }
0x3e: {  	_ =	swait.ge [sflag:s25], $0x2800  }
0x3f: {  	[sflag:s25] =	ssyncset.done $0x0  }
0x40: {  	s20 =	rddreg [dreg:$0x8];
	[sflag:s25] =	ssyncadd.s32 $0xFFFFD800  }
0x41: {  	[spmem:s20] =	stream.linear.scatter [tilespmem:s26], [sflag:$0x7], $0x2800, $0x38;
	[tilespmem:$0x1E280] =	vst v63  }
0x42: {  	_ =	swait.ge [sflag:s25], $0x2800  }
0x43: {  	[sflag:s25] =	ssyncset.done $0x0  }
0x44: {  	s21 =	rddreg [dreg:$0x9];
	[sflag:s25] =	ssyncadd.s32 $0xFFFFD800  }
0x45: {  	[spmem:s21] =	stream.linear.scatter [tilespmem:s26], [sflag:$0x7], $0x2800, $0x38;
	[tilespmem:$0x1E280] =	vst v63  }
0x46: {  	_ =	swait.ge [sflag:s25], $0x2800  }
0x47: {  	[sflag:s25] =	ssyncset.done $0x0  }
0x48: {  	s22 =	rddreg [dreg:$0xa];
	[sflag:s25] =	ssyncadd.s32 $0xFFFFD800  }
0x49: {  	[spmem:s22] =	stream.linear.scatter [tilespmem:s26], [sflag:$0x7], $0x2800, $0x38;
	[tilespmem:$0x1E280] =	vst v63  }
0x4a: {  	_ =	swait.ge [sflag:s25], $0x2800  }
0x4b: {  	[sflag:s25] =	ssyncset.done $0x0  }
0x4c: {  	s23 =	rddreg [dreg:$0xb];
	[sflag:s25] =	ssyncadd.s32 $0xFFFFD800  }
0x4d: {  	[spmem:s23] =	stream.linear.scatter [tilespmem:s26], [sflag:$0x7], $0x2800, $0x38;
	[tilespmem:$0x1E280] =	vst v63  }
0x4e: {  	_ =	swait.ge [sflag:s25], $0x2800  }
0x4f: {  	[sflag:s25] =	ssyncset.done $0x0  }
0x50: {  	[sflag:s25] =	ssyncadd.s32 $0xFFFFD800  }
0x51: {  	s16 =	simm.s32 $0x0;
	s17 =	simm.s32 $0x0;
	[bflag:$0x0] =	sbarrier.arrive $0xFFFF  }
.LBB2_4:
0x52: {  	s19 =	smul.u32 $0xA0, s17;
	p0 =	seq.s32 s17, $0x0  }
0x53: {  	s20 =	simm.s32 @!p0 $0x5  }
0x54: {  	s21 =	sadd.s32 s10, s19;
	_ =	swait.ge @!p0 [sflag:s20], $0x2800  }
0x55: {  	[sflag:s20] =	ssyncset.done @!p0 $0x0;
	s22 =	sshrl.u32 s21, $0x3  }
0x56: {  	[sflag:s20] =	ssyncadd.s32 @!p0 $0xFFFFD800;
	s14 =	sadd.s32 s5, s22  }
0x57: {  	[tilespmem:s16], [sflag:$0x1] =	stream.linear.gather [hbm4b:s14+s16], $0x50, $0x38;
	[tilespmem:$0x1E280] =	vst v63  }
0x58: {  	s23 =	sshll.u32 s21, $0x4;
	s22 =	sadd.s32 s6, s22  }
0x59: {  	[tilespmem:s28], [sflag:$0x1] =	stream.linear.gather [hbm4b:s22+s16], $0x50, $0x38;
	[tilespmem:$0x1E280] =	vst v63  }
0x5a: {  	s20 =	sadd.s32 s7, s23  }
0x5b: {  	[tilespmem:s29], [sflag:$0x1] =	stream.linear.gather [hbm4b:s20+s16], $0x2800, $0x38;
	[tilespmem:$0x1E280] =	vst v63  }
0x5c: {  	_ =	swait.ge [sflag:s30], $0x50  }
0x5d: {  	[sflag:s30] =	ssyncset.done $0x0  }
0x5e: {  	[sflag:s30] =	ssyncadd.s32 $0xFFFFFFB0  }
0x5f: {  	_ =	swait.ge [sflag:s30], $0x50  }
0x60: {  	[sflag:s30] =	ssyncset.done $0x0  }
0x61: {  	[sflag:s30] =	ssyncadd.s32 $0xFFFFFFB0  }
0x62: {  	_ =	swait.ge [sflag:s30], $0x2800  }
0x63: {  	[sflag:s30] =	ssyncset.done $0x0  }
0x64: {  	[sflag:s30] =	ssyncadd.s32 $0xFFFFD800  }
0x65: {  	[tilespmem:s26], [sflag:$0x3] =	stream.indirect.gather [hbm4b:s1+s31], $0x80, s16, s31, $0xb8;
	[tilespmem:$0x1E280] =	vst v63  }
0x66: {  	_ =	swait.ge [sflag:s0], $0x2800  }
0x67: {  	[sflag:s0] =	ssyncset.done $0x0  }
0x68: {  	s22 =	simm.s32 $0x0;
	[sflag:s0] =	ssyncadd.s32 $0xFFFFD800  }
0x69: {  	v2 =	vld [tilespmem:s22+$0x200];
	_ =	sdelay $0x4  }
0x6a: {  	v2 =	vsub.f32 v2, v1;
	_ =	sdelay $0x1  }
0x6b: {  	v2 =	vmul.f32 $1.442695020e+00, v2  }
0x6c: {  	s21 =	simm.s32 $0x80  }
0x6d: {  	v3 =	vld [tilespmem:s21+$0x200];
	(erf) = vpow2.f32 v2;
	_ =	sdelay $0x4  }
0x6e: {  	v6 =	vld [tilespmem:s22+$0x5230];
	v7 =	vsub.f32 v3, v1  }
0x6f: {  	v9 =	vld [tilespmem:s22+$0x5240]  }
0x70: {  	v4 =	vld [tilespmem:s22+$0x5270];
	v10 =	vmul.f32 $1.442695020e+00, v7  }
0x71: {  	s20 =	simm.s32 $0x100;
	v5 =	vld [tilespmem:s22+$0x5260]  }
0x72: {  	v2 =	vld [tilespmem:s20+$0x200];
	v3 =	vpop (erf);
	(erf) = vpow2.f32 v10  }
0x73: {  	v8 =	vld [tilespmem:s22+$0x5250];
	v11 =	vmul.f32 v6, v3  }
0x74: {  	v6 =	vld [tilespmem:s22+$0x5200]  }
0x75: {  	s23 =	simm.s32 $0x600;
	v7 =	vld [tilespmem:s22+$0x5220];
	v9 =	vmul.f32 v9, v3;
	[tilespmem:s22+$0x5230] =	vst v11  }
.LBB2_5:
0x76: {  	s14 =	sshra.s32 s23, $0x2;
	p1 =	sne.s32 s23, $0x9E00;
	s23 =	sadd.s32 $0x200, s23;
	v10 =	vld [tilespmem:s22+$0x5210];
	v4 =	vmul.f32 v4, v3  }
0x77: {  	v11 =	vsub.f32 v2, v1;
	v12 =	vld [tilespmem:s21+$0x5230];
	[tilespmem:s22+$0x5240] =	vst v9;
	v5 =	vmul.f32 v5, v3  }
0x78: {  	v9 =	vld [tilespmem:s21+$0x5240];
	v8 =	vmul.f32 v8, v3;
	[tilespmem:s22+$0x5270] =	vst v4  }
0x79: {  	v11 =	vmul.f32 $1.442695020e+00, v11;
	v2 =	vld [tilespmem:s14+$0x200];
	v6 =	vmul.f32 v3, v6;
	[tilespmem:s22+$0x5260] =	vst v5  }
.Ltmp1:
0x7a: {  	v4 =	vld [tilespmem:s21+$0x5270];
	v7 =	vmul.f32 v7, v3;
	[tilespmem:s22+$0x5250] =	vst v8;
	(pc) =	sbr.rel @p1 .LBB2_5-.Ltmp1, $4  }
0x7b: {  	(erf) = vpow2.f32 v11;
	v5 =	vld [tilespmem:s21+$0x5260];
	[tilespmem:s22+$0x5200] =	vst v6;
	v10 =	vmul.f32 v3, v10;
	v3 =	vpop (erf)  }
0x7c: {  	v11 =	vmul.f32 v12, v3;
	v8 =	vld [tilespmem:s21+$0x5250];
	[tilespmem:s22+$0x5220] =	vst v7  }
0x7d: {  	v6 =	vld [tilespmem:s21+$0x5200];
	[tilespmem:s22+$0x5210] =	vst v10;
	s22 =	smov.u32 s21;
	s21 =	smov.u32 s20;
	s20 =	smov.u32 s14  }
0x7e: {  	v9 =	vmul.f32 v9, v3;
	v7 =	vld [tilespmem:s22+$0x5220];
	[tilespmem:s22+$0x5230] =	vst v11  }
0x7f: {  	v10 =	vld [tilespmem:s22+$0x5210];
	v4 =	vmul.f32 v4, v3  }
0x80: {  	v11 =	vld [tilespmem:s21+$0x5230];
	[tilespmem:s22+$0x5240] =	vst v9;
	v5 =	vmul.f32 v5, v3  }
0x81: {  	v9 =	vld [tilespmem:s21+$0x5240];
	[tilespmem:s22+$0x5270] =	vst v4;
	v4 =	vmul.f32 v8, v3  }
0x82: {  	[tilespmem:s22+$0x5260] =	vst v5;
	v6 =	vmul.f32 v3, v6  }
0x83: {  	v2 =	vsub.f32 v2, v1;
	v5 =	vld [tilespmem:s21+$0x5270];
	[tilespmem:s22+$0x5250] =	vst v4;
	v7 =	vmul.f32 v7, v3  }
0x84: {  	v4 =	vld [tilespmem:s21+$0x5260];
	[tilespmem:s22+$0x5200] =	vst v6;
	v3 =	vmul.f32 v3, v10  }
0x85: {  	v2 =	vmul.f32 $1.442695020e+00, v2;
	v6 =	vld [tilespmem:s21+$0x5250];
	[tilespmem:s22+$0x5220] =	vst v7  }
0x86: {  	v8 =	vld [tilespmem:s21+$0x5200];
	[tilespmem:s22+$0x5210] =	vst v3  }
0x87: {  	v7 =	vpop (erf);
	v3 =	vld [tilespmem:s21+$0x5220];
	(erf) = vpow2.f32 v2  }
0x88: {  	v10 =	vmul.f32 v11, v7  }
0x89: {  	v9 =	vmul.f32 v9, v7  }
0x8a: {  	v5 =	vmul.f32 v5, v7;
	[tilespmem:s21+$0x5230] =	vst v10;
	v10 =	vld [tilespmem:s21+$0x5210]  }
0x8b: {  	v2 =	vmul.f32 v4, v7;
	v11 =	vld [tilespmem:s20+$0x5230];
	[tilespmem:s21+$0x5240] =	vst v9  }
0x8c: {  	v4 =	vld [tilespmem:s20+$0x5240];
	[tilespmem:s21+$0x5270] =	vst v5;
	v5 =	vmul.f32 v6, v7;
	v3 =	vmul.f32 v3, v7  }
0x8d: {  	[tilespmem:s21+$0x5260] =	vst v2;
	v6 =	vmul.f32 v7, v8  }
0x8e: {  	v2 =	vld [tilespmem:s20+$0x5270];
	[tilespmem:s21+$0x5250] =	vst v5  }
0x8f: {  	v5 =	vld [tilespmem:s20+$0x5260];
	[tilespmem:s21+$0x5200] =	vst v6;
	v7 =	vmul.f32 v7, v10  }
0x90: {  	v6 =	vld [tilespmem:s20+$0x5250];
	[tilespmem:s21+$0x5220] =	vst v3;
	v3 =	vpop (erf)  }
0x91: {  	v8 =	vld [tilespmem:s20+$0x5200];
	v9 =	vmul.f32 v11, v3;
	[tilespmem:s21+$0x5210] =	vst v7  }
0x92: {  	v4 =	vmul.f32 v4, v3;
	v7 =	vld [tilespmem:s20+$0x5220]  }
0x93: {  	v2 =	vmul.f32 v2, v3;
	[tilespmem:s20+$0x5230] =	vst v9;
	v9 =	vld [tilespmem:s20+$0x5210]  }
0x94: {  	[tilespmem:s20+$0x5240] =	vst v4;
	v4 =	vmul.f32 v5, v3  }
0x95: {  	[tilespmem:s20+$0x5270] =	vst v2;
	v5 =	vmul.f32 v6, v3  }
0x96: {  	v2 =	vmul.f32 v3, v8;
	[tilespmem:s20+$0x5260] =	vst v4  }
0x97: {  	v4 =	vmul.f32 v7, v3;
	[tilespmem:s20+$0x5250] =	vst v5  }
0x98: {  	[tilespmem:s20+$0x5200] =	vst v2;
	v2 =	vmul.f32 v3, v9  }
0x99: {  	[tilespmem:s20+$0x5220] =	vst v4  }
0x9a: {  	s14 =	simm.s32 @!p0 $0x6;
	[tilespmem:s20+$0x5210] =	vst v2  }
0x9b: {  	[spmem:s2] =	stream.indirect.scatter.add.f32 [tilespmem:s26], [sflag:$0x5], $0x80, s28, s31, $0xb8;
	[tilespmem:$0x1E280] =	vst v63  }
0x9c: {  	s19 =	sadd.s32 s18, s19;
	_ =	swait.ge @!p0 [sflag:s14], $0x2800  }
0x9d: {  	s22 =	sshrl.u32 s19, $0x3;
	[sflag:s14] =	ssyncset.done @!p0 $0x0  }
0x9e: {  	s23 =	sadd.s32 s5, s22;
	s21 =	simm.s32 $0x0;
	[sflag:s14] =	ssyncadd.s32 @!p0 $0xFFFFD800  }
0x9f: {  	[tilespmem:s3], [sflag:$0x2] =	stream.linear.gather [hbm4b:s23+s21], $0x50, $0x38;
	[tilespmem:$0x1E280] =	vst v63  }
0xa0: {  	s22 =	sadd.s32 s6, s22;
	s23 =	sshll.u32 s19, $0x4  }
0xa1: {  	[tilespmem:s24], [sflag:$0x2] =	stream.linear.gather [hbm4b:s22+s21], $0x50, $0x38;
	[tilespmem:$0x1E280] =	vst v63  }
0xa2: {  	s14 =	sadd.s32 s7, s23  }
0xa3: {  	[tilespmem:s4], [sflag:$0x2] =	stream.linear.gather [hbm4b:s14+s21], $0x2800, $0x38;
	[tilespmem:$0x1E280] =	vst v63  }
0xa4: {  	_ =	swait.ge [sflag:s8], $0x50  }
0xa5: {  	[sflag:s8] =	ssyncset.done $0x0  }
0xa6: {  	[sflag:s8] =	ssyncadd.s32 $0xFFFFFFB0  }
0xa7: {  	_ =	swait.ge [sflag:s8], $0x50  }
0xa8: {  	[sflag:s8] =	ssyncset.done $0x0  }
0xa9: {  	[sflag:s8] =	ssyncadd.s32 $0xFFFFFFB0  }
0xaa: {  	_ =	swait.ge [sflag:s8], $0x2800  }
0xab: {  	[sflag:s8] =	ssyncset.done $0x0  }
0xac: {  	[sflag:s8] =	ssyncadd.s32 $0xFFFFD800  }
0xad: {  	[tilespmem:s11], [sflag:$0x4] =	stream.indirect.gather [hbm4b:s1+s31], $0x80, s3, s31, $0xb8;
	[tilespmem:$0x1E280] =	vst v63  }
0xae: {  	_ =	swait.ge [sflag:s12], $0x2800  }
0xaf: {  	[sflag:s12] =	ssyncset.done $0x0  }
0xb0: {  	s21 =	simm.s32 $0x0;
	[sflag:s12] =	ssyncadd.s32 $0xFFFFD800  }
0xb1: {  	v2 =	vld [tilespmem:s21+$0x2A00];
	_ =	sdelay $0x4  }
0xb2: {  	v2 =	vsub.f32 v2, v1;
	_ =	sdelay $0x1  }
0xb3: {  	v2 =	vmul.f32 $1.442695020e+00, v2  }
0xb4: {  	s20 =	simm.s32 $0x80  }
0xb5: {  	v3 =	vld [tilespmem:s20+$0x2A00];
	(erf) = vpow2.f32 v2;
	_ =	sdelay $0x4  }
0xb6: {  	v6 =	vld [tilespmem:s21+$0x7A30];
	v7 =	vsub.f32 v3, v1  }
0xb7: {  	v9 =	vld [tilespmem:s21+$0x7A40]  }
0xb8: {  	v4 =	vld [tilespmem:s21+$0x7A70];
	v10 =	vmul.f32 $1.442695020e+00, v7  }
0xb9: {  	s19 =	simm.s32 $0x100;
	v5 =	vld [tilespmem:s21+$0x7A60]  }
0xba: {  	v2 =	vld [tilespmem:s19+$0x2A00];
	v3 =	vpop (erf);
	(erf) = vpow2.f32 v10  }
0xbb: {  	v8 =	vld [tilespmem:s21+$0x7A50];
	v11 =	vmul.f32 v6, v3  }
0xbc: {  	v6 =	vld [tilespmem:s21+$0x7A00]  }
0xbd: {  	s22 =	simm.s32 $0x600;
	v7 =	vld [tilespmem:s21+$0x7A20];
	v9 =	vmul.f32 v9, v3;
	[tilespmem:s21+$0x7A30] =	vst v11  }
.LBB2_7:
0xbe: {  	s14 =	sshra.s32 s22, $0x2;
	p0 =	sne.s32 s22, $0x9E00;
	s22 =	sadd.s32 $0x200, s22;
	v10 =	vld [tilespmem:s21+$0x7A10];
	v4 =	vmul.f32 v4, v3  }
0xbf: {  	v11 =	vsub.f32 v2, v1;
	v12 =	vld [tilespmem:s20+$0x7A30];
	[tilespmem:s21+$0x7A40] =	vst v9;
	v5 =	vmul.f32 v5, v3  }
0xc0: {  	v9 =	vld [tilespmem:s20+$0x7A40];
	v8 =	vmul.f32 v8, v3;
	[tilespmem:s21+$0x7A70] =	vst v4  }
0xc1: {  	v11 =	vmul.f32 $1.442695020e+00, v11;
	v2 =	vld [tilespmem:s14+$0x2A00];
	v6 =	vmul.f32 v3, v6;
	[tilespmem:s21+$0x7A60] =	vst v5  }
.Ltmp2:
0xc2: {  	v4 =	vld [tilespmem:s20+$0x7A70];
	v7 =	vmul.f32 v7, v3;
	[tilespmem:s21+$0x7A50] =	vst v8;
	(pc) =	sbr.rel @p0 .LBB2_7-.Ltmp2, $4  }
0xc3: {  	(erf) = vpow2.f32 v11;
	v5 =	vld [tilespmem:s20+$0x7A60];
	[tilespmem:s21+$0x7A00] =	vst v6;
	v10 =	vmul.f32 v3, v10;
	v3 =	vpop (erf)  }
0xc4: {  	v11 =	vmul.f32 v12, v3;
	v8 =	vld [tilespmem:s20+$0x7A50];
	[tilespmem:s21+$0x7A20] =	vst v7  }
0xc5: {  	v6 =	vld [tilespmem:s20+$0x7A00];
	[tilespmem:s21+$0x7A10] =	vst v10;
	s21 =	smov.u32 s20;
	s20 =	smov.u32 s19;
	s19 =	smov.u32 s14  }
0xc6: {  	v9 =	vmul.f32 v9, v3;
	v7 =	vld [tilespmem:s21+$0x7A20];
	[tilespmem:s21+$0x7A30] =	vst v11  }
0xc7: {  	v10 =	vld [tilespmem:s21+$0x7A10];
	v4 =	vmul.f32 v4, v3  }
0xc8: {  	v11 =	vld [tilespmem:s20+$0x7A30];
	[tilespmem:s21+$0x7A40] =	vst v9;
	v5 =	vmul.f32 v5, v3  }
0xc9: {  	v9 =	vld [tilespmem:s20+$0x7A40];
	[tilespmem:s21+$0x7A70] =	vst v4;
	v49 =	vmul.f32 v8, v3  }
0xca: {  	[tilespmem:s21+$0x7A60] =	vst v5;
	v6 =	vmul.f32 v3, v6  }
0xcb: {  	v2 =	vsub.f32 v2, v1;
	v5 =	vld [tilespmem:s20+$0x7A70];
	[tilespmem:s21+$0x7A50] =	vst v49;
	v7 =	vmul.f32 v7, v3  }
0xcc: {  	v4 =	vld [tilespmem:s20+$0x7A60];
	[tilespmem:s21+$0x7A00] =	vst v6;
	v3 =	vmul.f32 v3, v10  }
0xcd: {  	v2 =	vmul.f32 $1.442695020e+00, v2;
	v6 =	vld [tilespmem:s20+$0x7A50];
	[tilespmem:s21+$0x7A20] =	vst v7  }
0xce: {  	v51 =	vld [tilespmem:s20+$0x7A00];
	[tilespmem:s21+$0x7A10] =	vst v3  }
0xcf: {  	v50 =	vpop (erf);
	(erf) = vpow2.f32 v2;
	v3 =	vld [tilespmem:s20+$0x7A20]  }
0xd0: {  	v52 =	vmul.f32 v11, v50  }
0xd1: {  	v9 =	vmul.f32 v9, v50  }
0xd2: {  	[tilespmem:s20+$0x7A30] =	vst v52;
	v53 =	vld [tilespmem:s20+$0x7A10];
	v5 =	vmul.f32 v5, v50  }
0xd3: {  	v54 =	vld [tilespmem:s19+$0x7A30];
	[tilespmem:s20+$0x7A40] =	vst v9;
	v2 =	vmul.f32 v4, v50  }
0xd4: {  	v55 =	vld [tilespmem:s19+$0x7A40];
	[tilespmem:s20+$0x7A70] =	vst v5;
	v56 =	vmul.f32 v6, v50;
	v3 =	vmul.f32 v3, v50  }
0xd5: {  	[tilespmem:s20+$0x7A60] =	vst v2;
	v57 =	vmul.f32 v50, v51  }
0xd6: {  	v2 =	vld [tilespmem:s19+$0x7A70];
	[tilespmem:s20+$0x7A50] =	vst v56  }
0xd7: {  	v7 =	vmul.f32 v50, v53;
	v5 =	vld [tilespmem:s19+$0x7A60];
	[tilespmem:s20+$0x7A00] =	vst v57  }
0xd8: {  	v6 =	vld [tilespmem:s19+$0x7A50];
	[tilespmem:s20+$0x7A20] =	vst v3;
	v3 =	vpop (erf)  }
0xd9: {  	v58 =	vld [tilespmem:s19+$0x7A00];
	[tilespmem:s20+$0x7A10] =	vst v7;
	v59 =	vmul.f32 v54, v3  }
0xda: {  	v7 =	vld [tilespmem:s19+$0x7A20];
	v4 =	vmul.f32 v55, v3  }
0xdb: {  	v60 =	vld [tilespmem:s19+$0x7A10];
	v2 =	vmul.f32 v2, v3;
	[tilespmem:s19+$0x7A30] =	vst v59  }
0xdc: {  	v61 =	vmul.f32 v5, v3;
	[tilespmem:s19+$0x7A40] =	vst v4  }
0xdd: {  	s17 =	sadd.s32 $0x1, s17;
	v62 =	vmul.f32 v6, v3;
	[tilespmem:s19+$0x7A70] =	vst v2  }
0xde: {  	p0 =	sne.s32 s17, $0x3E;
	v2 =	vmul.f32 v3, v58;
	[tilespmem:s19+$0x7A60] =	vst v61  }
.Ltmp3:
0xdf: {  	v63 =	vmul.f32 v7, v3;
	[tilespmem:s19+$0x7A50] =	vst v62;
	(pc) =	sbr.rel @p0 .LBB2_4-.Ltmp3, $4  }
0xe0: {  	[tilespmem:s19+$0x7A00] =	vst v2;
	v2 =	vmul.f32 v3, v60  }
0xe1: {  	[tilespmem:s19+$0x7A20] =	vst v63  }
0xe2: {  	[tilespmem:s19+$0x7A10] =	vst v2  }
0xe3: {  	[spmem:s2] =	stream.indirect.scatter.add.f32 [tilespmem:s11], [sflag:$0x6], $0x80, s24, s31, $0xb8;
	[tilespmem:$0x1E280] =	vst v63  }
0xe4: {  	_ =	swait.ge [sflag:s13], $0x2800  }
0xe5: {  	[sflag:s13] =	ssyncset.done $0x0  }
0xe6: {  	s14 =	simm.s32 $0x0;
	s16 =	rddreg [dreg:$0xc];
	[sflag:s13] =	ssyncadd.s32 $0xFFFFD800  }
0xe7: {  	[tilespmem:s14], [sflag:$0x1] =	stream.linear.gather [hbm4b:s16+s14], $0x50, $0x38;
	[tilespmem:$0x1E280] =	vst v63  }
0xe8: {  	s22 =	rddreg [dreg:$0xd]  }
0xe9: {  	[tilespmem:s28], [sflag:$0x1] =	stream.linear.gather [hbm4b:s22+s14], $0x50, $0x38;
	[tilespmem:$0x1E280] =	vst v63  }
0xea: {  	s23 =	rddreg [dreg:$0xe]  }
0xeb: {  	[tilespmem:s29], [sflag:$0x1] =	stream.linear.gather [hbm4b:s23+s14], $0x2800, $0x38;
	[tilespmem:$0x1E280] =	vst v63  }
0xec: {  	_ =	swait.ge [sflag:s30], $0x50  }
0xed: {  	[sflag:s30] =	ssyncset.done $0x0  }
0xee: {  	[sflag:s30] =	ssyncadd.s32 $0xFFFFFFB0  }
0xef: {  	_ =	swait.ge [sflag:s30], $0x50  }
0xf0: {  	[sflag:s30] =	ssyncset.done $0x0  }
0xf1: {  	[sflag:s30] =	ssyncadd.s32 $0xFFFFFFB0  }
0xf2: {  	_ =	swait.ge [sflag:s30], $0x2800  }
0xf3: {  	[sflag:s30] =	ssyncset.done $0x0  }
0xf4: {  	[sflag:s30] =	ssyncadd.s32 $0xFFFFD800  }
0xf5: {  	[tilespmem:s26], [sflag:$0x3] =	stream.indirect.gather [hbm4b:s1+s31], $0x80, s14, s31, $0xb8;
	[tilespmem:$0x1E280] =	vst v63  }
0xf6: {  	_ =	swait.ge [sflag:s0], $0x2800  }
0xf7: {  	[sflag:s0] =	ssyncset.done $0x0  }
0xf8: {  	s19 =	simm.s32 $0x0;
	[sflag:s0] =	ssyncadd.s32 $0xFFFFD800  }
0xf9: {  	v2 =	vld [tilespmem:s19+$0x200];
	_ =	sdelay $0x4  }
0xfa: {  	v2 =	vsub.f32 v2, v1;
	_ =	sdelay $0x1  }
0xfb: {  	v2 =	vmul.f32 $1.442695020e+00, v2  }
0xfc: {  	s17 =	simm.s32 $0x80  }
0xfd: {  	v3 =	vld [tilespmem:s17+$0x200];
	(erf) = vpow2.f32 v2;
	_ =	sdelay $0x4  }
0xfe: {  	v6 =	vld [tilespmem:s19+$0x5230];
	v7 =	vsub.f32 v3, v1  }
0xff: {  	v9 =	vld [tilespmem:s19+$0x5240]  }
0x100: {  	v4 =	vld [tilespmem:s19+$0x5270];
	v10 =	vmul.f32 $1.442695020e+00, v7  }
0x101: {  	s16 =	simm.s32 $0x100;
	v5 =	vld [tilespmem:s19+$0x5260]  }
0x102: {  	v2 =	vld [tilespmem:s16+$0x200];
	v3 =	vpop (erf);
	(erf) = vpow2.f32 v10  }
0x103: {  	v8 =	vld [tilespmem:s19+$0x5250];
	v11 =	vmul.f32 v6, v3  }
0x104: {  	v6 =	vld [tilespmem:s19+$0x5200]  }
0x105: {  	s20 =	simm.s32 $0x600;
	v7 =	vld [tilespmem:s19+$0x5220];
	v9 =	vmul.f32 v9, v3;
	[tilespmem:s19+$0x5230] =	vst v11  }
.LBB2_10:
0x106: {  	s14 =	sshra.s32 s20, $0x2;
	p0 =	sne.s32 s20, $0x9E00;
	s20 =	sadd.s32 $0x200, s20;
	v10 =	vld [tilespmem:s19+$0x5210];
	v4 =	vmul.f32 v4, v3  }
0x107: {  	v11 =	vsub.f32 v2, v1;
	v12 =	vld [tilespmem:s17+$0x5230];
	[tilespmem:s19+$0x5240] =	vst v9;
	v5 =	vmul.f32 v5, v3  }
0x108: {  	v9 =	vld [tilespmem:s17+$0x5240];
	v8 =	vmul.f32 v8, v3;
	[tilespmem:s19+$0x5270] =	vst v4  }
0x109: {  	v11 =	vmul.f32 $1.442695020e+00, v11;
	v2 =	vld [tilespmem:s14+$0x200];
	v6 =	vmul.f32 v3, v6;
	[tilespmem:s19+$0x5260] =	vst v5  }
.Ltmp4:
0x10a: {  	v4 =	vld [tilespmem:s17+$0x5270];
	v7 =	vmul.f32 v7, v3;
	[tilespmem:s19+$0x5250] =	vst v8;
	(pc) =	sbr.rel @p0 .LBB2_10-.Ltmp4, $4  }
0x10b: {  	(erf) = vpow2.f32 v11;
	v5 =	vld [tilespmem:s17+$0x5260];
	[tilespmem:s19+$0x5200] =	vst v6;
	v10 =	vmul.f32 v3, v10;
	v3 =	vpop (erf)  }
0x10c: {  	v11 =	vmul.f32 v12, v3;
	v8 =	vld [tilespmem:s17+$0x5250];
	[tilespmem:s19+$0x5220] =	vst v7  }
0x10d: {  	v6 =	vld [tilespmem:s17+$0x5200];
	[tilespmem:s19+$0x5210] =	vst v10;
	s19 =	smov.u32 s17;
	s17 =	smov.u32 s16;
	s16 =	smov.u32 s14  }
0x10e: {  	v9 =	vmul.f32 v9, v3;
	v7 =	vld [tilespmem:s19+$0x5220];
	[tilespmem:s19+$0x5230] =	vst v11  }
0x10f: {  	v10 =	vld [tilespmem:s19+$0x5210];
	v4 =	vmul.f32 v4, v3  }
0x110: {  	v11 =	vld [tilespmem:s17+$0x5230];
	[tilespmem:s19+$0x5240] =	vst v9;
	v5 =	vmul.f32 v5, v3  }
0x111: {  	v9 =	vld [tilespmem:s17+$0x5240];
	[tilespmem:s19+$0x5270] =	vst v4;
	v52 =	vmul.f32 v8, v3  }
0x112: {  	[tilespmem:s19+$0x5260] =	vst v5;
	v6 =	vmul.f32 v3, v6  }
0x113: {  	v1 =	vsub.f32 v2, v1;
	v5 =	vld [tilespmem:s17+$0x5270];
	[tilespmem:s19+$0x5250] =	vst v52;
	v7 =	vmul.f32 v7, v3  }
0x114: {  	v4 =	vld [tilespmem:s17+$0x5260];
	[tilespmem:s19+$0x5200] =	vst v6;
	v3 =	vmul.f32 v3, v10  }
0x115: {  	v1 =	vmul.f32 $1.442695020e+00, v1;
	v6 =	vld [tilespmem:s17+$0x5250];
	[tilespmem:s19+$0x5220] =	vst v7  }
0x116: {  	v54 =	vld [tilespmem:s17+$0x5200];
	[tilespmem:s19+$0x5210] =	vst v3  }
0x117: {  	v53 =	vpop (erf);
	(erf) = vpow2.f32 v1;
	v3 =	vld [tilespmem:s17+$0x5220]  }
0x118: {  	v55 =	vmul.f32 v11, v53  }
0x119: {  	v2 =	vmul.f32 v9, v53  }
0x11a: {  	[tilespmem:s17+$0x5230] =	vst v55;
	v56 =	vld [tilespmem:s17+$0x5210];
	v5 =	vmul.f32 v5, v53  }
0x11b: {  	v10 =	vld [tilespmem:s16+$0x5230];
	[tilespmem:s17+$0x5240] =	vst v2;
	v1 =	vmul.f32 v4, v53  }
0x11c: {  	v2 =	vld [tilespmem:s16+$0x5240];
	[tilespmem:s17+$0x5270] =	vst v5;
	v57 =	vmul.f32 v6, v53;
	v3 =	vmul.f32 v3, v53  }
0x11d: {  	[tilespmem:s17+$0x5260] =	vst v1;
	v58 =	vmul.f32 v53, v54  }
0x11e: {  	v1 =	vld [tilespmem:s16+$0x5270];
	[tilespmem:s17+$0x5250] =	vst v57  }
0x11f: {  	v59 =	vmul.f32 v53, v56;
	v4 =	vld [tilespmem:s16+$0x5260];
	[tilespmem:s17+$0x5200] =	vst v58  }
0x120: {  	v5 =	vld [tilespmem:s16+$0x5250];
	[tilespmem:s17+$0x5220] =	vst v3;
	v3 =	vpop (erf)  }
0x121: {  	v60 =	vld [tilespmem:s16+$0x5200];
	[tilespmem:s17+$0x5210] =	vst v59;
	v61 =	vmul.f32 v10, v3  }
0x122: {  	v6 =	vld [tilespmem:s16+$0x5220];
	v2 =	vmul.f32 v2, v3  }
0x123: {  	v62 =	vld [tilespmem:s16+$0x5210];
	v1 =	vmul.f32 v1, v3;
	[tilespmem:s16+$0x5230] =	vst v61  }
0x124: {  	[tilespmem:s16+$0x5240] =	vst v2;
	v2 =	vmul.f32 v4, v3  }
0x125: {  	v63 =	vmul.f32 v5, v3;
	[tilespmem:s16+$0x5270] =	vst v1  }
0x126: {  	v1 =	vmul.f32 v3, v60;
	[tilespmem:s16+$0x5260] =	vst v2  }
0x127: {  	v2 =	vmul.f32 v6, v3;
	[tilespmem:s16+$0x5250] =	vst v63  }
0x128: {  	[tilespmem:s16+$0x5200] =	vst v1;
	v1 =	vmul.f32 v3, v62  }
0x129: {  	[tilespmem:s16+$0x5220] =	vst v2  }
0x12a: {  	[tilespmem:s16+$0x5210] =	vst v1  }
0x12b: {  	[spmem:s2] =	stream.indirect.scatter.add.f32 [tilespmem:s26], [sflag:$0x5], $0x80, s28, s31, $0xb8;
	[tilespmem:$0x1E280] =	vst v63  }
0x12c: {  	_ =	swait.ge [sflag:s13], $0x2800  }
0x12d: {  	[sflag:s13] =	ssyncset.done $0x0  }
0x12e: {  	s14 =	simm.s32 $0x6;
	[sflag:s13] =	ssyncadd.s32 $0xFFFFD800  }
0x12f: {  	_ =	swait.ge [sflag:s14], $0x2800  }
0x130: {  	[sflag:s14] =	ssyncset.done $0x0  }
0x131: {  	s20 =	stileid.u32;
	[sflag:s14] =	ssyncadd.s32 $0xFFFFD800  }
0x132: {  	s14 =	sshll.u32 s20, $0x6;
	[bflag:$0x0] =	sbarrier.arrive $0xFFFF  }
0x133: {  	s21 =	sshrl.u32 s9, $0x3;
	s14 =	sor.u32 $0x1C07, s14;
	s22 =	rddreg [dreg:$0x10]  }
0x134: {  	[hbm:s22], [sflag:s14] =	dma.local [spmem:s21], $0x2800  }
0x135: {  	_ =	swait.ge [sflag:s25], $0x2800  }
0x136: {  	s15 =	sadd.s32 $0x1, s15;
	s23 =	rddreg [dreg:$0xf]  }
0x137: {  	p0 =	sne.s32 s15, s23  }
.Ltmp5:
0x138: {  	_ = 	snop;
	(pc) =	sbr.rel @p0 .LBB2_1-.Ltmp5, $3  }
0x139: {  	_ =	sdelay $0x1  }
0x13a: {  	[sflag:s25] =	ssyncset.done $0x0  }
0x13b: {  	[sflag:s25] =	ssyncadd.s32 $0xFFFFD800  }
0x13c: {  	_ =	sfence.sel $0x180000  }
0x13d: {  	[bflag:$0x0] =	sbarrier.arrive $0xFFFF  }
0x13e: {  	_ =	strace $0x9000004D  }
0x13f: {  	s0 =	stileid.u32;
	[bflag:$0x2] =	sbarrier.arrive $0xFFFF  }
0x140: {  	p0 =	sne.s32 s0, $0x0;
	s0 =	rddreg [dreg:$0x3]  }
0x141: {  	s0 =	sadd.s32 @!p0 $0x100000, s0  }
0x142: {  	[sflag:s0] =	ssyncadd.tile.s32 @!p0 $0x1;
	_ =	shalt  }
.Lfunc_end2:
_tile_overlayer_lowered:
.L_overlay_start_2:
0x143: {  	(tag) =	ssettag $0x2  }
0x144: {  	s0 =	rddreg [dreg:$0x0];
	s2 =	stileid.u32  }
0x145: {  	s1 =	rddreg [dreg:$0x1];
	p0 =	sne.s32 s2, $0x0  }
0x146: {  	s3 =	rddreg [dreg:$0x2];
	[bflag:$0x3] =	sbarrier.arrive $0xFFFF;
	s2 =	simm.s32 @!p0 $0x1C07  }
0x147: {  	[timem:s3], [sflag:s2] =	dma.local @!p0 [hbm:s0], s1  }
0x148: {  	s0 =	simm.s32 @!p0 $0x7  }
0x149: {  	_ =	swait.ge @!p0 [sflag:s0], s1  }
0x14a: {  	s1 =	ssub.s32 @!p0 $0x0, s1;
	[sflag:s0] =	ssyncset.done @!p0 $0x0  }
0x14b: {  	[sflag:s0] =	ssyncadd.s32 @!p0 s1  }
0x14c: {  	[bflag:$0x3] =	sbarrier.arrive $0xFFFF  }
0x14d: {  	_ =	shalt  }

// kernel: kernel.14.cloned.1.call-start
scs
__scs_entry_jumppad:
0x0: {  	(pc) =	sbr.rel $0x88, $3  }
0x1: {  	(tag) =	ssettag $0x0;
	lr =	simm.s32 $0x1  }
0x2: {  	[smem:$0x3F96] =	sst lr;
	_ =	strace $0xD0000000  }
0x3: {  	_ = 	snop  }
0x4: {  	_ = 	snop  }
0x5: {  	_ = 	snop  }
0x6: {  	_ = 	snop  }
0x7: {  	_ = 	snop  }
__scs_overlays_trampoline_lowered:
0x8: {  	[smem:$0x3FA5] =	sst s0  }
0x9: {  	[smem:$0x3FA6] =	sst s1  }
0xa: {  	[smem:$0x3FA7] =	sst s2  }
0xb: {  	[smem:$0x3FA8] =	sst s3  }
0xc: {  	[smem:$0x3FA9] =	sst s4  }
0xd: {  	[smem:$0x3FAA] =	sst s5  }
0xe: {  	[smem:$0x3FAB] =	sst s6  }
0xf: {  	[smem:$0x3FAC] =	sst s7  }
0x10: {  	[smem:$0x3FAD] =	sst s8  }
0x11: {  	[smem:$0x3FAE] =	sst s9;
	s0 =	simm.s32 @!p0 $0x0  }
0x12: {  	s1 =	sld [smem:$0x3F94];
	s0 =	simm.s32 @p0 $0x1  }
0x13: {  	[smem:$0x3FAF] =	sst s0;
	s0 =	simm.s32 @!p1 $0x0  }
0x14: {  	s2 =	sld [smem:$0x3F93];
	s0 =	simm.s32 @p1 $0x1  }
0x15: {  	[smem:$0x3FB0] =	sst s0;
	s0 =	simm.s32 @!p2 $0x0  }
0x16: {  	s3 =	sld [smem:$0x3FDB];
	s0 =	simm.s32 @p2 $0x1  }
0x17: {  	s4 =	simm.s32 $0x1BF5;
	[smem:$0x3FB2] =	sst s0  }
0x18: {  	s0 =	sld [smem:$0x3F95];
	_ =	swait.ge [sflag:s4], $0x0  }
0x19: {  	s7 =	sld [smem:$0x3F96]  }
0x1a: {  	s8 =	sadd.s32 $0xFFFFE003, lr  }
0x1b: {  	s9 =	sadd.s32 $0xFFFFFEF7, lr;
	s5 =	simm.s32 $0xFFFFFFFF;
	p2 =	slt.u32 s8, $0xFFFFF086  }
0x1c: {  	p1 =	slt.u32 s9, $0xF7A;
	s5 =	simm.s32 @!p2 $0x0  }
0x1d: {  	s5 =	simm.s32 @p1 $0x1;
	p0 =	seq.s32 s7, s2  }
0x1e: {  	s7 =	smul.u32 @!p0 $0xF7A, s2;
	p2 =	seq.s32 @!p0 s5, $0x0  }
0x1f: {  	s9 =	smul.u32 $0xF7A, s1;
	s8 =	simm.s32 @!p0 $0x1BF5;
	p2 =	por !p2, p0  }
0x20: {  	[sflag:s8] =	ssyncset.s32 @!p0 $0xFFFFF086;
	s6 =	sadd.s32 @!p0 s3, s7;
	s7 =	simm.s32 @!p0 $0x108  }
0x21: {  	s3 =	sadd.s32 s3, s9;
	s6 =	sadd.s32 @!p0 $0x88, s6;
	s7 =	simm.s32 @p2 $0x1082  }
0x22: {  	[simem:s7], [sflag:s8] =	dma.local @!p0 [hbm:s6], $0xF7A  }
0x23: {  	s9 =	sor.u32 $0xD0000000, s2;
	s6 =	simm.s32 $0x108;
	_ =	swait.ge @!p0 [sflag:s8], $0x0  }
0x24: {  	s3 =	sadd.s32 $0x88, s3;
	s6 =	simm.s32 @!p1 $0x1082;
	[sflag:s4] =	ssyncset.s32 $0xFFFFF086  }
0x25: {  	[simem:s6], [sflag:s4] =	dma.local [hbm:s3], $0xF7A  }
0x26: {  	[smem:$0x3F96] =	sst s1;
	(tag) =	ssettag s2;
	_ =	strace s9  }
0x27: {  	s1 =	sld [smem:$0x3FA6]  }
0x28: {  	s2 =	sld [smem:$0x3FA7]  }
0x29: {  	s4 =	sld [smem:$0x3FA9]  }
0x2a: {  	p0 =	seq.s32 s5, $0x0;
	s5 =	sld [smem:$0x3FAA]  }
0x2b: {  	s6 =	sld [smem:$0x3FAB]  }
0x2c: {  	s7 =	sld [smem:$0x3FAC]  }
0x2d: {  	s3 =	simm.s32 $0x108;
	s8 =	sld [smem:$0x3FAD]  }
0x2e: {  	s3 =	simm.s32 @!p0 $0x1082;
	s9 =	sld [smem:$0x3FAE]  }
0x2f: {  	lr =	sadd.s32 s0, s3;
	s0 =	sld [smem:$0x3FA5]  }
0x30: {  	s3 =	sld [smem:$0x3FA8]  }
0x31: {  	[smem:$0x3FB1] =	sst s10  }
0x32: {  	s10 =	sld [smem:$0x3FAF];
	_ =	sdelay $0x3  }
0x33: {  	p0 =	seq.s32 s10, $0x1;
	s10 =	sld [smem:$0x3FB1];
	_ =	sdelay $0x3  }
0x34: {  	[smem:$0x3FB1] =	sst s10  }
0x35: {  	s10 =	sld [smem:$0x3FB0];
	_ =	sdelay $0x3  }
0x36: {  	p1 =	seq.s32 s10, $0x1;
	s10 =	sld [smem:$0x3FB1];
	_ =	sdelay $0x3  }
0x37: {  	[smem:$0x3FB1] =	sst s10  }
0x38: {  	s10 =	sld [smem:$0x3FB2]  }
0x39: {  	_ = 	snop;
	(pc) =	sbr.ind lr, $3  }
0x3a: {  	_ = 	snop  }
0x3b: {  	_ = 	snop  }
0x3c: {  	p2 =	seq.s32 s10, $0x1;
	s10 =	sld [smem:$0x3FB1]  }
0x3d: {  	_ =	shalt  }
0x3e: {  	_ =	shalt  }
0x3f: {  	_ =	shalt  }
0x40: {  	_ =	shalt  }
0x41: {  	_ =	shalt  }
0x42: {  	_ =	shalt  }
0x43: {  	_ =	shalt  }
0x44: {  	_ =	shalt  }
0x45: {  	_ =	shalt  }
0x46: {  	_ =	shalt  }
0x47: {  	_ =	shalt  }
0x48: {  	_ =	shalt  }
0x49: {  	_ =	shalt  }
0x4a: {  	_ =	shalt  }
0x4b: {  	_ =	shalt  }
0x4c: {  	_ =	shalt  }
0x4d: {  	_ =	shalt  }
0x4e: {  	_ =	shalt  }
0x4f: {  	_ =	shalt  }
0x50: {  	_ =	shalt  }
0x51: {  	_ =	shalt  }
0x52: {  	_ =	shalt  }
0x53: {  	_ =	shalt  }
0x54: {  	_ =	shalt  }
0x55: {  	_ =	shalt  }
0x56: {  	_ =	shalt  }
0x57: {  	_ =	shalt  }
0x58: {  	_ =	shalt  }
0x59: {  	_ =	shalt  }
0x5a: {  	_ =	shalt  }
0x5b: {  	_ =	shalt  }
0x5c: {  	_ =	shalt  }
0x5d: {  	_ =	shalt  }
0x5e: {  	_ =	shalt  }
0x5f: {  	_ =	shalt  }
0x60: {  	_ =	shalt  }
0x61: {  	_ =	shalt  }
0x62: {  	_ =	shalt  }
0x63: {  	_ =	shalt  }
0x64: {  	_ =	shalt  }
0x65: {  	_ =	shalt  }
0x66: {  	_ =	shalt  }
0x67: {  	_ =	shalt  }
0x68: {  	_ =	shalt  }
0x69: {  	_ =	shalt  }
0x6a: {  	_ =	shalt  }
0x6b: {  	_ =	shalt  }
0x6c: {  	_ =	shalt  }
0x6d: {  	_ =	shalt  }
0x6e: {  	_ =	shalt  }
0x6f: {  	_ =	shalt  }
0x70: {  	_ =	shalt  }
0x71: {  	_ =	shalt  }
0x72: {  	_ =	shalt  }
0x73: {  	_ =	shalt  }
0x74: {  	_ =	shalt  }
0x75: {  	_ =	shalt  }
0x76: {  	_ =	shalt  }
0x77: {  	_ =	shalt  }
0x78: {  	_ =	shalt  }
0x79: {  	_ =	shalt  }
0x7a: {  	_ =	shalt  }
0x7b: {  	_ =	shalt  }
0x7c: {  	_ =	shalt  }
0x7d: {  	_ =	shalt  }
0x7e: {  	_ =	shalt  }
0x7f: {  	_ =	shalt  }
0x80: {  	_ =	shalt  }
0x81: {  	_ =	shalt  }
0x82: {  	_ =	shalt  }
0x83: {  	_ =	shalt  }
0x84: {  	_ =	shalt  }
0x85: {  	_ =	shalt  }
0x86: {  	_ =	shalt  }
0x87: {  	_ =	shalt  }
.Lfunc_end0:
.L_simem_size_0:
called_computation.2_lowered:
.L_overlay_start_0:
0x88: {  	s2 =	sld [smem:$0x3FD9]  }
0x89: {  	s3 =	sld [smem:$0x3FFE];
	_ =	sdelay $0x1  }
0x8a: {  	s1 =	srdreg.scid  }
0x8b: {  	s0 =	sand.u32 $0x1, s1  }
0x8c: {  	s16 =	sshll.u32 s0, $0xA;
	s2 =	sadd.s32 s3, s2  }
0x8d: {  	s2 =	sadd.s32 s2, s16  }
0x8e: {  	[smem:$0x3FBD] =	sst s2  }
0x8f: {  	_ = 	snop  }
0x90: {  	(tm) =	ssettm $0x1  }
0x91: {  	s17 =	sld [smem:$0x3FFB];
	_ =	sdelay $0x3  }
0x92: {  	_ =	strace s17  }
0x93: {  	s2 =	sld [smem:$0x3FFC];
	_ =	sdelay $0x3  }
0x94: {  	_ =	strace s2  }
0x95: {  	s2 =	sld [smem:$0x3FFD];
	_ =	sdelay $0x3  }
0x96: {  	_ =	strace s2  }
0x97: {  	_ =	strace $0x8FFFFFFF  }
0x98: {  	s18 =	sld [smem:$0x3FDB];
	_ =	sdelay $0x1  }
0x99: {  	s19 =	simm.s32 $_scs_section_size  }
0x9a: {  	s4 =	simm.s32 $_size__tile_overlayer_lowered;
	s5 =	simm.s32 $_tile_overlayer_lowered  }
0x9b: {  	s22 =	simm.s32 $0x1BFF;
	s21 =	sshll.u32 s5, $0x1;
	s2 =	sadd.s32 s19, s18  }
0x9c: {  	s6 =	simm.s32 $0x0;
	s20 =	sshll.u32 s4, $0x1;
	s4 =	sadd.s32 s21, s2  }
0x9d: {  	[timem:s6], [sflag:s22] =	dma.local [hbm:s4], s20  }
0x9e: {  	_ =	swait.ge [sflag:s22], s20  }
0x9f: {  	s3 =	ssub.s32 $0x0, s20;
	[sflag:s22] =	ssyncset.done $0x0  }
0xa0: {  	[sflag:s22] =	ssyncadd.s32 s3;
	_ =	sdelay $0x1  }
0xa1: {  	s23 =	simm.s32 $0x1B8B  }
0xa2: {  	_ =	swait.ge [sflag:s23], $0x1  }
0xa3: {  	[sflag:s23] =	ssyncset.done $0x0  }
0xa4: {  	s25 =	simm.s32 $0x1B8E;
	s24 =	sld [smem:$0x3FFE];
	[sflag:s23] =	ssyncadd.s32 $0xFFFFFFFF  }
0xa5: {  	s26 =	simm.s32 $execute0_lowered;
	[smem:$0x3FD2] =	sst s25  }
0xa6: {  	s4 =	sshll.u32 s26, $0x1;
	_ =	strace $0x80000049;
	[dreg:$0x1] =	wrdreg $0xFFFFFFFF  }
0xa7: {  	s28 =	simm.s32 $_size_execute0_lowered;
	s2 =	sadd.s32 s2, s4;
	[dreg:$0x0] =	wrdreg $0x0  }
0xa8: {  	s4 =	sshll.u32 s28, $0x1;
	[dreg:$0x2] =	wrdreg s2  }
0xa9: {  	[dreg:$0x3] =	wrdreg s4  }
0xaa: {  	[dreg:$0x4] =	wrdreg $0xC0  }
0xab: {  	_ =	task [dreg:s6], $0x5FFFF  }
0xac: {  	[dreg:$0x1] =	wrdreg $0xFFFFFFFF  }
0xad: {  	[dreg:$0x0] =	wrdreg $0x60  }
0xae: {  	[dreg:$0x2] =	wrdreg s24  }
0xaf: {  	[dreg:$0x3] =	wrdreg $0xA1800  }
0xb0: {  	[dreg:$0x4] =	wrdreg $0xA  }
0xb1: {  	_ =	task.clear_ibuf [dreg:s6], $0x5FFFF;
	_ =	strace $0x90000049  }
0xb2: {  	s29 =	simm.s32 $0xA;
	_ =	strace $0x8000004B  }
0xb3: {  	_ =	swait.ge [sflag:s29], $0x1  }
0xb4: {  	[sflag:s29] =	ssyncadd.s32 $0xFFFFFFFF  }
0xb5: {  	_ =	strace $0x9000004B  }
0xb6: {  	_ =	sfence  }
0xb7: {  	s30 =	sld [smem:$0x0];
	_ =	sdelay $0x2  }
0xb8: {  	s31 =	sshll.u32 s1, $0xD;
	s1 =	sshrl.u32 s1, $0x2  }
0xb9: {  	s3 =	sand.u32 $0x4000, s31;
	s1 =	sadd.s32 s1, s30  }
0xba: {  	s0 =	sor.u32 s3, s0;
	s1 =	sshll.u32 s1, $0x11  }
0xbb: {  	s0 =	sor.u32 s1, s0  }
0xbc: {  	s0 =	sadd.s32 $0x8F2B, s0  }
0xbd: {  	[sflag:s0] =	ssyncadd.remote.s32 $0x1  }
0xbe: {  	_ =	sfence.sel $0xFFFF  }
0xbf: {  	[dreg:$0x0] =	wrdreg $0xFFFFFFFF;
	(pc) =	sbr.abs _section_cstart, $3  }
0xc0: {  	[dreg:$0x1] =	wrdreg $0xFFFFFFFF  }
0xc1: {  	_ =	task.clear_ibuf [dreg:s6], $0x2FFFF;
	_ =	strace $0x9FFFFFFF  }
0xc2: {  	(tm) =	ssettm $0x7FFFFFFF  }
0xc3: {  	_ =	shalt  }
tec
execute0_lowered:
.L_overlay_start_1:
0x0: {  	(tag) =	ssettag $0x1  }
0x1: {  	s0 =	rddreg [dreg:$0x0]  }
0x2: {  	s2 =	rddreg [dreg:$0x1];
	s3 =	simm.s32 $0x0  }
0x3: {  	s12 =	stileid.u32;
	s1 =	srdreg.scid;
	s28 =	simm.s32 $0x80  }
0x4: {  	s29 =	simm.s32 $0x2900;
	s30 =	simm.s32 $0x2;
	s31 =	simm.s32 $0x7900  }
0x5: {  	[smem:$0x7FF] =	sst s3;
	s6 =	smul.u32 $0x50000, s12;
	s4 =	sadd.s32 $0x3400, s0  }
0x6: {  	s5 =	sadd.s32 $0xB61E00, s0;
	s1 =	sand.u32 $0x1, s1;
	s7 =	sadd.s32 $0x17000, s0  }
0x7: {  	s10 =	sshll.u32 s12, $0x1;
	s26 =	smul.u32 $0x2800, s12;
	_ =	strace $0x8000004A  }
0x8: {  	[dreg:$0x3] =	wrdreg s7;
	s8 =	ssub.s32 $0x2, s1;
	s6 =	sshrl.u32 s6, $0x2  }
0x9: {  	s16 =	sor.u32 s1, s10;
	p0 =	seq.s32 s1, $0x1;
	s7 =	sadd.s32 s6, s2  }
0xa: {  	s1 =	simm.s32 $0x3F200;
	s9 =	sshrl.u32 s8, $0x1;
	s17 =	sadd.s32 $0x2800, s7  }
0xb: {  	s11 =	smul.u32 $0x2710, s16;
	s18 =	sadd.s32 $0x5000, s7;
	[dreg:$0x4] =	wrdreg s17  }
0xc: {  	s1 =	simm.s32 @!p0 $0x17200;
	s19 =	sadd.s32 $0x7800, s7;
	[dreg:$0x5] =	wrdreg s18  }
0xd: {  	s15 =	ssub.s32 s8, s9;
	s20 =	sadd.s32 $0xA000, s7;
	[dreg:$0x6] =	wrdreg s19  }
0xe: {  	s0 =	sadd.s32 s1, s0;
	s21 =	sadd.s32 $0xC800, s7;
	[dreg:$0x7] =	wrdreg s20  }
0xf: {  	s1 =	simm.s32 $0x0;
	s22 =	sadd.s32 $0xF000, s7;
	[dreg:$0x8] =	wrdreg s21  }
0x10: {  	s23 =	sadd.s32 $0x11800, s7;
	s24 =	sadd.s32 $0x26C0, s11;
	[dreg:$0x9] =	wrdreg s22  }
0x11: {  	s16 =	sadd.s32 $0x50, s11;
	[dreg:$0xa] =	wrdreg s23;
	s25 =	sshrl.u32 s24, $0x3  }
0x12: {  	s8 =	sshll.u32 s24, $0x4;
	s19 =	smax.u32 s15, $0x1;
	s20 =	sadd.s32 s0, s26  }
0x13: {  	s22 =	simm.s32 $0x5;
	s23 =	simm.s32 $0x5100;
	s24 =	simm.s32 $0x100  }
0x14: {  	s26 =	simm.s32 $0x50;
	s0 =	simm.s32 $0x3;
	s21 =	simm.s32 $0x4  }
0x15: {  	v0 =	vimm.f32 $0.0e+00;
	s17 =	sadd.s32 s4, s25;
	s18 =	sadd.s32 s5, s8;
	s25 =	simm.s32 $0x1  }
.LBB2_1:
0x16: {  	s6 =	rddreg [dreg:$0x3];
	s8 =	simm.s32 $0xA100  }
0x17: {  	[tilespmem:s8], [sflag:$0x5] =	stream.linear.gather [hbm4b:s6+s3], $0x80, $0x38;
	[tilespmem:$0x1E180] =	vst v63  }
0x18: {  	_ =	swait.ge [sflag:s22], $0x80  }
0x19: {  	[sflag:s22] =	ssyncset.done $0x0  }
0x1a: {  	[sflag:s22] =	ssyncadd.s32 $0xFFFFFF80  }
0x1b: {  	v1 =	vld [tilespmem:$0xA100];
	_ =	sdelay $0x2  }
0x1c: {  	s6 =	simm.s32 $0x0;
	s8 =	simm.s32 $0x200  }
.LBB2_2:
0x1d: {  	p0 =	sne.s32 s8, $0x9E00;
	[tilespmem:s6+$0x7970] =	vst v0  }
0x1e: {  	[tilespmem:s6+$0x5100] =	vst v0  }
0x1f: {  	[tilespmem:s6+$0x7900] =	vst v0  }
0x20: {  	[tilespmem:s6+$0x5110] =	vst v0  }
0x21: {  	[tilespmem:s6+$0x7910] =	vst v0  }
0x22: {  	[tilespmem:s6+$0x5120] =	vst v0  }
0x23: {  	[tilespmem:s6+$0x7920] =	vst v0  }
0x24: {  	[tilespmem:s6+$0x5130] =	vst v0  }
0x25: {  	[tilespmem:s6+$0x7930] =	vst v0  }
0x26: {  	[tilespmem:s6+$0x5140] =	vst v0  }
0x27: {  	[tilespmem:s6+$0x7940] =	vst v0  }
.Ltmp0:
0x28: {  	[tilespmem:s6+$0x5150] =	vst v0;
	(pc) =	sbr.rel @p0 .LBB2_2-.Ltmp0, $4  }
0x29: {  	[tilespmem:s6+$0x7950] =	vst v0  }
0x2a: {  	[tilespmem:s6+$0x5160] =	vst v0  }
0x2b: {  	[tilespmem:s6+$0x7960] =	vst v0  }
0x2c: {  	[tilespmem:s6+$0x5170] =	vst v0;
	s6 =	sshra.s32 s8, $0x2;
	s8 =	sadd.s32 $0x200, s8  }
0x2d: {  	[tilespmem:s6+$0x7970] =	vst v0  }
0x2e: {  	[tilespmem:s6+$0x5100] =	vst v0  }
0x2f: {  	[tilespmem:s6+$0x7900] =	vst v0  }
0x30: {  	[tilespmem:s6+$0x5110] =	vst v0  }
0x31: {  	[tilespmem:s6+$0x7910] =	vst v0  }
0x32: {  	[tilespmem:s6+$0x5120] =	vst v0  }
0x33: {  	[tilespmem:s6+$0x7920] =	vst v0  }
0x34: {  	[tilespmem:s6+$0x5130] =	vst v0  }
0x35: {  	[tilespmem:s6+$0x7930] =	vst v0  }
0x36: {  	[tilespmem:s6+$0x5140] =	vst v0  }
0x37: {  	[tilespmem:s6+$0x7940] =	vst v0  }
0x38: {  	[tilespmem:s6+$0x5150] =	vst v0  }
0x39: {  	[tilespmem:s6+$0x7950] =	vst v0  }
0x3a: {  	[tilespmem:s6+$0x5160] =	vst v0  }
0x3b: {  	[tilespmem:s6+$0x7960] =	vst v0  }
0x3c: {  	[tilespmem:s6+$0x5170] =	vst v0  }
0x3d: {  	[spmem:s7] =	stream.linear.scatter [tilespmem:s23], [sflag:$0x5], $0x2800, $0x38;
	[tilespmem:$0x1E180] =	vst v63  }
0x3e: {  	_ =	swait.ge [sflag:s22], $0x2800  }
0x3f: {  	[sflag:s22] =	ssyncset.done $0x0  }
0x40: {  	s8 =	rddreg [dreg:$0x4];
	[sflag:s22] =	ssyncadd.s32 $0xFFFFD800  }
0x41: {  	[spmem:s8] =	stream.linear.scatter [tilespmem:s23], [sflag:$0x5], $0x2800, $0x38;
	[tilespmem:$0x1E180] =	vst v63  }
0x42: {  	_ =	swait.ge [sflag:s22], $0x2800  }
0x43: {  	[sflag:s22] =	ssyncset.done $0x0  }
0x44: {  	s9 =	rddreg [dreg:$0x5];
	[sflag:s22] =	ssyncadd.s32 $0xFFFFD800  }
0x45: {  	[spmem:s9] =	stream.linear.scatter [tilespmem:s23], [sflag:$0x5], $0x2800, $0x38;
	[tilespmem:$0x1E180] =	vst v63  }
0x46: {  	_ =	swait.ge [sflag:s22], $0x2800  }
0x47: {  	[sflag:s22] =	ssyncset.done $0x0  }
0x48: {  	s10 =	rddreg [dreg:$0x6];
	[sflag:s22] =	ssyncadd.s32 $0xFFFFD800  }
0x49: {  	[spmem:s10] =	stream.linear.scatter [tilespmem:s23], [sflag:$0x5], $0x2800, $0x38;
	[tilespmem:$0x1E180] =	vst v63  }
0x4a: {  	_ =	swait.ge [sflag:s22], $0x2800  }
0x4b: {  	[sflag:s22] =	ssyncset.done $0x0  }
0x4c: {  	s12 =	rddreg [dreg:$0x7];
	[sflag:s22] =	ssyncadd.s32 $0xFFFFD800  }
0x4d: {  	[spmem:s12] =	stream.linear.scatter [tilespmem:s23], [sflag:$0x5], $0x2800, $0x38;
	[tilespmem:$0x1E180] =	vst v63  }
0x4e: {  	_ =	swait.ge [sflag:s22], $0x2800  }
0x4f: {  	[sflag:s22] =	ssyncset.done $0x0  }
0x50: {  	s13 =	rddreg [dreg:$0x8];
	[sflag:s22] =	ssyncadd.s32 $0xFFFFD800  }
0x51: {  	[spmem:s13] =	stream.linear.scatter [tilespmem:s23], [sflag:$0x5], $0x2800, $0x38;
	[tilespmem:$0x1E180] =	vst v63  }
0x52: {  	_ =	swait.ge [sflag:s22], $0x2800  }
0x53: {  	[sflag:s22] =	ssyncset.done $0x0  }
0x54: {  	s14 =	rddreg [dreg:$0x9];
	[sflag:s22] =	ssyncadd.s32 $0xFFFFD800  }
0x55: {  	[spmem:s14] =	stream.linear.scatter [tilespmem:s23], [sflag:$0x5], $0x2800, $0x38;
	[tilespmem:$0x1E180] =	vst v63  }
0x56: {  	_ =	swait.ge [sflag:s22], $0x2800  }
0x57: {  	[sflag:s22] =	ssyncset.done $0x0  }
0x58: {  	s15 =	rddreg [dreg:$0xa];
	[sflag:s22] =	ssyncadd.s32 $0xFFFFD800  }
0x59: {  	[spmem:s15] =	stream.linear.scatter [tilespmem:s23], [sflag:$0x5], $0x2800, $0x38;
	[tilespmem:$0x1E180] =	vst v63  }
0x5a: {  	_ =	swait.ge [sflag:s22], $0x2800  }
0x5b: {  	[sflag:s22] =	ssyncset.done $0x0  }
0x5c: {  	[sflag:s22] =	ssyncadd.s32 $0xFFFFD800  }
0x5d: {  	s6 =	simm.s32 $0x0;
	s8 =	simm.s32 $0x0;
	[bflag:$0x0] =	sbarrier.arrive $0xFFFF  }
.LBB2_4:
0x5e: {  	s9 =	smul.u32 $0xA0, s8;
	p0 =	seq.s32 s8, $0x0  }
0x5f: {  	s10 =	simm.s32 @!p0 $0x3  }
0x60: {  	s12 =	sadd.s32 s11, s9;
	_ =	swait.ge @!p0 [sflag:s10], $0x2800  }
0x61: {  	[sflag:s10] =	ssyncset.done @!p0 $0x0;
	s13 =	sshrl.u32 s12, $0x3  }
0x62: {  	s15 =	sshll.u32 s12, $0x4;
	[sflag:s10] =	ssyncadd.s32 @!p0 $0xFFFFD800;
	s14 =	sadd.s32 s4, s13  }
0x63: {  	[tilespmem:s6], [sflag:$0x1] =	stream.linear.gather [hbm4b:s14+s6], $0x50, $0x38;
	[tilespmem:$0x1E180] =	vst v63  }
0x64: {  	s10 =	sadd.s32 s5, s15  }
0x65: {  	[tilespmem:s24], [sflag:$0x1] =	stream.linear.gather [hbm4b:s10+s6], $0x2800, $0x38;
	[tilespmem:$0x1E180] =	vst v63  }
0x66: {  	_ =	swait.ge [sflag:s25], $0x50  }
0x67: {  	[sflag:s25] =	ssyncset.done $0x0  }
0x68: {  	[sflag:s25] =	ssyncadd.s32 $0xFFFFFFB0  }
0x69: {  	_ =	swait.ge [sflag:s25], $0x2800  }
0x6a: {  	[sflag:s25] =	ssyncset.done $0x0  }
0x6b: {  	s10 =	simm.s32 $0x0;
	[sflag:s25] =	ssyncadd.s32 $0xFFFFD800  }
0x6c: {  	v2 =	vld [tilespmem:s10+$0x100];
	_ =	sdelay $0x1  }
0x6d: {  	s12 =	simm.s32 $0x80  }
0x6e: {  	v3 =	vld [tilespmem:s12+$0x100];
	_ =	sdelay $0x1  }
0x6f: {  	v2 =	vsub.f32 v2, v1;
	_ =	sdelay $0x1  }
0x70: {  	v2 =	vmul.f32 $1.442695020e+00, v2  }
0x71: {  	v3 =	vsub.f32 v3, v1  }
0x72: {  	(erf) = vpow2.f32 v2  }
0x73: {  	v3 =	vmul.f32 $1.442695020e+00, v3  }
0x74: {  	s13 =	simm.s32 $0x100  }
0x75: {  	v2 =	vld [tilespmem:s13+$0x100];
	(erf) = vpow2.f32 v3;
	_ =	sdelay $0x2  }
0x76: {  	s14 =	simm.s32 $0x600  }
.LBB2_5:
0x77: {  	p1 =	sne.s32 s14, $0x9E00  }
.Ltmp1:
0x78: {  	s15 =	sshra.s32 s14, $0x2;
	s14 =	sadd.s32 $0x200, s14;
	v3 =	vsub.f32 v2, v1;
	(pc) =	sbr.rel @p1 .LBB2_5-.Ltmp1, $4  }
0x79: {  	v2 =	vld [tilespmem:s15+$0x100];
	v4 =	vpop (erf)  }
0x7a: {  	v3 =	vmul.f32 $1.442695020e+00, v3;
	[tilespmem:s10+$0x5100] =	vst v4;
	s10 =	smov.u32 s12;
	s12 =	smov.u32 s13;
	s13 =	smov.u32 s15  }
0x7b: {  	_ = 	snop  }
0x7c: {  	(erf) = vpow2.f32 v3  }
0x7d: {  	_ = 	snop  }
0x7e: {  	v2 =	vsub.f32 v2, v1;
	_ =	sdelay $0x1  }
0x7f: {  	v2 =	vmul.f32 $1.442695020e+00, v2;
	_ =	sdelay $0x1  }
0x80: {  	(erf) = vpow2.f32 v2;
	_ =	sdelay $0x6  }
0x81: {  	v2 =	vpop (erf)  }
0x82: {  	[tilespmem:s10+$0x5100] =	vst v2;
	v2 =	vpop (erf)  }
0x83: {  	[tilespmem:s12+$0x5100] =	vst v2;
	v2 =	vpop (erf)  }
0x84: {  	s10 =	simm.s32 @!p0 $0x4;
	[tilespmem:s13+$0x5100] =	vst v2  }
0x85: {  	[spmem:s2] =	stream.indirect.scatter.add.f32 [tilespmem:s23], [sflag:$0x3], $0x80, s3, s26, $0xb8;
	[tilespmem:$0x1E180] =	vst v63  }
0x86: {  	s9 =	sadd.s32 s16, s9;
	_ =	swait.ge @!p0 [sflag:s10], $0x2800  }
0x87: {  	s15 =	simm.s32 $0x0;
	s13 =	sshrl.u32 s9, $0x3;
	[sflag:s10] =	ssyncset.done @!p0 $0x0  }
0x88: {  	s9 =	sshll.u32 s9, $0x4;
	s14 =	sadd.s32 s4, s13;
	[sflag:s10] =	ssyncadd.s32 @!p0 $0xFFFFD800  }
0x89: {  	[tilespmem:s28], [sflag:$0x2] =	stream.linear.gather [hbm4b:s14+s15], $0x50, $0x38;
	[tilespmem:$0x1E180] =	vst v63  }
0x8a: {  	s9 =	sadd.s32 s5, s9  }
0x8b: {  	[tilespmem:s29], [sflag:$0x2] =	stream.linear.gather [hbm4b:s9+s15], $0x2800, $0x38;
	[tilespmem:$0x1E180] =	vst v63  }
0x8c: {  	_ =	swait.ge [sflag:s30], $0x50  }
0x8d: {  	[sflag:s30] =	ssyncset.done $0x0  }
0x8e: {  	[sflag:s30] =	ssyncadd.s32 $0xFFFFFFB0  }
0x8f: {  	_ =	swait.ge [sflag:s30], $0x2800  }
0x90: {  	[sflag:s30] =	ssyncset.done $0x0  }
0x91: {  	s9 =	simm.s32 $0x0;
	[sflag:s30] =	ssyncadd.s32 $0xFFFFD800  }
0x92: {  	v2 =	vld [tilespmem:s9+$0x2900];
	_ =	sdelay $0x1  }
0x93: {  	s10 =	simm.s32 $0x80  }
0x94: {  	v3 =	vld [tilespmem:s10+$0x2900];
	_ =	sdelay $0x1  }
0x95: {  	v2 =	vsub.f32 v2, v1;
	_ =	sdelay $0x1  }
0x96: {  	v2 =	vmul.f32 $1.442695020e+00, v2  }
0x97: {  	v3 =	vsub.f32 v3, v1  }
0x98: {  	(erf) = vpow2.f32 v2  }
0x99: {  	v3 =	vmul.f32 $1.442695020e+00, v3  }
0x9a: {  	s12 =	simm.s32 $0x100  }
0x9b: {  	v2 =	vld [tilespmem:s12+$0x2900];
	(erf) = vpow2.f32 v3;
	_ =	sdelay $0x2  }
0x9c: {  	s13 =	simm.s32 $0x600  }
.LBB2_7:
0x9d: {  	p0 =	sne.s32 s13, $0x9E00  }
.Ltmp2:
0x9e: {  	s14 =	sshra.s32 s13, $0x2;
	s13 =	sadd.s32 $0x200, s13;
	v3 =	vsub.f32 v2, v1;
	(pc) =	sbr.rel @p0 .LBB2_7-.Ltmp2, $4  }
0x9f: {  	v2 =	vld [tilespmem:s14+$0x2900];
	v4 =	vpop (erf)  }
0xa0: {  	v3 =	vmul.f32 $1.442695020e+00, v3;
	[tilespmem:s9+$0x7900] =	vst v4;
	s9 =	smov.u32 s10;
	s10 =	smov.u32 s12;
	s12 =	smov.u32 s14  }
0xa1: {  	_ = 	snop  }
0xa2: {  	(erf) = vpow2.f32 v3  }
0xa3: {  	_ = 	snop  }
0xa4: {  	v2 =	vsub.f32 v2, v1;
	_ =	sdelay $0x1  }
0xa5: {  	v2 =	vmul.f32 $1.442695020e+00, v2;
	_ =	sdelay $0x1  }
0xa6: {  	(erf) = vpow2.f32 v2;
	_ =	sdelay $0x4  }
0xa7: {  	s8 =	sadd.s32 $0x1, s8  }
0xa8: {  	p0 =	sne.s32 s8, $0x3E  }
.Ltmp3:
0xa9: {  	v2 =	vpop (erf);
	(pc) =	sbr.rel @p0 .LBB2_4-.Ltmp3, $4  }
0xaa: {  	[tilespmem:s9+$0x7900] =	vst v2;
	v2 =	vpop (erf)  }
0xab: {  	[tilespmem:s10+$0x7900] =	vst v2;
	v2 =	vpop (erf)  }
0xac: {  	[tilespmem:s12+$0x7900] =	vst v2  }
0xad: {  	[spmem:s2] =	stream.indirect.scatter.add.f32 [tilespmem:s31], [sflag:$0x4], $0x80, s28, s26, $0xb8;
	[tilespmem:$0x1E180] =	vst v63  }
0xae: {  	_ =	swait.ge [sflag:s0], $0x2800  }
0xaf: {  	[sflag:s0] =	ssyncset.done $0x0  }
0xb0: {  	s6 =	simm.s32 $0x0;
	[sflag:s0] =	ssyncadd.s32 $0xFFFFD800  }
0xb1: {  	[tilespmem:s6], [sflag:$0x1] =	stream.linear.gather [hbm4b:s17+s6], $0x50, $0x38;
	[tilespmem:$0x1E180] =	vst v63  }
0xb2: {  	_ = 	snop  }
0xb3: {  	[tilespmem:s24], [sflag:$0x1] =	stream.linear.gather [hbm4b:s18+s6], $0x2800, $0x38;
	[tilespmem:$0x1E180] =	vst v63  }
0xb4: {  	_ =	swait.ge [sflag:s25], $0x50  }
0xb5: {  	[sflag:s25] =	ssyncset.done $0x0  }
0xb6: {  	[sflag:s25] =	ssyncadd.s32 $0xFFFFFFB0  }
0xb7: {  	_ =	swait.ge [sflag:s25], $0x2800  }
0xb8: {  	[sflag:s25] =	ssyncset.done $0x0  }
0xb9: {  	s6 =	simm.s32 $0x0;
	[sflag:s25] =	ssyncadd.s32 $0xFFFFD800  }
0xba: {  	v2 =	vld [tilespmem:s6+$0x100];
	_ =	sdelay $0x1  }
0xbb: {  	s8 =	simm.s32 $0x80  }
0xbc: {  	v3 =	vld [tilespmem:s8+$0x100];
	_ =	sdelay $0x1  }
0xbd: {  	v2 =	vsub.f32 v2, v1;
	_ =	sdelay $0x1  }
0xbe: {  	v2 =	vmul.f32 $1.442695020e+00, v2  }
0xbf: {  	v3 =	vsub.f32 v3, v1  }
0xc0: {  	(erf) = vpow2.f32 v2  }
0xc1: {  	v3 =	vmul.f32 $1.442695020e+00, v3  }
0xc2: {  	s9 =	simm.s32 $0x100  }
0xc3: {  	v2 =	vld [tilespmem:s9+$0x100];
	(erf) = vpow2.f32 v3;
	_ =	sdelay $0x2  }
0xc4: {  	s10 =	simm.s32 $0x600  }
.LBB2_10:
0xc5: {  	p0 =	sne.s32 s10, $0x9E00  }
.Ltmp4:
0xc6: {  	s12 =	sshra.s32 s10, $0x2;
	s10 =	sadd.s32 $0x200, s10;
	v3 =	vsub.f32 v2, v1;
	(pc) =	sbr.rel @p0 .LBB2_10-.Ltmp4, $4  }
0xc7: {  	v2 =	vld [tilespmem:s12+$0x100];
	v4 =	vpop (erf)  }
0xc8: {  	v3 =	vmul.f32 $1.442695020e+00, v3;
	[tilespmem:s6+$0x5100] =	vst v4;
	s6 =	smov.u32 s8;
	s8 =	smov.u32 s9;
	s9 =	smov.u32 s12  }
0xc9: {  	_ = 	snop  }
0xca: {  	(erf) = vpow2.f32 v3  }
0xcb: {  	_ = 	snop  }
0xcc: {  	v1 =	vsub.f32 v2, v1;
	_ =	sdelay $0x1  }
0xcd: {  	v1 =	vmul.f32 $1.442695020e+00, v1;
	_ =	sdelay $0x1  }
0xce: {  	(erf) = vpow2.f32 v1;
	_ =	sdelay $0x6  }
0xcf: {  	v1 =	vpop (erf)  }
0xd0: {  	[tilespmem:s6+$0x5100] =	vst v1;
	v1 =	vpop (erf)  }
0xd1: {  	[tilespmem:s8+$0x5100] =	vst v1;
	v1 =	vpop (erf)  }
0xd2: {  	[tilespmem:s9+$0x5100] =	vst v1  }
0xd3: {  	[spmem:s2] =	stream.indirect.scatter.add.f32 [tilespmem:s23], [sflag:$0x3], $0x80, s3, s26, $0xb8;
	[tilespmem:$0x1E180] =	vst v63  }
0xd4: {  	_ =	swait.ge [sflag:s0], $0x2800  }
0xd5: {  	[sflag:s0] =	ssyncset.done $0x0  }
0xd6: {  	[sflag:s0] =	ssyncadd.s32 $0xFFFFD800  }
0xd7: {  	s14 =	stileid.u32;
	_ =	swait.ge [sflag:s21], $0x2800  }
0xd8: {  	s15 =	sshrl.u32 s7, $0x3;
	s1 =	sadd.s32 $0x1, s1;
	[sflag:s21] =	ssyncset.done $0x0  }
0xd9: {  	p0 =	sne.s32 s1, s19;
	s6 =	sshll.u32 s14, $0x6;
	[sflag:s21] =	ssyncadd.s32 $0xFFFFD800  }
.Ltmp5:
0xda: {  	s6 =	sor.u32 $0x1C05, s6;
	[bflag:$0x0] =	sbarrier.arrive $0xFFFF;
	(pc) =	sbr.rel @p0 .LBB2_1-.Ltmp5, $4  }
0xdb: {  	[hbm:s20], [sflag:s6] =	dma.local [spmem:s15], $0x2800  }
0xdc: {  	_ =	swait.ge [sflag:s22], $0x2800  }
0xdd: {  	[sflag:s22] =	ssyncset.done $0x0  }
0xde: {  	[sflag:s22] =	ssyncadd.s32 $0xFFFFD800  }
0xdf: {  	_ =	sfence.sel $0x180000  }
0xe0: {  	[bflag:$0x0] =	sbarrier.arrive $0xFFFF  }
0xe1: {  	_ =	strace $0x9000004A  }
0xe2: {  	s0 =	stileid.u32;
	[bflag:$0x2] =	sbarrier.arrive $0xFFFF  }
0xe3: {  	p0 =	sne.s32 s0, $0x0;
	s0 =	rddreg [dreg:$0x2]  }
0xe4: {  	s0 =	sadd.s32 @!p0 $0x100000, s0  }
0xe5: {  	[sflag:s0] =	ssyncadd.tile.s32 @!p0 $0x1;
	_ =	shalt  }
.Lfunc_end2:
_tile_overlayer_lowered:
.L_overlay_start_2:
0xe6: {  	(tag) =	ssettag $0x2  }
0xe7: {  	s0 =	rddreg [dreg:$0x0];
	s2 =	stileid.u32  }
0xe8: {  	s1 =	rddreg [dreg:$0x1];
	p0 =	sne.s32 s2, $0x0  }
0xe9: {  	s3 =	rddreg [dreg:$0x2];
	[bflag:$0x3] =	sbarrier.arrive $0xFFFF;
	s2 =	simm.s32 @!p0 $0x1C05  }
0xea: {  	[timem:s3], [sflag:s2] =	dma.local @!p0 [hbm:s0], s1  }
0xeb: {  	s0 =	simm.s32 @!p0 $0x5  }
0xec: {  	_ =	swait.ge @!p0 [sflag:s0], s1  }
0xed: {  	s1 =	ssub.s32 @!p0 $0x0, s1;
	[sflag:s0] =	ssyncset.done @!p0 $0x0  }
0xee: {  	[sflag:s0] =	ssyncadd.s32 @!p0 s1  }
0xef: {  	[bflag:$0x3] =	sbarrier.arrive $0xFFFF  }
0xf0: {  	_ =	shalt  }

// kernel: kernel.8.cloned.1.call-start
scs
__scs_entry_jumppad:
0x0: {  	(pc) =	sbr.rel $0x88, $3  }
0x1: {  	(tag) =	ssettag $0x0;
	lr =	simm.s32 $0x1  }
0x2: {  	[smem:$0x3F96] =	sst lr;
	_ =	strace $0xD0000000  }
0x3: {  	_ = 	snop  }
0x4: {  	_ = 	snop  }
0x5: {  	_ = 	snop  }
0x6: {  	_ = 	snop  }
0x7: {  	_ = 	snop  }
__scs_overlays_trampoline_lowered:
0x8: {  	[smem:$0x3FA5] =	sst s0  }
0x9: {  	[smem:$0x3FA6] =	sst s1  }
0xa: {  	[smem:$0x3FA7] =	sst s2  }
0xb: {  	[smem:$0x3FA8] =	sst s3  }
0xc: {  	[smem:$0x3FA9] =	sst s4  }
0xd: {  	[smem:$0x3FAA] =	sst s5  }
0xe: {  	[smem:$0x3FAB] =	sst s6  }
0xf: {  	[smem:$0x3FAC] =	sst s7  }
0x10: {  	[smem:$0x3FAD] =	sst s8  }
0x11: {  	[smem:$0x3FAE] =	sst s9;
	s0 =	simm.s32 @!p0 $0x0  }
0x12: {  	s1 =	sld [smem:$0x3F94];
	s0 =	simm.s32 @p0 $0x1  }
0x13: {  	[smem:$0x3FAF] =	sst s0;
	s0 =	simm.s32 @!p1 $0x0  }
0x14: {  	s2 =	sld [smem:$0x3F93];
	s0 =	simm.s32 @p1 $0x1  }
0x15: {  	[smem:$0x3FB0] =	sst s0;
	s0 =	simm.s32 @!p2 $0x0  }
0x16: {  	s3 =	sld [smem:$0x3FDB];
	s0 =	simm.s32 @p2 $0x1  }
0x17: {  	s4 =	simm.s32 $0x1BF5;
	[smem:$0x3FB2] =	sst s0  }
0x18: {  	s0 =	sld [smem:$0x3F95];
	_ =	swait.ge [sflag:s4], $0x0  }
0x19: {  	s7 =	sld [smem:$0x3F96]  }
0x1a: {  	s8 =	sadd.s32 $0xFFFFE003, lr  }
0x1b: {  	s9 =	sadd.s32 $0xFFFFFEF7, lr;
	s5 =	simm.s32 $0xFFFFFFFF;
	p2 =	slt.u32 s8, $0xFFFFF086  }
0x1c: {  	p1 =	slt.u32 s9, $0xF7A;
	s5 =	simm.s32 @!p2 $0x0  }
0x1d: {  	s5 =	simm.s32 @p1 $0x1;
	p0 =	seq.s32 s7, s2  }
0x1e: {  	s7 =	smul.u32 @!p0 $0xF7A, s2;
	p2 =	seq.s32 @!p0 s5, $0x0  }
0x1f: {  	s9 =	smul.u32 $0xF7A, s1;
	s8 =	simm.s32 @!p0 $0x1BF5;
	p2 =	por !p2, p0  }
0x20: {  	[sflag:s8] =	ssyncset.s32 @!p0 $0xFFFFF086;
	s6 =	sadd.s32 @!p0 s3, s7;
	s7 =	simm.s32 @!p0 $0x108  }
0x21: {  	s3 =	sadd.s32 s3, s9;
	s6 =	sadd.s32 @!p0 $0x88, s6;
	s7 =	simm.s32 @p2 $0x1082  }
0x22: {  	[simem:s7], [sflag:s8] =	dma.local @!p0 [hbm:s6], $0xF7A  }
0x23: {  	s9 =	sor.u32 $0xD0000000, s2;
	s6 =	simm.s32 $0x108;
	_ =	swait.ge @!p0 [sflag:s8], $0x0  }
0x24: {  	s3 =	sadd.s32 $0x88, s3;
	s6 =	simm.s32 @!p1 $0x1082;
	[sflag:s4] =	ssyncset.s32 $0xFFFFF086  }
0x25: {  	[simem:s6], [sflag:s4] =	dma.local [hbm:s3], $0xF7A  }
0x26: {  	[smem:$0x3F96] =	sst s1;
	(tag) =	ssettag s2;
	_ =	strace s9  }
0x27: {  	s1 =	sld [smem:$0x3FA6]  }
0x28: {  	s2 =	sld [smem:$0x3FA7]  }
0x29: {  	s4 =	sld [smem:$0x3FA9]  }
0x2a: {  	p0 =	seq.s32 s5, $0x0;
	s5 =	sld [smem:$0x3FAA]  }
0x2b: {  	s6 =	sld [smem:$0x3FAB]  }
0x2c: {  	s7 =	sld [smem:$0x3FAC]  }
0x2d: {  	s3 =	simm.s32 $0x108;
	s8 =	sld [smem:$0x3FAD]  }
0x2e: {  	s3 =	simm.s32 @!p0 $0x1082;
	s9 =	sld [smem:$0x3FAE]  }
0x2f: {  	lr =	sadd.s32 s0, s3;
	s0 =	sld [smem:$0x3FA5]  }
0x30: {  	s3 =	sld [smem:$0x3FA8]  }
0x31: {  	[smem:$0x3FB1] =	sst s10  }
0x32: {  	s10 =	sld [smem:$0x3FAF];
	_ =	sdelay $0x3  }
0x33: {  	p0 =	seq.s32 s10, $0x1;
	s10 =	sld [smem:$0x3FB1];
	_ =	sdelay $0x3  }
0x34: {  	[smem:$0x3FB1] =	sst s10  }
0x35: {  	s10 =	sld [smem:$0x3FB0];
	_ =	sdelay $0x3  }
0x36: {  	p1 =	seq.s32 s10, $0x1;
	s10 =	sld [smem:$0x3FB1];
	_ =	sdelay $0x3  }
0x37: {  	[smem:$0x3FB1] =	sst s10  }
0x38: {  	s10 =	sld [smem:$0x3FB2]  }
0x39: {  	_ = 	snop;
	(pc) =	sbr.ind lr, $3  }
0x3a: {  	_ = 	snop  }
0x3b: {  	_ = 	snop  }
0x3c: {  	p2 =	seq.s32 s10, $0x1;
	s10 =	sld [smem:$0x3FB1]  }
0x3d: {  	_ =	shalt  }
0x3e: {  	_ =	shalt  }
0x3f: {  	_ =	shalt  }
0x40: {  	_ =	shalt  }
0x41: {  	_ =	shalt  }
0x42: {  	_ =	shalt  }
0x43: {  	_ =	shalt  }
0x44: {  	_ =	shalt  }
0x45: {  	_ =	shalt  }
0x46: {  	_ =	shalt  }
0x47: {  	_ =	shalt  }
0x48: {  	_ =	shalt  }
0x49: {  	_ =	shalt  }
0x4a: {  	_ =	shalt  }
0x4b: {  	_ =	shalt  }
0x4c: {  	_ =	shalt  }
0x4d: {  	_ =	shalt  }
0x4e: {  	_ =	shalt  }
0x4f: {  	_ =	shalt  }
0x50: {  	_ =	shalt  }
0x51: {  	_ =	shalt  }
0x52: {  	_ =	shalt  }
0x53: {  	_ =	shalt  }
0x54: {  	_ =	shalt  }
0x55: {  	_ =	shalt  }
0x56: {  	_ =	shalt  }
0x57: {  	_ =	shalt  }
0x58: {  	_ =	shalt  }
0x59: {  	_ =	shalt  }
0x5a: {  	_ =	shalt  }
0x5b: {  	_ =	shalt  }
0x5c: {  	_ =	shalt  }
0x5d: {  	_ =	shalt  }
0x5e: {  	_ =	shalt  }
0x5f: {  	_ =	shalt  }
0x60: {  	_ =	shalt  }
0x61: {  	_ =	shalt  }
0x62: {  	_ =	shalt  }
0x63: {  	_ =	shalt  }
0x64: {  	_ =	shalt  }
0x65: {  	_ =	shalt  }
0x66: {  	_ =	shalt  }
0x67: {  	_ =	shalt  }
0x68: {  	_ =	shalt  }
0x69: {  	_ =	shalt  }
0x6a: {  	_ =	shalt  }
0x6b: {  	_ =	shalt  }
0x6c: {  	_ =	shalt  }
0x6d: {  	_ =	shalt  }
0x6e: {  	_ =	shalt  }
0x6f: {  	_ =	shalt  }
0x70: {  	_ =	shalt  }
0x71: {  	_ =	shalt  }
0x72: {  	_ =	shalt  }
0x73: {  	_ =	shalt  }
0x74: {  	_ =	shalt  }
0x75: {  	_ =	shalt  }
0x76: {  	_ =	shalt  }
0x77: {  	_ =	shalt  }
0x78: {  	_ =	shalt  }
0x79: {  	_ =	shalt  }
0x7a: {  	_ =	shalt  }
0x7b: {  	_ =	shalt  }
0x7c: {  	_ =	shalt  }
0x7d: {  	_ =	shalt  }
0x7e: {  	_ =	shalt  }
0x7f: {  	_ =	shalt  }
0x80: {  	_ =	shalt  }
0x81: {  	_ =	shalt  }
0x82: {  	_ =	shalt  }
0x83: {  	_ =	shalt  }
0x84: {  	_ =	shalt  }
0x85: {  	_ =	shalt  }
0x86: {  	_ =	shalt  }
0x87: {  	_ =	shalt  }
.Lfunc_end0:
.L_simem_size_0:
called_computation_lowered:
.L_overlay_start_0:
0x88: {  	s2 =	sld [smem:$0x3FD9]  }
0x89: {  	s3 =	sld [smem:$0x3FFE];
	_ =	sdelay $0x1  }
0x8a: {  	s1 =	srdreg.scid  }
0x8b: {  	s0 =	sand.u32 $0x1, s1  }
0x8c: {  	s16 =	sshll.u32 s0, $0xA;
	s2 =	sadd.s32 s3, s2  }
0x8d: {  	s2 =	sadd.s32 s2, s16  }
0x8e: {  	[smem:$0x3FBD] =	sst s2  }
0x8f: {  	_ = 	snop  }
0x90: {  	(tm) =	ssettm $0x1  }
0x91: {  	s17 =	sld [smem:$0x3FFB];
	_ =	sdelay $0x3  }
0x92: {  	_ =	strace s17  }
0x93: {  	s2 =	sld [smem:$0x3FFC];
	_ =	sdelay $0x3  }
0x94: {  	_ =	strace s2  }
0x95: {  	s2 =	sld [smem:$0x3FFD];
	_ =	sdelay $0x3  }
0x96: {  	_ =	strace s2  }
0x97: {  	_ =	strace $0x8FFFFFFF  }
0x98: {  	s18 =	sld [smem:$0x3FDB];
	_ =	sdelay $0x1  }
0x99: {  	s19 =	simm.s32 $_scs_section_size  }
0x9a: {  	s4 =	simm.s32 $_size__tile_overlayer_lowered;
	s5 =	simm.s32 $_tile_overlayer_lowered  }
0x9b: {  	s22 =	simm.s32 $0x1BFF;
	s21 =	sshll.u32 s5, $0x1;
	s2 =	sadd.s32 s19, s18  }
0x9c: {  	s6 =	simm.s32 $0x0;
	s20 =	sshll.u32 s4, $0x1;
	s4 =	sadd.s32 s21, s2  }
0x9d: {  	[timem:s6], [sflag:s22] =	dma.local [hbm:s4], s20  }
0x9e: {  	_ =	swait.ge [sflag:s22], s20  }
0x9f: {  	s3 =	ssub.s32 $0x0, s20;
	[sflag:s22] =	ssyncset.done $0x0  }
0xa0: {  	[sflag:s22] =	ssyncadd.s32 s3;
	_ =	sdelay $0x1  }
0xa1: {  	s23 =	simm.s32 $0x1B8B  }
0xa2: {  	_ =	swait.ge [sflag:s23], $0x1  }
0xa3: {  	[sflag:s23] =	ssyncset.done $0x0  }
0xa4: {  	s25 =	simm.s32 $0x1B8E;
	s24 =	sld [smem:$0x3FFE];
	[sflag:s23] =	ssyncadd.s32 $0xFFFFFFFF  }
0xa5: {  	s26 =	simm.s32 $execute0_lowered;
	[smem:$0x3FD2] =	sst s25  }
0xa6: {  	s4 =	sshll.u32 s26, $0x1;
	_ =	strace $0x80000046;
	[dreg:$0x1] =	wrdreg $0xFFFFFFFF  }
0xa7: {  	s28 =	simm.s32 $_size_execute0_lowered;
	s2 =	sadd.s32 s2, s4;
	[dreg:$0x0] =	wrdreg $0x0  }
0xa8: {  	s4 =	sshll.u32 s28, $0x1;
	[dreg:$0x2] =	wrdreg s2  }
0xa9: {  	[dreg:$0x3] =	wrdreg s4  }
0xaa: {  	[dreg:$0x4] =	wrdreg $0xC0  }
0xab: {  	_ =	task [dreg:s6], $0x5FFFF  }
0xac: {  	[dreg:$0x1] =	wrdreg $0xFFFFFFFF  }
0xad: {  	[dreg:$0x0] =	wrdreg $0x60  }
0xae: {  	[dreg:$0x2] =	wrdreg s24  }
0xaf: {  	[dreg:$0x3] =	wrdreg $0x9  }
0xb0: {  	_ =	task.clear_ibuf [dreg:s6], $0x4FFFF;
	_ =	strace $0x90000046  }
0xb1: {  	s29 =	simm.s32 $0x9;
	_ =	strace $0x80000048  }
0xb2: {  	_ =	swait.ge [sflag:s29], $0x1  }
0xb3: {  	[sflag:s29] =	ssyncadd.s32 $0xFFFFFFFF  }
0xb4: {  	_ =	strace $0x90000048  }
0xb5: {  	_ =	sfence  }
0xb6: {  	s30 =	sld [smem:$0x0];
	_ =	sdelay $0x2  }
0xb7: {  	s31 =	sshll.u32 s1, $0xD;
	s1 =	sshrl.u32 s1, $0x2  }
0xb8: {  	s3 =	sand.u32 $0x4000, s31;
	s1 =	sadd.s32 s1, s30  }
0xb9: {  	s0 =	sor.u32 s3, s0;
	s1 =	sshll.u32 s1, $0x11  }
0xba: {  	s0 =	sor.u32 s1, s0  }
0xbb: {  	s0 =	sadd.s32 $0x8F2B, s0  }
0xbc: {  	[sflag:s0] =	ssyncadd.remote.s32 $0x1  }
0xbd: {  	_ =	sfence.sel $0xFFFF  }
0xbe: {  	[dreg:$0x0] =	wrdreg $0xFFFFFFFF;
	(pc) =	sbr.abs _section_cstart, $3  }
0xbf: {  	[dreg:$0x1] =	wrdreg $0xFFFFFFFF  }
0xc0: {  	_ =	task.clear_ibuf [dreg:s6], $0x2FFFF;
	_ =	strace $0x9FFFFFFF  }
0xc1: {  	(tm) =	ssettm $0x7FFFFFFF  }
tec
execute0_lowered:
.L_overlay_start_1:
0x0: {  	(tag) =	ssettag $0x1  }
0x1: {  	s0 =	rddreg [dreg:$0x0];
	s2 =	simm.s32 $0x0  }
0x2: {  	s1 =	srdreg.scid;
	s3 =	stileid.u32;
	s18 =	simm.s32 $0x100  }
0x3: {  	s19 =	simm.s32 $0x80;
	s20 =	simm.s32 $0x180;
	s21 =	simm.s32 $0x1  }
0x4: {  	s28 =	simm.s32 $0x2A00;
	s29 =	simm.s32 $0x7A00;
	s30 =	simm.s32 $0x4  }
0x5: {  	s31 =	simm.s32 $0x5;
	[smem:$0x7FF] =	sst s2;
	s1 =	sand.u32 $0x1, s1  }
0x6: {  	s5 =	sshll.u32 s3, $0x1;
	s3 =	sadd.s32 $0x17000, s0;
	s4 =	sadd.s32 $0x3E200, s0  }
0x7: {  	s7 =	sadd.s32 $0xD200, s0;
	s8 =	sadd.s32 $0x65400, s0;
	s10 =	sor.u32 s1, s5  }
0x8: {  	_ =	strace $0x80000047;
	s1 =	ssub.s32 $0x2, s1;
	s6 =	smul.u32 $0x2710, s10  }
0x9: {  	s5 =	sadd.s32 $0x3400, s0;
	s22 =	sshrl.u32 s1, $0x1;
	s10 =	smul.u32 $0x138800, s10  }
0xa: {  	s0 =	ssub.s32 s1, s22;
	s22 =	simm.s32 $0x50;
	s11 =	sshrl.u32 s6, $0x3  }
0xb: {  	s9 =	sadd.s32 $0x50, s6;
	s10 =	sshrl.u32 s10, $0x3;
	s14 =	sadd.s32 $0xA0, s6  }
0xc: {  	s15 =	sadd.s32 $0xF0, s6;
	s0 =	smax.u32 s0, $0x1;
	s23 =	sadd.s32 s5, s11  }
0xd: {  	s24 =	sshrl.u32 s9, $0x3;
	s11 =	sadd.s32 s7, s11;
	[dreg:$0x7] =	wrdreg s0  }
0xe: {  	s26 =	sadd.s32 s8, s10;
	s0 =	simm.s32 $0x6;
	[dreg:$0x2] =	wrdreg s23  }
0xf: {  	[dreg:$0x3] =	wrdreg s11;
	s25 =	sadd.s32 s5, s24;
	s1 =	sadd.s32 s7, s24  }
0x10: {  	s23 =	simm.s32 $0x200;
	s24 =	simm.s32 $0x5200;
	[dreg:$0x4] =	wrdreg s25  }
0x11: {  	[dreg:$0x5] =	wrdreg s1;
	s1 =	sadd.s32 $0x26C00, s26;
	s25 =	simm.s32 $0x3  }
0x12: {  	s26 =	simm.s32 $0x2;
	[dreg:$0x6] =	wrdreg s1;
	s1 =	simm.s32 $0x0  }
.LBB2_1:
0x13: {  	s10 =	rddreg [dreg:$0x2]  }
0x14: {  	[tilespmem:s2], [sflag:$0x1] =	stream.linear.gather [hbm4b:s10+s2], $0x50, $0x38;
	[tilespmem:$0xA200] =	vst v63  }
0x15: {  	s13 =	rddreg [dreg:$0x3]  }
0x16: {  	[tilespmem:s18], [sflag:$0x1] =	stream.linear.gather [hbm4b:s13+s2], $0x50, $0x38;
	[tilespmem:$0xA200] =	vst v63  }
0x17: {  	s16 =	rddreg [dreg:$0x4]  }
0x18: {  	[tilespmem:s19], [sflag:$0x2] =	stream.linear.gather [hbm4b:s16+s2], $0x50, $0x38;
	[tilespmem:$0xA200] =	vst v63  }
0x19: {  	s17 =	rddreg [dreg:$0x5];
	s10 =	simm.s32 $0x0  }
0x1a: {  	[tilespmem:s20], [sflag:$0x2] =	stream.linear.gather [hbm4b:s17+s2], $0x50, $0x38;
	[tilespmem:$0xA200] =	vst v63  }
.LBB2_2:
0x1b: {  	_ =	swait.ge [sflag:s21], $0x50  }
0x1c: {  	[sflag:s21] =	ssyncset.done $0x0  }
0x1d: {  	[sflag:s21] =	ssyncadd.s32 $0xFFFFFFB0  }
0x1e: {  	_ =	swait.ge [sflag:s21], $0x50  }
0x1f: {  	p0 =	seq.s32 s10, $0x0;
	[sflag:s21] =	ssyncset.done $0x0  }
0x20: {  	s11 =	simm.s32 @!p0 $0x5;
	[sflag:s21] =	ssyncadd.s32 $0xFFFFFFB0  }
0x21: {  	_ =	swait.ge @!p0 [sflag:s11], $0x2800  }
0x22: {  	[sflag:s11] =	ssyncset.done @!p0 $0x0  }
0x23: {  	s17 =	simm.s32 $0x0;
	[sflag:s11] =	ssyncadd.s32 @!p0 $0xFFFFD800  }
0x24: {  	[tilespmem:s23], [sflag:$0x3] =	stream.indirect.gather [hbm4b:s3+s22], $0x80, s17, s22, $0xb8;
	[tilespmem:$0xA200] =	vst v63  }
0x25: {  	_ = 	snop  }
0x26: {  	[tilespmem:s24], [sflag:$0x3] =	stream.indirect.gather [hbm4b:s4+s22], $0x80, s18, s22, $0xb8;
	[tilespmem:$0xA200] =	vst v63  }
0x27: {  	_ =	swait.ge [sflag:s25], $0x2800  }
0x28: {  	[sflag:s25] =	ssyncset.done $0x0  }
0x29: {  	[sflag:s25] =	ssyncadd.s32 $0xFFFFD800  }
0x2a: {  	_ =	swait.ge [sflag:s25], $0x2800  }
0x2b: {  	[sflag:s25] =	ssyncset.done $0x0  }
0x2c: {  	s12 =	simm.s32 $0x0;
	[sflag:s25] =	ssyncadd.s32 $0xFFFFD800  }
0x2d: {  	v7 =	vld [tilespmem:s12+$0x5200]  }
0x2e: {  	v11 =	vld [tilespmem:s12+$0x5210]  }
0x2f: {  	v5 =	vld [tilespmem:s12+$0x5220]  }
0x30: {  	v4 =	vld [tilespmem:s12+$0x5230]  }
0x31: {  	v3 =	vld [tilespmem:s12+$0x5240]  }
0x32: {  	v2 =	vld [tilespmem:s12+$0x5250]  }
0x33: {  	v1 =	vld [tilespmem:s12+$0x5260]  }
0x34: {  	v0 =	vld [tilespmem:s12+$0x5270]  }
0x35: {  	v12 =	vld [tilespmem:s12+$0x200]  }
0x36: {  	v13 =	vld [tilespmem:s12+$0x210]  }
0x37: {  	v10 =	vld [tilespmem:s12+$0x220]  }
0x38: {  	v9 =	vld [tilespmem:s12+$0x230]  }
0x39: {  	s11 =	smul.u32 $0xA0, s10;
	v8 =	vld [tilespmem:s12+$0x240]  }
0x3a: {  	v6 =	vld [tilespmem:s12+$0x250];
	v12 =	vadd.f32 v7, v12  }
0x3b: {  	s16 =	simm.s32 $0x200;
	s13 =	sadd.s32 s6, s11;
	v11 =	vadd.f32 v11, v13;
	v7 =	vld [tilespmem:s12+$0x260]  }
.LBB2_3:
0x3c: {  	s17 =	sshra.s32 s16, $0x2;
	p1 =	sne.s32 s16, $0x9E00;
	[tilespmem:s12+$0x200] =	vst v12;
	v5 =	vadd.f32 v5, v10;
	v10 =	vld [tilespmem:s12+$0x270]  }
0x3d: {  	v12 =	vld [tilespmem:s17+$0x5200];
	[tilespmem:s12+$0x210] =	vst v11;
	v4 =	vadd.f32 v4, v9  }
0x3e: {  	v11 =	vld [tilespmem:s17+$0x5210];
	[tilespmem:s12+$0x220] =	vst v5;
	v3 =	vadd.f32 v3, v8  }
0x3f: {  	v5 =	vld [tilespmem:s17+$0x5220];
	[tilespmem:s12+$0x230] =	vst v4;
	v2 =	vadd.f32 v2, v6  }
0x40: {  	v4 =	vld [tilespmem:s17+$0x5230];
	[tilespmem:s12+$0x240] =	vst v3;
	v1 =	vadd.f32 v1, v7  }
0x41: {  	v3 =	vld [tilespmem:s17+$0x5240];
	[tilespmem:s12+$0x250] =	vst v2;
	v0 =	vadd.f32 v0, v10  }
0x42: {  	v2 =	vld [tilespmem:s17+$0x5250];
	[tilespmem:s12+$0x260] =	vst v1  }
0x43: {  	v1 =	vld [tilespmem:s17+$0x5260];
	[tilespmem:s12+$0x270] =	vst v0;
	s12 =	smov.u32 s17  }
0x44: {  	v0 =	vld [tilespmem:s12+$0x5270]  }
0x45: {  	v6 =	vld [tilespmem:s12+$0x200]  }
0x46: {  	v7 =	vld [tilespmem:s12+$0x210]  }
.Ltmp0:
0x47: {  	v10 =	vld [tilespmem:s12+$0x220];
	(pc) =	sbr.rel @p1 .LBB2_3-.Ltmp0, $4  }
0x48: {  	v9 =	vld [tilespmem:s12+$0x230]  }
0x49: {  	v8 =	vld [tilespmem:s12+$0x240]  }
0x4a: {  	v12 =	vadd.f32 v12, v6;
	v6 =	vld [tilespmem:s12+$0x250]  }
0x4b: {  	s16 =	sadd.s32 $0x200, s16;
	v11 =	vadd.f32 v11, v7;
	v7 =	vld [tilespmem:s12+$0x260]  }
0x4c: {  	[tilespmem:s12+$0x200] =	vst v12;
	v5 =	vadd.f32 v5, v10;
	v10 =	vld [tilespmem:s12+$0x270]  }
0x4d: {  	[tilespmem:s12+$0x210] =	vst v11;
	v4 =	vadd.f32 v4, v9  }
0x4e: {  	[tilespmem:s12+$0x220] =	vst v5;
	v3 =	vadd.f32 v3, v8  }
0x4f: {  	[tilespmem:s12+$0x230] =	vst v4;
	v2 =	vadd.f32 v2, v6  }
0x50: {  	[tilespmem:s12+$0x240] =	vst v3;
	v1 =	vadd.f32 v1, v7  }
0x51: {  	[tilespmem:s12+$0x250] =	vst v2;
	v0 =	vadd.f32 v0, v10  }
0x52: {  	s13 =	sshll.u32 s13, $0x4;
	s16 =	sadd.s32 s11, s14;
	[tilespmem:s12+$0x260] =	vst v1  }
0x53: {  	s13 =	sadd.s32 s8, s13;
	[tilespmem:s12+$0x270] =	vst v0;
	s12 =	sshrl.u32 s16, $0x3  }
0x54: {  	[hbm4b:s13+s2] =	stream.linear.scatter [tilespmem:s23], [sflag:$0x5], $0x2800, $0x38;
	[tilespmem:$0xA200] =	vst v63  }
0x55: {  	s17 =	sadd.s32 s5, s12  }
0x56: {  	[tilespmem:s2], [sflag:$0x1] =	stream.linear.gather [hbm4b:s17+s2], $0x50, $0x38;
	[tilespmem:$0xA200] =	vst v63  }
0x57: {  	s12 =	sadd.s32 s7, s12  }
0x58: {  	[tilespmem:s18], [sflag:$0x1] =	stream.linear.gather [hbm4b:s12+s2], $0x50, $0x38;
	[tilespmem:$0xA200] =	vst v63  }
0x59: {  	_ =	swait.ge [sflag:s26], $0x50  }
0x5a: {  	[sflag:s26] =	ssyncset.done $0x0  }
0x5b: {  	[sflag:s26] =	ssyncadd.s32 $0xFFFFFFB0  }
0x5c: {  	_ =	swait.ge [sflag:s26], $0x50  }
0x5d: {  	[sflag:s26] =	ssyncset.done $0x0  }
0x5e: {  	s12 =	simm.s32 @!p0 $0x6;
	[sflag:s26] =	ssyncadd.s32 $0xFFFFFFB0  }
0x5f: {  	_ =	swait.ge @!p0 [sflag:s12], $0x2800  }
0x60: {  	[sflag:s12] =	ssyncset.done @!p0 $0x0  }
0x61: {  	[sflag:s12] =	ssyncadd.s32 @!p0 $0xFFFFD800  }
0x62: {  	[tilespmem:s28], [sflag:$0x4] =	stream.indirect.gather [hbm4b:s3+s22], $0x80, s19, s22, $0xb8;
	[tilespmem:$0xA200] =	vst v63  }
0x63: {  	_ = 	snop  }
0x64: {  	[tilespmem:s29], [sflag:$0x4] =	stream.indirect.gather [hbm4b:s4+s22], $0x80, s20, s22, $0xb8;
	[tilespmem:$0xA200] =	vst v63  }
0x65: {  	_ =	swait.ge [sflag:s30], $0x2800  }
0x66: {  	[sflag:s30] =	ssyncset.done $0x0  }
0x67: {  	[sflag:s30] =	ssyncadd.s32 $0xFFFFD800  }
0x68: {  	_ =	swait.ge [sflag:s30], $0x2800  }
0x69: {  	[sflag:s30] =	ssyncset.done $0x0  }
0x6a: {  	s12 =	simm.s32 $0x0;
	[sflag:s30] =	ssyncadd.s32 $0xFFFFD800  }
0x6b: {  	v7 =	vld [tilespmem:s12+$0x7A00]  }
0x6c: {  	v11 =	vld [tilespmem:s12+$0x7A10]  }
0x6d: {  	v5 =	vld [tilespmem:s12+$0x7A20]  }
0x6e: {  	v4 =	vld [tilespmem:s12+$0x7A30]  }
0x6f: {  	v3 =	vld [tilespmem:s12+$0x7A40]  }
0x70: {  	v2 =	vld [tilespmem:s12+$0x7A50]  }
0x71: {  	v1 =	vld [tilespmem:s12+$0x7A60]  }
0x72: {  	v0 =	vld [tilespmem:s12+$0x7A70]  }
0x73: {  	v12 =	vld [tilespmem:s12+$0x2A00]  }
0x74: {  	v13 =	vld [tilespmem:s12+$0x2A10]  }
0x75: {  	v10 =	vld [tilespmem:s12+$0x2A20]  }
0x76: {  	v9 =	vld [tilespmem:s12+$0x2A30]  }
0x77: {  	v8 =	vld [tilespmem:s12+$0x2A40]  }
0x78: {  	v6 =	vld [tilespmem:s12+$0x2A50];
	v12 =	vadd.f32 v7, v12  }
0x79: {  	s16 =	simm.s32 $0x200;
	s13 =	sadd.s32 s11, s9;
	v11 =	vadd.f32 v11, v13;
	v7 =	vld [tilespmem:s12+$0x2A60]  }
.LBB2_5:
0x7a: {  	s17 =	sshra.s32 s16, $0x2;
	p0 =	sne.s32 s16, $0x9E00;
	[tilespmem:s12+$0x2A00] =	vst v12;
	v5 =	vadd.f32 v5, v10;
	v10 =	vld [tilespmem:s12+$0x2A70]  }
0x7b: {  	v12 =	vld [tilespmem:s17+$0x7A00];
	[tilespmem:s12+$0x2A10] =	vst v11;
	v4 =	vadd.f32 v4, v9  }
0x7c: {  	v11 =	vld [tilespmem:s17+$0x7A10];
	[tilespmem:s12+$0x2A20] =	vst v5;
	v3 =	vadd.f32 v3, v8  }
0x7d: {  	v5 =	vld [tilespmem:s17+$0x7A20];
	[tilespmem:s12+$0x2A30] =	vst v4;
	v2 =	vadd.f32 v2, v6  }
0x7e: {  	v4 =	vld [tilespmem:s17+$0x7A30];
	[tilespmem:s12+$0x2A40] =	vst v3;
	v1 =	vadd.f32 v1, v7  }
0x7f: {  	v3 =	vld [tilespmem:s17+$0x7A40];
	[tilespmem:s12+$0x2A50] =	vst v2;
	v0 =	vadd.f32 v0, v10  }
0x80: {  	v2 =	vld [tilespmem:s17+$0x7A50];
	[tilespmem:s12+$0x2A60] =	vst v1  }
0x81: {  	v1 =	vld [tilespmem:s17+$0x7A60];
	[tilespmem:s12+$0x2A70] =	vst v0;
	s12 =	smov.u32 s17  }
0x82: {  	v0 =	vld [tilespmem:s12+$0x7A70]  }
0x83: {  	v6 =	vld [tilespmem:s12+$0x2A00]  }
0x84: {  	v7 =	vld [tilespmem:s12+$0x2A10]  }
.Ltmp1:
0x85: {  	v10 =	vld [tilespmem:s12+$0x2A20];
	(pc) =	sbr.rel @p0 .LBB2_5-.Ltmp1, $4  }
0x86: {  	v9 =	vld [tilespmem:s12+$0x2A30]  }
0x87: {  	v8 =	vld [tilespmem:s12+$0x2A40]  }
0x88: {  	v12 =	vadd.f32 v12, v6;
	v6 =	vld [tilespmem:s12+$0x2A50]  }
0x89: {  	s16 =	sadd.s32 $0x200, s16;
	v11 =	vadd.f32 v11, v7;
	v7 =	vld [tilespmem:s12+$0x2A60]  }
0x8a: {  	[tilespmem:s12+$0x2A00] =	vst v12;
	v5 =	vadd.f32 v5, v10;
	v63 =	vld [tilespmem:s12+$0x2A70]  }
0x8b: {  	[tilespmem:s12+$0x2A10] =	vst v11;
	v4 =	vadd.f32 v4, v9  }
0x8c: {  	[tilespmem:s12+$0x2A20] =	vst v5;
	v3 =	vadd.f32 v3, v8  }
0x8d: {  	p0 =	seq.s32 s10, $0x3D;
	[tilespmem:s12+$0x2A30] =	vst v4;
	v2 =	vadd.f32 v2, v6  }
.Ltmp2:
0x8e: {  	[tilespmem:s12+$0x2A40] =	vst v3;
	v1 =	vadd.f32 v1, v7;
	(pc) =	sbr.rel @p0 .LBB2_8-.Ltmp2, $4  }
0x8f: {  	[tilespmem:s12+$0x2A50] =	vst v2;
	v0 =	vadd.f32 v0, v63  }
0x90: {  	s13 =	sshll.u32 s13, $0x4;
	[tilespmem:s12+$0x2A60] =	vst v1  }
0x91: {  	s17 =	sadd.s32 s8, s13;
	[tilespmem:s12+$0x2A70] =	vst v0  }
0x92: {  	[hbm4b:s17+s2] =	stream.linear.scatter [tilespmem:s28], [sflag:$0x6], $0x2800, $0x38;
	[tilespmem:$0xA200] =	vst v63  }
0x93: {  	s11 =	sadd.s32 s11, s15  }
.Ltmp3:
0x94: {  	s11 =	sshrl.u32 s11, $0x3;
	(pc) =	sbr.rel .LBB2_2-.Ltmp3, $4  }
0x95: {  	s12 =	sadd.s32 s5, s11  }
0x96: {  	[tilespmem:s19], [sflag:$0x2] =	stream.linear.gather [hbm4b:s12+s2], $0x50, $0x38;
	[tilespmem:$0xA200] =	vst v63  }
0x97: {  	s10 =	sadd.s32 $0x1, s10;
	s11 =	sadd.s32 s7, s11  }
0x98: {  	[tilespmem:s20], [sflag:$0x2] =	stream.linear.gather [hbm4b:s11+s2], $0x50, $0x38;
	[tilespmem:$0xA200] =	vst v63  }
.LBB2_8:
0x99: {  	_ =	swait.ge [sflag:s21], $0x50  }
0x9a: {  	[sflag:s21] =	ssyncset.done $0x0  }
0x9b: {  	[sflag:s21] =	ssyncadd.s32 $0xFFFFFFB0  }
0x9c: {  	_ =	swait.ge [sflag:s21], $0x50  }
0x9d: {  	[sflag:s21] =	ssyncset.done $0x0  }
0x9e: {  	[sflag:s21] =	ssyncadd.s32 $0xFFFFFFB0  }
0x9f: {  	_ =	swait.ge [sflag:s31], $0x2800  }
0xa0: {  	[sflag:s31] =	ssyncset.done $0x0  }
0xa1: {  	s10 =	simm.s32 $0x0;
	[sflag:s31] =	ssyncadd.s32 $0xFFFFD800  }
0xa2: {  	[tilespmem:s23], [sflag:$0x3] =	stream.indirect.gather [hbm4b:s3+s22], $0x80, s10, s22, $0xb8;
	[tilespmem:$0xA200] =	vst v63  }
0xa3: {  	_ = 	snop  }
0xa4: {  	[tilespmem:s24], [sflag:$0x3] =	stream.indirect.gather [hbm4b:s4+s22], $0x80, s18, s22, $0xb8;
	[tilespmem:$0xA200] =	vst v63  }
0xa5: {  	_ =	swait.ge [sflag:s25], $0x2800  }
0xa6: {  	[sflag:s25] =	ssyncset.done $0x0  }
0xa7: {  	[sflag:s25] =	ssyncadd.s32 $0xFFFFD800  }
0xa8: {  	_ =	swait.ge [sflag:s25], $0x2800  }
0xa9: {  	[sflag:s25] =	ssyncset.done $0x0  }
0xaa: {  	s10 =	simm.s32 $0x0;
	[sflag:s25] =	ssyncadd.s32 $0xFFFFD800  }
0xab: {  	v7 =	vld [tilespmem:s10+$0x5200]  }
0xac: {  	v11 =	vld [tilespmem:s10+$0x5210]  }
0xad: {  	v5 =	vld [tilespmem:s10+$0x5220]  }
0xae: {  	v4 =	vld [tilespmem:s10+$0x5230]  }
0xaf: {  	v3 =	vld [tilespmem:s10+$0x5240]  }
0xb0: {  	v2 =	vld [tilespmem:s10+$0x5250]  }
0xb1: {  	v1 =	vld [tilespmem:s10+$0x5260]  }
0xb2: {  	v0 =	vld [tilespmem:s10+$0x5270]  }
0xb3: {  	v12 =	vld [tilespmem:s10+$0x200]  }
0xb4: {  	v13 =	vld [tilespmem:s10+$0x210]  }
0xb5: {  	v10 =	vld [tilespmem:s10+$0x220]  }
0xb6: {  	v9 =	vld [tilespmem:s10+$0x230]  }
0xb7: {  	v8 =	vld [tilespmem:s10+$0x240]  }
0xb8: {  	v6 =	vld [tilespmem:s10+$0x250];
	v12 =	vadd.f32 v7, v12  }
0xb9: {  	s11 =	simm.s32 $0x200;
	v11 =	vadd.f32 v11, v13;
	v7 =	vld [tilespmem:s10+$0x260]  }
.LBB2_9:
0xba: {  	s12 =	sshra.s32 s11, $0x2;
	p0 =	sne.s32 s11, $0x9E00;
	[tilespmem:s10+$0x200] =	vst v12;
	v5 =	vadd.f32 v5, v10;
	v10 =	vld [tilespmem:s10+$0x270]  }
0xbb: {  	v12 =	vld [tilespmem:s12+$0x5200];
	[tilespmem:s10+$0x210] =	vst v11;
	v4 =	vadd.f32 v4, v9  }
0xbc: {  	v11 =	vld [tilespmem:s12+$0x5210];
	[tilespmem:s10+$0x220] =	vst v5;
	v3 =	vadd.f32 v3, v8  }
0xbd: {  	v5 =	vld [tilespmem:s12+$0x5220];
	[tilespmem:s10+$0x230] =	vst v4;
	v2 =	vadd.f32 v2, v6  }
0xbe: {  	v4 =	vld [tilespmem:s12+$0x5230];
	[tilespmem:s10+$0x240] =	vst v3;
	v1 =	vadd.f32 v1, v7  }
0xbf: {  	v3 =	vld [tilespmem:s12+$0x5240];
	[tilespmem:s10+$0x250] =	vst v2;
	v0 =	vadd.f32 v0, v10  }
0xc0: {  	v2 =	vld [tilespmem:s12+$0x5250];
	[tilespmem:s10+$0x260] =	vst v1  }
0xc1: {  	v1 =	vld [tilespmem:s12+$0x5260];
	[tilespmem:s10+$0x270] =	vst v0;
	s10 =	smov.u32 s12  }
0xc2: {  	v0 =	vld [tilespmem:s10+$0x5270]  }
0xc3: {  	v6 =	vld [tilespmem:s10+$0x200]  }
0xc4: {  	v7 =	vld [tilespmem:s10+$0x210]  }
.Ltmp4:
0xc5: {  	v10 =	vld [tilespmem:s10+$0x220];
	(pc) =	sbr.rel @p0 .LBB2_9-.Ltmp4, $4  }
0xc6: {  	v9 =	vld [tilespmem:s10+$0x230]  }
0xc7: {  	v8 =	vld [tilespmem:s10+$0x240]  }
0xc8: {  	v12 =	vadd.f32 v12, v6;
	v6 =	vld [tilespmem:s10+$0x250]  }
0xc9: {  	s11 =	sadd.s32 $0x200, s11;
	v11 =	vadd.f32 v11, v7;
	v7 =	vld [tilespmem:s10+$0x260]  }
0xca: {  	[tilespmem:s10+$0x200] =	vst v12;
	v5 =	vadd.f32 v5, v10;
	v63 =	vld [tilespmem:s10+$0x270]  }
0xcb: {  	[tilespmem:s10+$0x210] =	vst v11;
	v4 =	vadd.f32 v4, v9  }
0xcc: {  	[tilespmem:s10+$0x220] =	vst v5;
	v3 =	vadd.f32 v3, v8  }
0xcd: {  	[tilespmem:s10+$0x230] =	vst v4;
	v2 =	vadd.f32 v2, v6  }
0xce: {  	[tilespmem:s10+$0x240] =	vst v3;
	v1 =	vadd.f32 v1, v7  }
0xcf: {  	[tilespmem:s10+$0x250] =	vst v2;
	v0 =	vadd.f32 v0, v63  }
0xd0: {  	[tilespmem:s10+$0x260] =	vst v1  }
0xd1: {  	s16 =	rddreg [dreg:$0x6];
	[tilespmem:s10+$0x270] =	vst v0  }
0xd2: {  	[hbm4b:s16+s2] =	stream.linear.scatter [tilespmem:s23], [sflag:$0x5], $0x2800, $0x38;
	[tilespmem:$0xA200] =	vst v63  }
0xd3: {  	_ =	swait.ge [sflag:s31], $0x2800  }
0xd4: {  	[sflag:s31] =	ssyncset.done $0x0  }
0xd5: {  	[sflag:s31] =	ssyncadd.s32 $0xFFFFD800  }
0xd6: {  	_ =	swait.ge [sflag:s0], $0x2800  }
0xd7: {  	s1 =	sadd.s32 $0x1, s1;
	s17 =	rddreg [dreg:$0x7]  }
0xd8: {  	p0 =	sne.s32 s1, s17  }
.Ltmp5:
0xd9: {  	_ = 	snop;
	(pc) =	sbr.rel @p0 .LBB2_1-.Ltmp5, $3  }
0xda: {  	_ =	sdelay $0x1  }
0xdb: {  	[sflag:s0] =	ssyncset.done $0x0  }
0xdc: {  	[sflag:s0] =	ssyncadd.s32 $0xFFFFD800  }
0xdd: {  	_ =	sfence.sel $0x180000  }
0xde: {  	[bflag:$0x0] =	sbarrier.arrive $0xFFFF  }
0xdf: {  	_ =	strace $0x90000047  }
0xe0: {  	s0 =	stileid.u32;
	[bflag:$0x2] =	sbarrier.arrive $0xFFFF  }
0xe1: {  	p0 =	sne.s32 s0, $0x0;
	s0 =	rddreg [dreg:$0x1]  }
0xe2: {  	s0 =	sadd.s32 @!p0 $0x100000, s0  }
0xe3: {  	[sflag:s0] =	ssyncadd.tile.s32 @!p0 $0x1;
	_ =	shalt  }
.Lfunc_end2:
_tile_overlayer_lowered:
.L_overlay_start_2:
0xe4: {  	(tag) =	ssettag $0x2  }
0xe5: {  	s0 =	rddreg [dreg:$0x0];
	s2 =	stileid.u32  }
0xe6: {  	s1 =	rddreg [dreg:$0x1];
	p0 =	sne.s32 s2, $0x0  }
0xe7: {  	s3 =	rddreg [dreg:$0x2];
	[bflag:$0x3] =	sbarrier.arrive $0xFFFF;
	s2 =	simm.s32 @!p0 $0x1C07  }
0xe8: {  	[timem:s3], [sflag:s2] =	dma.local @!p0 [hbm:s0], s1  }
0xe9: {  	s0 =	simm.s32 @!p0 $0x7  }
0xea: {  	_ =	swait.ge @!p0 [sflag:s0], s1  }
0xeb: {  	s1 =	ssub.s32 @!p0 $0x0, s1;
	[sflag:s0] =	ssyncset.done @!p0 $0x0  }
0xec: {  	[sflag:s0] =	ssyncadd.s32 @!p0 s1  }
0xed: {  	[bflag:$0x3] =	sbarrier.arrive $0xFFFF  }
0xee: {  	_ =	shalt  }

</sc_bundles>
